<compile_context>
chip_gen: v7x
topology: tpu7x:2x2x1
jax: 0.10.2.dev20260603
libtpu: 0.0.44.dev20260713+nightly
codegen_flags: <defaults>
</compile_context>

<pallas_src>
import functools

import jax
import jax.numpy as jnp
from jax import lax
from jax.experimental import pallas as pl
from jax.experimental.pallas import tpu as pltpu
from jax.experimental.pallas import tpu_sc as plsc

D_MODEL = 1024
NUM_EXPERT = 8
TOP_K = 2
N_TOKENS = 32768
NOISE_EPS = 0.01

SIZES = (20480, 12288)
OFFS = (0, 20480)
NUM_WORKERS = 32
LANES = 16
BLOCK_T = 2048

_INV_SQRT2 = 0.7071067811865476
_P = 0.47047
_A1 = 0.3480242
_A2 = -0.0958798
_A3 = 0.7478556


def _dense_body(wct_ref, inp_ref, slab_ref):
    logits = lax.dot_general(
        wct_ref[...], inp_ref[...],
        dimension_numbers=(((1,), (1,)), ((), ())),
        preferred_element_type=jnp.float32)
    clean = logits[:NUM_EXPERT, :]
    raw = logits[NUM_EXPERT:, :]
    stddev = jax.nn.softplus(raw) + NOISE_EPS
    slab_ref[...] = jnp.concatenate([clean, stddev], axis=0)


def _cdf(z):
    x = z * _INV_SQRT2
    ax = jnp.abs(x)
    t = 1.0 / (1.0 + _P * ax)
    poly = ((_A3 * t + _A2) * t + _A1) * t
    erf_abs = 1.0 - poly * jnp.exp(-ax * ax)
    erf = jnp.where(x >= 0.0, erf_abs, -erf_abs)
    return 0.5 * (1.0 + erf)


def _route_body(off, chunk, slab_hbm, noise_hbm, idx_hbm, gate_hbm, part_hbm,
                slab_v, noise_v, idx_v, gate_v, part_v):
    groups = chunk // LANES
    wid = lax.axis_index("c") * 16 + lax.axis_index("s")
    pltpu.sync_copy(slab_hbm.at[:, pl.ds(wid * chunk, chunk)], slab_v)
    pltpu.sync_copy(
        noise_hbm.at[:, pl.ds(off + wid * chunk, chunk)], noise_v)

    lane = lax.broadcasted_iota(jnp.int32, (LANES,), 0)
    lane2 = lane + lane
    zeros = jnp.zeros((LANES,), jnp.float32)
    neg = jnp.full((LANES,), -jnp.inf, jnp.float32)

    def body(g, accs):
        sl = pl.ds(g * LANES, LANES)
        clean = [slab_v[e, sl] for e in range(NUM_EXPERT)]
        std = [slab_v[NUM_EXPERT + e, sl] for e in range(NUM_EXPERT)]
        noisy = [clean[e] + std[e] * noise_v[e, sl] for e in range(NUM_EXPERT)]

        big = jnp.full((LANES,), NUM_EXPERT, jnp.int32)

        def argtop(vals):
            v = vals[0]
            for e in range(1, NUM_EXPERT):
                v = jnp.maximum(v, vals[e])
            ix = big
            for e in range(NUM_EXPERT - 1, -1, -1):
                ix = jnp.where(vals[e] == v, jnp.full((LANES,), e, jnp.int32), ix)
            return v, ix

        v1, i1 = argtop(noisy)
        m2 = [jnp.where(i1 == e, neg, noisy[e]) for e in range(NUM_EXPERT)]
        v2, i2 = argtop(m2)
        m3 = [jnp.where(i2 == e, neg, m2[e]) for e in range(NUM_EXPERT)]
        v3 = m3[0]
        for e in range(1, NUM_EXPERT):
            v3 = jnp.maximum(v3, m3[e])

        a = jnp.exp(v2 - v1)
        g1 = 1.0 / (1.0 + a)
        g2 = 1.0 - g1

        pos1 = lane2 + g * (2 * LANES)
        pos2 = pos1 + 1
        plsc.store_scatter(idx_v, [pos1], i1)
        plsc.store_scatter(idx_v, [pos2], i2)
        gate_v[0, sl] = g1
        gate_v[1, sl] = g2

        out = []
        for e in range(NUM_EXPERT):
            inv_std = 1.0 / std[e]
            thr = jnp.where(noisy[e] > v3, v3, v2)
            prob = _cdf((clean[e] - thr) * inv_std)
            imp_e = jnp.where(i1 == e, g1, zeros) + jnp.where(i2 == e, g2, zeros)
            out.append(accs[e] + imp_e)
            out.append(accs[NUM_EXPERT + e] + prob)
        return tuple(out[0::2] + out[1::2])

    init = tuple(zeros for _ in range(2 * NUM_EXPERT))
    accs = lax.fori_loop(0, groups, body, init)

    part = zeros
    for e in range(2 * NUM_EXPERT):
        s = lax.reduce_sum_p.bind(accs[e], axes=(0,))
        part = part + jnp.where(lane == e, jnp.full((LANES,), 1.0) * s, zeros)
    part_v[...] = part

    pltpu.sync_copy(idx_v, idx_hbm.at[pl.ds(wid * TOP_K * chunk, TOP_K * chunk)])
    pltpu.sync_copy(gate_v, gate_hbm.at[:, pl.ds(wid * chunk, chunk)])
    pltpu.sync_copy(part_v, part_hbm.at[wid])


def _loss_body(*refs):
    *part_refs, loss_ref = refs
    tot = sum(jnp.sum(p[...], axis=0, keepdims=True) for p in part_refs)
    imp = tot[:, :NUM_EXPERT]
    load = tot[:, NUM_EXPERT:]

    def cv_sq(x):
        mean = jnp.mean(x, keepdims=True)
        var = jnp.sum((x - mean) ** 2, keepdims=True) / (NUM_EXPERT - 1)
        return var / (mean * mean + 1e-10)

    loss_ref[...] = cv_sq(imp) + cv_sq(load)


def _dense_chunk(wct, inp, off_tok, n_tok):
    grid = n_tok // BLOCK_T
    off = off_tok // BLOCK_T
    return pl.pallas_call(
        _dense_body,
        grid=(grid,),
        in_specs=[
            pl.BlockSpec((2 * NUM_EXPERT, D_MODEL), lambda i: (0, 0)),
            pl.BlockSpec((BLOCK_T, D_MODEL), lambda i: (off + i, 0)),
        ],
        out_specs=pl.BlockSpec((2 * NUM_EXPERT, BLOCK_T), lambda i: (0, i)),
        out_shape=jax.ShapeDtypeStruct((2 * NUM_EXPERT, n_tok), jnp.float32),
    )(wct, inp)


def _route_chunk(slabs, noise_t, off_tok, n_tok):
    chunk = n_tok // NUM_WORKERS
    mesh = plsc.VectorSubcoreMesh(core_axis_name="c", subcore_axis_name="s")
    route = functools.partial(
        pl.kernel,
        mesh=mesh,
        compiler_params=pltpu.CompilerParams(needs_layout_passes=False),
        out_type=[
            jax.ShapeDtypeStruct((TOP_K * n_tok,), jnp.int32),
            jax.ShapeDtypeStruct((TOP_K, n_tok), jnp.float32),
            jax.ShapeDtypeStruct((NUM_WORKERS, LANES), jnp.float32),
        ],
        scratch_types=[
            pltpu.VMEM((2 * NUM_EXPERT, chunk), jnp.float32),
            pltpu.VMEM((NUM_EXPERT, chunk), jnp.float32),
            pltpu.VMEM((TOP_K * chunk,), jnp.int32),
            pltpu.VMEM((TOP_K, chunk), jnp.float32),
            pltpu.VMEM((LANES,), jnp.float32),
        ],
    )(functools.partial(_route_body, off_tok, chunk))
    return route(slabs, noise_t)


@jax.jit
def kernel(inp, w_gate, w_noise, noise):
    wct = jnp.concatenate([w_gate.T, w_noise.T], axis=0)
    noise_t = noise.T

    idxs, gates, parts = [], [], []
    for off, n in zip(OFFS, SIZES):
        slabs = _dense_chunk(wct, inp, off, n)
        idx32, gates32, part = _route_chunk(slabs, noise_t, off, n)
        idxs.append(idx32)
        gates.append(gates32)
        parts.append(part)

    loss = pl.pallas_call(
        _loss_body,
        out_shape=jax.ShapeDtypeStruct((1, 1), jnp.float32),
    )(*parts)

    top_k_indices = jnp.concatenate(idxs)
    gfull = jnp.concatenate(gates, axis=1)
    top_k_gates = gfull.T[:, None, :]
    return top_k_indices, top_k_gates, loss.reshape(())

# --- scband reference (transcript-rebuilt; emitter-appended) ---
"""Pipeline reference for scband-noisy-gate-18167711662082 (READ-ONLY COPY).

The authoritative reference and input builder live on the scoring server;
editing this copy changes nothing except your own understanding.
"""

import jax, jax.numpy as jnp
import numpy as np
from jax.scipy.stats import norm

D_MODEL = 1024
NUM_EXPERT = 8
TOP_K = 2
N_TOKENS = 32768
NOISE_EPS = 0.01


def setup_inputs(seed: int = 0) -> dict:
    key = jax.random.key(seed)
    k1, k2, k3, k4 = jax.random.split(key, 4)
    inp = jax.random.normal(k1, (N_TOKENS, D_MODEL), dtype=jnp.float32)
    # torch init is zeros; use small random weights so top-k is non-degenerate
    w_gate = jax.random.normal(k2, (D_MODEL, NUM_EXPERT), dtype=jnp.float32) * 0.02
    w_noise = jax.random.normal(k3, (D_MODEL, NUM_EXPERT), dtype=jnp.float32) * 0.02
    # torch.randn_like noise sample, materialized for determinism
    noise = jax.random.normal(k4, (N_TOKENS, NUM_EXPERT), dtype=jnp.float32)
    return {"inp": inp, "w_gate": w_gate, "w_noise": w_noise, "noise": noise}


def _cv_squared(x):
    eps = 1e-10
    # torch .var() is unbiased (ddof=1)
    return jnp.var(x, ddof=1) / (jnp.mean(x) ** 2 + eps)


def reference(inp, w_gate, w_noise, noise):
    clean_logits = inp @ w_gate
    raw_noise_stddev = inp @ w_noise
    # training=True -> multiply by 1
    noise_stddev = jax.nn.softplus(raw_noise_stddev) + NOISE_EPS
    noisy_logits = clean_logits + noise * noise_stddev
    logits = noisy_logits
    m = min(TOP_K + 1, NUM_EXPERT)
    top_logits, top_indices = jax.lax.top_k(logits, m)
    top_k_logits = top_logits[:, :TOP_K]
    top_k_indices = top_indices[:, :TOP_K]
    top_k_gates = jax.nn.softmax(top_k_logits, axis=1)
    rows = jnp.arange(logits.shape[0])[:, None]
    gates = jnp.zeros_like(logits).at[rows, top_k_indices].set(top_k_gates)
    # _prob_in_top_k (top_k < num_expert branch)
    threshold_if_in = top_logits[:, TOP_K][:, None]
    threshold_if_out = top_logits[:, TOP_K - 1][:, None]
    is_in = noisy_logits > threshold_if_in
    prob_if_in = norm.cdf((clean_logits - threshold_if_in) / noise_stddev)
    prob_if_out = norm.cdf((clean_logits - threshold_if_out) / noise_stddev)
    prob = jnp.where(is_in, prob_if_in, prob_if_out)
    load = prob.sum(0)
    importance = gates.sum(0)
    loss = _cv_squared(importance) + _cv_squared(load)
    return (top_k_indices.reshape(-1), top_k_gates[:, None, :], loss)

if __name__ == "__main__":
    import jax
    _d = setup_inputs()
    print(jax.jit(kernel)(*tuple(_d.values())))

</pallas_src>

<mosaic_0001>
#map = affine_map<(d0, d1) -> (0, 0)>
#map1 = affine_map<(d0, d1) -> (0)>
module attributes {stable_mosaic.version = 14 : i64} {
  func.func @_route_body(%arg0: i32, %arg1: i32, %arg2: memref<16x20480xf32, #tpu.memory_space<hbm>>, %arg3: memref<8x32768xf32, #tpu.memory_space<hbm>>, %arg4: memref<40960xi32, #tpu.memory_space<hbm>>, %arg5: memref<2x20480xf32, #tpu.memory_space<hbm>>, %arg6: memref<32x16xf32, #tpu.memory_space<hbm>>, %arg7: memref<16x640xf32, #tpu.memory_space<vmem>>, %arg8: memref<8x640xf32, #tpu.memory_space<vmem>>, %arg9: memref<1280xi32, #tpu.memory_space<vmem>>, %arg10: memref<2x640xf32, #tpu.memory_space<vmem>>, %arg11: memref<16xf32, #tpu.memory_space<vmem>>) attributes {dimension_semantics = [#tpu.dimension_semantics<core_parallel>, #tpu.dimension_semantics<subcore_parallel>], iteration_bounds = array<i64: 2, 16>, scalar_prefetch = 0 : i64, scratch_operands = 5 : i64, tpu.core_type = #tpu.core_type<sc_vector_subcore>, window_params = [{transform_indices = #map}, {transform_indices = #map}, {transform_indices = #map1}, {transform_indices = #map}, {transform_indices = #map}]} {
    %mul3A = arith.constant 16 : i32
    %mul3A_0 = arith.muli %arg0, %mul3A : i32
    %add3A = arith.addi %mul3A_0, %arg1 : i32
    %mul3A_1 = arith.constant 640 : i32
    %mul3A_2 = arith.muli %add3A, %mul3A_1 : i32
    "tpu.region"() ({
      %run_scoped3A = tpu.sem_alloc : memref<!tpu.dma_semaphore, #tpu.memory_space<semaphore_mem>>
      %dma_start3A = arith.constant 0 : i32
      %dma_start3A_228 = tpu.memref_slice %arg2[%dma_start3A, %mul3A_2] : memref<16x20480xf32, #tpu.memory_space<hbm>> -> memref<16x640xf32, #tpu.memory_space<hbm>>
      %dma_start3A_229 = arith.constant 0 : i32
      %dma_start3A_230 = tpu.memref_slice %arg2[%dma_start3A_229, %mul3A_2] : memref<16x20480xf32, #tpu.memory_space<hbm>> -> memref<16x640xf32, #tpu.memory_space<hbm>>
      tpu.enqueue_dma source(%dma_start3A_230 : memref<16x640xf32, #tpu.memory_space<hbm>>) target(%arg7 : memref<16x640xf32, #tpu.memory_space<vmem>>) target_semaphore(%run_scoped3A : memref<!tpu.dma_semaphore, #tpu.memory_space<semaphore_mem>>)
      %dma_wait3A = arith.constant 0 : i32
      %dma_wait3A_231 = tpu.memref_slice %arg2[%dma_wait3A, %mul3A_2] : memref<16x20480xf32, #tpu.memory_space<hbm>> -> memref<16x640xf32, #tpu.memory_space<hbm>>
      %dma_wait3A_232 = arith.constant 0 : i32
      %dma_wait3A_233 = tpu.memref_slice %arg2[%dma_wait3A_232, %mul3A_2] : memref<16x20480xf32, #tpu.memory_space<hbm>> -> memref<16x640xf32, #tpu.memory_space<hbm>>
      tpu.wait_dma2 semaphore(%run_scoped3A : memref<!tpu.dma_semaphore, #tpu.memory_space<semaphore_mem>>) src(%dma_wait3A_233 : memref<16x640xf32, #tpu.memory_space<hbm>>) dst(%arg7 : memref<16x640xf32, #tpu.memory_space<vmem>>)
      tpu.yield
    }) : () -> ()
    %mul3A_3 = arith.constant 640 : i32
    %mul3A_4 = arith.muli %add3A, %mul3A_3 : i32
    %add3A_5 = arith.constant 0 : i32
    %add3A_6 = arith.addi %add3A_5, %mul3A_4 : i32
    "tpu.region"() ({
      %run_scoped3A = tpu.sem_alloc : memref<!tpu.dma_semaphore, #tpu.memory_space<semaphore_mem>>
      %dma_start3A = arith.constant 0 : i32
      %dma_start3A_228 = tpu.memref_slice %arg3[%dma_start3A, %add3A_6] : memref<8x32768xf32, #tpu.memory_space<hbm>> -> memref<8x640xf32, #tpu.memory_space<hbm>>
      %dma_start3A_229 = arith.constant 0 : i32
      %dma_start3A_230 = tpu.memref_slice %arg3[%dma_start3A_229, %add3A_6] : memref<8x32768xf32, #tpu.memory_space<hbm>> -> memref<8x640xf32, #tpu.memory_space<hbm>>
      tpu.enqueue_dma source(%dma_start3A_230 : memref<8x640xf32, #tpu.memory_space<hbm>>) target(%arg8 : memref<8x640xf32, #tpu.memory_space<vmem>>) target_semaphore(%run_scoped3A : memref<!tpu.dma_semaphore, #tpu.memory_space<semaphore_mem>>)
      %dma_wait3A = arith.constant 0 : i32
      %dma_wait3A_231 = tpu.memref_slice %arg3[%dma_wait3A, %add3A_6] : memref<8x32768xf32, #tpu.memory_space<hbm>> -> memref<8x640xf32, #tpu.memory_space<hbm>>
      %dma_wait3A_232 = arith.constant 0 : i32
      %dma_wait3A_233 = tpu.memref_slice %arg3[%dma_wait3A_232, %add3A_6] : memref<8x32768xf32, #tpu.memory_space<hbm>> -> memref<8x640xf32, #tpu.memory_space<hbm>>
      tpu.wait_dma2 semaphore(%run_scoped3A : memref<!tpu.dma_semaphore, #tpu.memory_space<semaphore_mem>>) src(%dma_wait3A_233 : memref<8x640xf32, #tpu.memory_space<hbm>>) dst(%arg8 : memref<8x640xf32, #tpu.memory_space<vmem>>)
      tpu.yield
    }) : () -> ()
    %iota3A = tpu.iota {dimensions = array<i32: 0>} : vector<16xi32>
    %add3A_7 = arith.addi %iota3A, %iota3A : vector<16xi32>
    %broadcast_in_dim3A = arith.constant 0.000000e+00 : f32
    %broadcast_in_dim3A_8 = vector.broadcast %broadcast_in_dim3A : f32 to vector<16xf32>
    %broadcast_in_dim3A_9 = arith.constant 0xFF800000 : f32
    %broadcast_in_dim3A_10 = vector.broadcast %broadcast_in_dim3A_9 : f32 to vector<16xf32>
    %scan3A = arith.constant 0 : i32
    %scan3A_11 = arith.constant 40 : i32
    %scan3A_12 = arith.addi %scan3A, %scan3A_11 : i32
    %scan3A_13 = arith.constant 1 : i32
    %scan3A_14:16 = scf.for %scan3A_228 = %scan3A to %scan3A_12 step %scan3A_13 iter_args(%scan3A_229 = %broadcast_in_dim3A_8, %scan3A_230 = %broadcast_in_dim3A_8, %scan3A_231 = %broadcast_in_dim3A_8, %scan3A_232 = %broadcast_in_dim3A_8, %scan3A_233 = %broadcast_in_dim3A_8, %scan3A_234 = %broadcast_in_dim3A_8, %scan3A_235 = %broadcast_in_dim3A_8, %scan3A_236 = %broadcast_in_dim3A_8, %scan3A_237 = %broadcast_in_dim3A_8, %scan3A_238 = %broadcast_in_dim3A_8, %scan3A_239 = %broadcast_in_dim3A_8, %scan3A_240 = %broadcast_in_dim3A_8, %scan3A_241 = %broadcast_in_dim3A_8, %scan3A_242 = %broadcast_in_dim3A_8, %scan3A_243 = %broadcast_in_dim3A_8, %scan3A_244 = %broadcast_in_dim3A_8) -> (vector<16xf32>, vector<16xf32>, vector<16xf32>, vector<16xf32>, vector<16xf32>, vector<16xf32>, vector<16xf32>, vector<16xf32>, vector<16xf32>, vector<16xf32>, vector<16xf32>, vector<16xf32>, vector<16xf32>, vector<16xf32>, vector<16xf32>, vector<16xf32>)  : i32 {
      %mul3A_245 = arith.constant 16 : i32
      %mul3A_246 = arith.muli %scan3A_228, %mul3A_245 : i32
      %get3A = arith.constant 0 : i32
      %get3A_247 = arith.index_cast %get3A : i32 to index
      %get3A_248 = arith.index_cast %mul3A_246 : i32 to index
      %get3A_249 = tpu.vector_load %arg7[%get3A_247, %get3A_248] {strides = array<i32>} : memref<16x640xf32, #tpu.memory_space<vmem>>, vector<16xf32>,
      %get3A_250 = arith.constant 1 : i32
      %get3A_251 = arith.index_cast %get3A_250 : i32 to index
      %get3A_252 = arith.index_cast %mul3A_246 : i32 to index
      %get3A_253 = tpu.vector_load %arg7[%get3A_251, %get3A_252] {strides = array<i32>} : memref<16x640xf32, #tpu.memory_space<vmem>>, vector<16xf32>,
      %get3A_254 = arith.constant 2 : i32
      %get3A_255 = arith.index_cast %get3A_254 : i32 to index
      %get3A_256 = arith.index_cast %mul3A_246 : i32 to index
      %get3A_257 = tpu.vector_load %arg7[%get3A_255, %get3A_256] {strides = array<i32>} : memref<16x640xf32, #tpu.memory_space<vmem>>, vector<16xf32>,
      %get3A_258 = arith.constant 3 : i32
      %get3A_259 = arith.index_cast %get3A_258 : i32 to index
      %get3A_260 = arith.index_cast %mul3A_246 : i32 to index
      %get3A_261 = tpu.vector_load %arg7[%get3A_259, %get3A_260] {strides = array<i32>} : memref<16x640xf32, #tpu.memory_space<vmem>>, vector<16xf32>,
      %get3A_262 = arith.constant 4 : i32
      %get3A_263 = arith.index_cast %get3A_262 : i32 to index
      %get3A_264 = arith.index_cast %mul3A_246 : i32 to index
      %get3A_265 = tpu.vector_load %arg7[%get3A_263, %get3A_264] {strides = array<i32>} : memref<16x640xf32, #tpu.memory_space<vmem>>, vector<16xf32>,
      %get3A_266 = arith.constant 5 : i32
      %get3A_267 = arith.index_cast %get3A_266 : i32 to index
      %get3A_268 = arith.index_cast %mul3A_246 : i32 to index
      %get3A_269 = tpu.vector_load %arg7[%get3A_267, %get3A_268] {strides = array<i32>} : memref<16x640xf32, #tpu.memory_space<vmem>>, vector<16xf32>,
      %get3A_270 = arith.constant 6 : i32
      %get3A_271 = arith.index_cast %get3A_270 : i32 to index
      %get3A_272 = arith.index_cast %mul3A_246 : i32 to index
      %get3A_273 = tpu.vector_load %arg7[%get3A_271, %get3A_272] {strides = array<i32>} : memref<16x640xf32, #tpu.memory_space<vmem>>, vector<16xf32>,
      %get3A_274 = arith.constant 7 : i32
      %get3A_275 = arith.index_cast %get3A_274 : i32 to index
      %get3A_276 = arith.index_cast %mul3A_246 : i32 to index
      %get3A_277 = tpu.vector_load %arg7[%get3A_275, %get3A_276] {strides = array<i32>} : memref<16x640xf32, #tpu.memory_space<vmem>>, vector<16xf32>,
      %get3A_278 = arith.constant 8 : i32
      %get3A_279 = arith.index_cast %get3A_278 : i32 to index
      %get3A_280 = arith.index_cast %mul3A_246 : i32 to index
      %get3A_281 = tpu.vector_load %arg7[%get3A_279, %get3A_280] {strides = array<i32>} : memref<16x640xf32, #tpu.memory_space<vmem>>, vector<16xf32>,
      %get3A_282 = arith.constant 9 : i32
      %get3A_283 = arith.index_cast %get3A_282 : i32 to index
      %get3A_284 = arith.index_cast %mul3A_246 : i32 to index
      %get3A_285 = tpu.vector_load %arg7[%get3A_283, %get3A_284] {strides = array<i32>} : memref<16x640xf32, #tpu.memory_space<vmem>>, vector<16xf32>,
      %get3A_286 = arith.constant 10 : i32
      %get3A_287 = arith.index_cast %get3A_286 : i32 to index
      %get3A_288 = arith.index_cast %mul3A_246 : i32 to index
      %get3A_289 = tpu.vector_load %arg7[%get3A_287, %get3A_288] {strides = array<i32>} : memref<16x640xf32, #tpu.memory_space<vmem>>, vector<16xf32>,
      %get3A_290 = arith.constant 11 : i32
      %get3A_291 = arith.index_cast %get3A_290 : i32 to index
      %get3A_292 = arith.index_cast %mul3A_246 : i32 to index
      %get3A_293 = tpu.vector_load %arg7[%get3A_291, %get3A_292] {strides = array<i32>} : memref<16x640xf32, #tpu.memory_space<vmem>>, vector<16xf32>,
      %get3A_294 = arith.constant 12 : i32
      %get3A_295 = arith.index_cast %get3A_294 : i32 to index
      %get3A_296 = arith.index_cast %mul3A_246 : i32 to index
      %get3A_297 = tpu.vector_load %arg7[%get3A_295, %get3A_296] {strides = array<i32>} : memref<16x640xf32, #tpu.memory_space<vmem>>, vector<16xf32>,
      %get3A_298 = arith.constant 13 : i32
      %get3A_299 = arith.index_cast %get3A_298 : i32 to index
      %get3A_300 = arith.index_cast %mul3A_246 : i32 to index
      %get3A_301 = tpu.vector_load %arg7[%get3A_299, %get3A_300] {strides = array<i32>} : memref<16x640xf32, #tpu.memory_space<vmem>>, vector<16xf32>,
      %get3A_302 = arith.constant 14 : i32
      %get3A_303 = arith.index_cast %get3A_302 : i32 to index
      %get3A_304 = arith.index_cast %mul3A_246 : i32 to index
      %get3A_305 = tpu.vector_load %arg7[%get3A_303, %get3A_304] {strides = array<i32>} : memref<16x640xf32, #tpu.memory_space<vmem>>, vector<16xf32>,
      %get3A_306 = arith.constant 15 : i32
      %get3A_307 = arith.index_cast %get3A_306 : i32 to index
      %get3A_308 = arith.index_cast %mul3A_246 : i32 to index
      %get3A_309 = tpu.vector_load %arg7[%get3A_307, %get3A_308] {strides = array<i32>} : memref<16x640xf32, #tpu.memory_space<vmem>>, vector<16xf32>,
      %get3A_310 = arith.constant 0 : i32
      %get3A_311 = arith.index_cast %get3A_310 : i32 to index
      %get3A_312 = arith.index_cast %mul3A_246 : i32 to index
      %get3A_313 = tpu.vector_load %arg8[%get3A_311, %get3A_312] {strides = array<i32>} : memref<8x640xf32, #tpu.memory_space<vmem>>, vector<16xf32>,
      %mul3A_314 = arith.mulf %get3A_281, %get3A_313 : vector<16xf32>
      %add3A_315 = arith.addf %get3A_249, %mul3A_314 : vector<16xf32>
      %get3A_316 = arith.constant 1 : i32
      %get3A_317 = arith.index_cast %get3A_316 : i32 to index
      %get3A_318 = arith.index_cast %mul3A_246 : i32 to index
      %get3A_319 = tpu.vector_load %arg8[%get3A_317, %get3A_318] {strides = array<i32>} : memref<8x640xf32, #tpu.memory_space<vmem>>, vector<16xf32>,
      %mul3A_320 = arith.mulf %get3A_285, %get3A_319 : vector<16xf32>
      %add3A_321 = arith.addf %get3A_253, %mul3A_320 : vector<16xf32>
      %get3A_322 = arith.constant 2 : i32
      %get3A_323 = arith.index_cast %get3A_322 : i32 to index
      %get3A_324 = arith.index_cast %mul3A_246 : i32 to index
      %get3A_325 = tpu.vector_load %arg8[%get3A_323, %get3A_324] {strides = array<i32>} : memref<8x640xf32, #tpu.memory_space<vmem>>, vector<16xf32>,
      %mul3A_326 = arith.mulf %get3A_289, %get3A_325 : vector<16xf32>
      %add3A_327 = arith.addf %get3A_257, %mul3A_326 : vector<16xf32>
      %get3A_328 = arith.constant 3 : i32
      %get3A_329 = arith.index_cast %get3A_328 : i32 to index
      %get3A_330 = arith.index_cast %mul3A_246 : i32 to index
      %get3A_331 = tpu.vector_load %arg8[%get3A_329, %get3A_330] {strides = array<i32>} : memref<8x640xf32, #tpu.memory_space<vmem>>, vector<16xf32>,
      %mul3A_332 = arith.mulf %get3A_293, %get3A_331 : vector<16xf32>
      %add3A_333 = arith.addf %get3A_261, %mul3A_332 : vector<16xf32>
      %get3A_334 = arith.constant 4 : i32
      %get3A_335 = arith.index_cast %get3A_334 : i32 to index
      %get3A_336 = arith.index_cast %mul3A_246 : i32 to index
      %get3A_337 = tpu.vector_load %arg8[%get3A_335, %get3A_336] {strides = array<i32>} : memref<8x640xf32, #tpu.memory_space<vmem>>, vector<16xf32>,
      %mul3A_338 = arith.mulf %get3A_297, %get3A_337 : vector<16xf32>
      %add3A_339 = arith.addf %get3A_265, %mul3A_338 : vector<16xf32>
      %get3A_340 = arith.constant 5 : i32
      %get3A_341 = arith.index_cast %get3A_340 : i32 to index
      %get3A_342 = arith.index_cast %mul3A_246 : i32 to index
      %get3A_343 = tpu.vector_load %arg8[%get3A_341, %get3A_342] {strides = array<i32>} : memref<8x640xf32, #tpu.memory_space<vmem>>, vector<16xf32>,
      %mul3A_344 = arith.mulf %get3A_301, %get3A_343 : vector<16xf32>
      %add3A_345 = arith.addf %get3A_269, %mul3A_344 : vector<16xf32>
      %get3A_346 = arith.constant 6 : i32
      %get3A_347 = arith.index_cast %get3A_346 : i32 to index
      %get3A_348 = arith.index_cast %mul3A_246 : i32 to index
      %get3A_349 = tpu.vector_load %arg8[%get3A_347, %get3A_348] {strides = array<i32>} : memref<8x640xf32, #tpu.memory_space<vmem>>, vector<16xf32>,
      %mul3A_350 = arith.mulf %get3A_305, %get3A_349 : vector<16xf32>
      %add3A_351 = arith.addf %get3A_273, %mul3A_350 : vector<16xf32>
      %get3A_352 = arith.constant 7 : i32
      %get3A_353 = arith.index_cast %get3A_352 : i32 to index
      %get3A_354 = arith.index_cast %mul3A_246 : i32 to index
      %get3A_355 = tpu.vector_load %arg8[%get3A_353, %get3A_354] {strides = array<i32>} : memref<8x640xf32, #tpu.memory_space<vmem>>, vector<16xf32>,
      %mul3A_356 = arith.mulf %get3A_309, %get3A_355 : vector<16xf32>
      %add3A_357 = arith.addf %get3A_277, %mul3A_356 : vector<16xf32>
      %broadcast_in_dim3A_358 = arith.constant 8 : i32
      %broadcast_in_dim3A_359 = vector.broadcast %broadcast_in_dim3A_358 : i32 to vector<16xi32>
      %max3A = arith.maximumf %add3A_315, %add3A_321 : vector<16xf32>
      %max3A_360 = arith.maximumf %max3A, %add3A_327 : vector<16xf32>
      %max3A_361 = arith.maximumf %max3A_360, %add3A_333 : vector<16xf32>
      %max3A_362 = arith.maximumf %max3A_361, %add3A_339 : vector<16xf32>
      %max3A_363 = arith.maximumf %max3A_362, %add3A_345 : vector<16xf32>
      %max3A_364 = arith.maximumf %max3A_363, %add3A_351 : vector<16xf32>
      %max3A_365 = arith.maximumf %max3A_364, %add3A_357 : vector<16xf32>
      %eq3A_366 = arith.cmpf oeq, %add3A_357, %max3A_365 : vector<16xf32>
      %broadcast_in_dim3A_367 = arith.constant 7 : i32
      %broadcast_in_dim3A_368 = vector.broadcast %broadcast_in_dim3A_367 : i32 to vector<16xi32>
      %select_n3A_369 = arith.select %eq3A_366, %broadcast_in_dim3A_368, %broadcast_in_dim3A_359 : vector<16xi1>, vector<16xi32>
      %eq3A_370 = arith.cmpf oeq, %add3A_351, %max3A_365 : vector<16xf32>
      %broadcast_in_dim3A_371 = arith.constant 6 : i32
      %broadcast_in_dim3A_372 = vector.broadcast %broadcast_in_dim3A_371 : i32 to vector<16xi32>
      %select_n3A_373 = arith.select %eq3A_370, %broadcast_in_dim3A_372, %select_n3A_369 : vector<16xi1>, vector<16xi32>
      %eq3A_374 = arith.cmpf oeq, %add3A_345, %max3A_365 : vector<16xf32>
      %broadcast_in_dim3A_375 = arith.constant 5 : i32
      %broadcast_in_dim3A_376 = vector.broadcast %broadcast_in_dim3A_375 : i32 to vector<16xi32>
      %select_n3A_377 = arith.select %eq3A_374, %broadcast_in_dim3A_376, %select_n3A_373 : vector<16xi1>, vector<16xi32>
      %eq3A_378 = arith.cmpf oeq, %add3A_339, %max3A_365 : vector<16xf32>
      %broadcast_in_dim3A_379 = arith.constant 4 : i32
      %broadcast_in_dim3A_380 = vector.broadcast %broadcast_in_dim3A_379 : i32 to vector<16xi32>
      %select_n3A_381 = arith.select %eq3A_378, %broadcast_in_dim3A_380, %select_n3A_377 : vector<16xi1>, vector<16xi32>
      %eq3A_382 = arith.cmpf oeq, %add3A_333, %max3A_365 : vector<16xf32>
      %broadcast_in_dim3A_383 = arith.constant 3 : i32
      %broadcast_in_dim3A_384 = vector.broadcast %broadcast_in_dim3A_383 : i32 to vector<16xi32>
      %select_n3A_385 = arith.select %eq3A_382, %broadcast_in_dim3A_384, %select_n3A_381 : vector<16xi1>, vector<16xi32>
      %eq3A_386 = arith.cmpf oeq, %add3A_327, %max3A_365 : vector<16xf32>
      %broadcast_in_dim3A_387 = arith.constant 2 : i32
      %broadcast_in_dim3A_388 = vector.broadcast %broadcast_in_dim3A_387 : i32 to vector<16xi32>
      %select_n3A_389 = arith.select %eq3A_386, %broadcast_in_dim3A_388, %select_n3A_385 : vector<16xi1>, vector<16xi32>
      %eq3A_390 = arith.cmpf oeq, %add3A_321, %max3A_365 : vector<16xf32>
      %broadcast_in_dim3A_391 = arith.constant 1 : i32
      %broadcast_in_dim3A_392 = vector.broadcast %broadcast_in_dim3A_391 : i32 to vector<16xi32>
      %select_n3A_393 = arith.select %eq3A_390, %broadcast_in_dim3A_392, %select_n3A_389 : vector<16xi1>, vector<16xi32>
      %eq3A_394 = arith.cmpf oeq, %add3A_315, %max3A_365 : vector<16xf32>
      %broadcast_in_dim3A_395 = arith.constant 0 : i32
      %broadcast_in_dim3A_396 = vector.broadcast %broadcast_in_dim3A_395 : i32 to vector<16xi32>
      %select_n3A_397 = arith.select %eq3A_394, %broadcast_in_dim3A_396, %select_n3A_393 : vector<16xi1>, vector<16xi32>
      %eq3A_398 = arith.constant 0 : i32
      %eq3A_399 = vector.broadcast %eq3A_398 : i32 to vector<16xi32>
      %eq3A_400 = arith.cmpi eq, %select_n3A_397, %eq3A_399 : vector<16xi32>
      %select_n3A_401 = arith.select %eq3A_400, %broadcast_in_dim3A_10, %add3A_315 : vector<16xi1>, vector<16xf32>
      %eq3A_402 = arith.constant 1 : i32
      %eq3A_403 = vector.broadcast %eq3A_402 : i32 to vector<16xi32>
      %eq3A_404 = arith.cmpi eq, %select_n3A_397, %eq3A_403 : vector<16xi32>
      %select_n3A_405 = arith.select %eq3A_404, %broadcast_in_dim3A_10, %add3A_321 : vector<16xi1>, vector<16xf32>
      %eq3A_406 = arith.constant 2 : i32
      %eq3A_407 = vector.broadcast %eq3A_406 : i32 to vector<16xi32>
      %eq3A_408 = arith.cmpi eq, %select_n3A_397, %eq3A_407 : vector<16xi32>
      %select_n3A_409 = arith.select %eq3A_408, %broadcast_in_dim3A_10, %add3A_327 : vector<16xi1>, vector<16xf32>
      %eq3A_410 = arith.constant 3 : i32
      %eq3A_411 = vector.broadcast %eq3A_410 : i32 to vector<16xi32>
      %eq3A_412 = arith.cmpi eq, %select_n3A_397, %eq3A_411 : vector<16xi32>
      %select_n3A_413 = arith.select %eq3A_412, %broadcast_in_dim3A_10, %add3A_333 : vector<16xi1>, vector<16xf32>
      %eq3A_414 = arith.constant 4 : i32
      %eq3A_415 = vector.broadcast %eq3A_414 : i32 to vector<16xi32>
      %eq3A_416 = arith.cmpi eq, %select_n3A_397, %eq3A_415 : vector<16xi32>
      %select_n3A_417 = arith.select %eq3A_416, %broadcast_in_dim3A_10, %add3A_339 : vector<16xi1>, vector<16xf32>
      %eq3A_418 = arith.constant 5 : i32
      %eq3A_419 = vector.broadcast %eq3A_418 : i32 to vector<16xi32>
      %eq3A_420 = arith.cmpi eq, %select_n3A_397, %eq3A_419 : vector<16xi32>
      %select_n3A_421 = arith.select %eq3A_420, %broadcast_in_dim3A_10, %add3A_345 : vector<16xi1>, vector<16xf32>
      %eq3A_422 = arith.constant 6 : i32
      %eq3A_423 = vector.broadcast %eq3A_422 : i32 to vector<16xi32>
      %eq3A_424 = arith.cmpi eq, %select_n3A_397, %eq3A_423 : vector<16xi32>
      %select_n3A_425 = arith.select %eq3A_424, %broadcast_in_dim3A_10, %add3A_351 : vector<16xi1>, vector<16xf32>
      %eq3A_426 = arith.constant 7 : i32
      %eq3A_427 = vector.broadcast %eq3A_426 : i32 to vector<16xi32>
      %eq3A_428 = arith.cmpi eq, %select_n3A_397, %eq3A_427 : vector<16xi32>
      %select_n3A_429 = arith.select %eq3A_428, %broadcast_in_dim3A_10, %add3A_357 : vector<16xi1>, vector<16xf32>
      %max3A_430 = arith.maximumf %select_n3A_401, %select_n3A_405 : vector<16xf32>
      %max3A_431 = arith.maximumf %max3A_430, %select_n3A_409 : vector<16xf32>
      %max3A_432 = arith.maximumf %max3A_431, %select_n3A_413 : vector<16xf32>
      %max3A_433 = arith.maximumf %max3A_432, %select_n3A_417 : vector<16xf32>
      %max3A_434 = arith.maximumf %max3A_433, %select_n3A_421 : vector<16xf32>
      %max3A_435 = arith.maximumf %max3A_434, %select_n3A_425 : vector<16xf32>
      %max3A_436 = arith.maximumf %max3A_435, %select_n3A_429 : vector<16xf32>
      %eq3A_437 = arith.cmpf oeq, %select_n3A_429, %max3A_436 : vector<16xf32>
      %broadcast_in_dim3A_438 = arith.constant 7 : i32
      %broadcast_in_dim3A_439 = vector.broadcast %broadcast_in_dim3A_438 : i32 to vector<16xi32>
      %select_n3A_440 = arith.select %eq3A_437, %broadcast_in_dim3A_439, %broadcast_in_dim3A_359 : vector<16xi1>, vector<16xi32>
      %eq3A_441 = arith.cmpf oeq, %select_n3A_425, %max3A_436 : vector<16xf32>
      %broadcast_in_dim3A_442 = arith.constant 6 : i32
      %broadcast_in_dim3A_443 = vector.broadcast %broadcast_in_dim3A_442 : i32 to vector<16xi32>
      %select_n3A_444 = arith.select %eq3A_441, %broadcast_in_dim3A_443, %select_n3A_440 : vector<16xi1>, vector<16xi32>
      %eq3A_445 = arith.cmpf oeq, %select_n3A_421, %max3A_436 : vector<16xf32>
      %broadcast_in_dim3A_446 = arith.constant 5 : i32
      %broadcast_in_dim3A_447 = vector.broadcast %broadcast_in_dim3A_446 : i32 to vector<16xi32>
      %select_n3A_448 = arith.select %eq3A_445, %broadcast_in_dim3A_447, %select_n3A_444 : vector<16xi1>, vector<16xi32>
      %eq3A_449 = arith.cmpf oeq, %select_n3A_417, %max3A_436 : vector<16xf32>
      %broadcast_in_dim3A_450 = arith.constant 4 : i32
      %broadcast_in_dim3A_451 = vector.broadcast %broadcast_in_dim3A_450 : i32 to vector<16xi32>
      %select_n3A_452 = arith.select %eq3A_449, %broadcast_in_dim3A_451, %select_n3A_448 : vector<16xi1>, vector<16xi32>
      %eq3A_453 = arith.cmpf oeq, %select_n3A_413, %max3A_436 : vector<16xf32>
      %broadcast_in_dim3A_454 = arith.constant 3 : i32
      %broadcast_in_dim3A_455 = vector.broadcast %broadcast_in_dim3A_454 : i32 to vector<16xi32>
      %select_n3A_456 = arith.select %eq3A_453, %broadcast_in_dim3A_455, %select_n3A_452 : vector<16xi1>, vector<16xi32>
      %eq3A_457 = arith.cmpf oeq, %select_n3A_409, %max3A_436 : vector<16xf32>
      %broadcast_in_dim3A_458 = arith.constant 2 : i32
      %broadcast_in_dim3A_459 = vector.broadcast %broadcast_in_dim3A_458 : i32 to vector<16xi32>
      %select_n3A_460 = arith.select %eq3A_457, %broadcast_in_dim3A_459, %select_n3A_456 : vector<16xi1>, vector<16xi32>
      %eq3A_461 = arith.cmpf oeq, %select_n3A_405, %max3A_436 : vector<16xf32>
      %broadcast_in_dim3A_462 = arith.constant 1 : i32
      %broadcast_in_dim3A_463 = vector.broadcast %broadcast_in_dim3A_462 : i32 to vector<16xi32>
      %select_n3A_464 = arith.select %eq3A_461, %broadcast_in_dim3A_463, %select_n3A_460 : vector<16xi1>, vector<16xi32>
      %eq3A_465 = arith.cmpf oeq, %select_n3A_401, %max3A_436 : vector<16xf32>
      %broadcast_in_dim3A_466 = arith.constant 0 : i32
      %broadcast_in_dim3A_467 = vector.broadcast %broadcast_in_dim3A_466 : i32 to vector<16xi32>
      %select_n3A_468 = arith.select %eq3A_465, %broadcast_in_dim3A_467, %select_n3A_464 : vector<16xi1>, vector<16xi32>
      %eq3A_469 = arith.constant 0 : i32
      %eq3A_470 = vector.broadcast %eq3A_469 : i32 to vector<16xi32>
      %eq3A_471 = arith.cmpi eq, %select_n3A_468, %eq3A_470 : vector<16xi32>
      %select_n3A_472 = arith.select %eq3A_471, %broadcast_in_dim3A_10, %select_n3A_401 : vector<16xi1>, vector<16xf32>
      %eq3A_473 = arith.constant 1 : i32
      %eq3A_474 = vector.broadcast %eq3A_473 : i32 to vector<16xi32>
      %eq3A_475 = arith.cmpi eq, %select_n3A_468, %eq3A_474 : vector<16xi32>
      %select_n3A_476 = arith.select %eq3A_475, %broadcast_in_dim3A_10, %select_n3A_405 : vector<16xi1>, vector<16xf32>
      %eq3A_477 = arith.constant 2 : i32
      %eq3A_478 = vector.broadcast %eq3A_477 : i32 to vector<16xi32>
      %eq3A_479 = arith.cmpi eq, %select_n3A_468, %eq3A_478 : vector<16xi32>
      %select_n3A_480 = arith.select %eq3A_479, %broadcast_in_dim3A_10, %select_n3A_409 : vector<16xi1>, vector<16xf32>
      %eq3A_481 = arith.constant 3 : i32
      %eq3A_482 = vector.broadcast %eq3A_481 : i32 to vector<16xi32>
      %eq3A_483 = arith.cmpi eq, %select_n3A_468, %eq3A_482 : vector<16xi32>
      %select_n3A_484 = arith.select %eq3A_483, %broadcast_in_dim3A_10, %select_n3A_413 : vector<16xi1>, vector<16xf32>
      %eq3A_485 = arith.constant 4 : i32
      %eq3A_486 = vector.broadcast %eq3A_485 : i32 to vector<16xi32>
      %eq3A_487 = arith.cmpi eq, %select_n3A_468, %eq3A_486 : vector<16xi32>
      %select_n3A_488 = arith.select %eq3A_487, %broadcast_in_dim3A_10, %select_n3A_417 : vector<16xi1>, vector<16xf32>
      %eq3A_489 = arith.constant 5 : i32
      %eq3A_490 = vector.broadcast %eq3A_489 : i32 to vector<16xi32>
      %eq3A_491 = arith.cmpi eq, %select_n3A_468, %eq3A_490 : vector<16xi32>
      %select_n3A_492 = arith.select %eq3A_491, %broadcast_in_dim3A_10, %select_n3A_421 : vector<16xi1>, vector<16xf32>
      %eq3A_493 = arith.constant 6 : i32
      %eq3A_494 = vector.broadcast %eq3A_493 : i32 to vector<16xi32>
      %eq3A_495 = arith.cmpi eq, %select_n3A_468, %eq3A_494 : vector<16xi32>
      %select_n3A_496 = arith.select %eq3A_495, %broadcast_in_dim3A_10, %select_n3A_425 : vector<16xi1>, vector<16xf32>
      %eq3A_497 = arith.constant 7 : i32
      %eq3A_498 = vector.broadcast %eq3A_497 : i32 to vector<16xi32>
      %eq3A_499 = arith.cmpi eq, %select_n3A_468, %eq3A_498 : vector<16xi32>
      %select_n3A_500 = arith.select %eq3A_499, %broadcast_in_dim3A_10, %select_n3A_429 : vector<16xi1>, vector<16xf32>
      %max3A_501 = arith.maximumf %select_n3A_472, %select_n3A_476 : vector<16xf32>
      %max3A_502 = arith.maximumf %max3A_501, %select_n3A_480 : vector<16xf32>
      %max3A_503 = arith.maximumf %max3A_502, %select_n3A_484 : vector<16xf32>
      %max3A_504 = arith.maximumf %max3A_503, %select_n3A_488 : vector<16xf32>
      %max3A_505 = arith.maximumf %max3A_504, %select_n3A_492 : vector<16xf32>
      %max3A_506 = arith.maximumf %max3A_505, %select_n3A_496 : vector<16xf32>
      %max3A_507 = arith.maximumf %max3A_506, %select_n3A_500 : vector<16xf32>
      %sub3A = arith.subf %max3A_436, %max3A_365 : vector<16xf32>
      %exp3A = math.exp %sub3A : vector<16xf32>
      %add3A_508 = arith.constant 1.000000e+00 : f32
      %add3A_509 = vector.broadcast %add3A_508 : f32 to vector<16xf32>
      %add3A_510 = arith.addf %add3A_509, %exp3A : vector<16xf32>
      %div3A = arith.constant 1.000000e+00 : f32
      %div3A_511 = vector.broadcast %div3A : f32 to vector<16xf32>
      %div3A_512 = arith.divf %div3A_511, %add3A_510 : vector<16xf32>
      %sub3A_513 = arith.constant 1.000000e+00 : f32
      %sub3A_514 = vector.broadcast %sub3A_513 : f32 to vector<16xf32>
      %sub3A_515 = arith.subf %sub3A_514, %div3A_512 : vector<16xf32>
      %mul3A_516 = arith.constant 32 : i32
      %mul3A_517 = arith.muli %scan3A_228, %mul3A_516 : i32
      %add3A_518 = vector.broadcast %mul3A_517 : i32 to vector<16xi32>
      %add3A_519 = arith.addi %add3A_7, %add3A_518 : vector<16xi32>
      %add3A_520 = arith.constant 1 : i32
      %add3A_521 = vector.broadcast %add3A_520 : i32 to vector<16xi32>
      %add3A_522 = arith.addi %add3A_519, %add3A_521 : vector<16xi32>
      tpu.vector_store_idx %arg9[%add3A_519], %select_n3A_397 : memref<1280xi32, #tpu.memory_space<vmem>>[vector<16xi32>], vector<16xi32>,
      tpu.vector_store_idx %arg9[%add3A_522], %select_n3A_468 : memref<1280xi32, #tpu.memory_space<vmem>>[vector<16xi32>], vector<16xi32>,
      %swap3A_523 = arith.constant 0 : i32
      %swap3A_524 = arith.index_cast %swap3A_523 : i32 to index
      %swap3A_525 = arith.index_cast %mul3A_246 : i32 to index
      %swap3A_526 = tpu.vector_load %arg10[%swap3A_524, %swap3A_525] {strides = array<i32>} : memref<2x640xf32, #tpu.memory_space<vmem>>, vector<16xf32>,
      tpu.vector_store %arg10[%swap3A_524, %swap3A_525], %div3A_512 {strides = array<i32>} : memref<2x640xf32, #tpu.memory_space<vmem>>, vector<16xf32>,
      %swap3A_527 = arith.constant 1 : i32
      %swap3A_528 = arith.index_cast %swap3A_527 : i32 to index
      %swap3A_529 = arith.index_cast %mul3A_246 : i32 to index
      %swap3A_530 = tpu.vector_load %arg10[%swap3A_528, %swap3A_529] {strides = array<i32>} : memref<2x640xf32, #tpu.memory_space<vmem>>, vector<16xf32>,
      tpu.vector_store %arg10[%swap3A_528, %swap3A_529], %sub3A_515 {strides = array<i32>} : memref<2x640xf32, #tpu.memory_space<vmem>>, vector<16xf32>,
      %div3A_531 = arith.constant 1.000000e+00 : f32
      %div3A_532 = vector.broadcast %div3A_531 : f32 to vector<16xf32>
      %div3A_533 = arith.divf %div3A_532, %get3A_281 : vector<16xf32>
      %gt3A = arith.cmpf ogt, %add3A_315, %max3A_507 : vector<16xf32>
      %select_n3A_534 = arith.select %gt3A, %max3A_507, %max3A_436 : vector<16xi1>, vector<16xf32>
      %sub3A_535 = arith.subf %get3A_249, %select_n3A_534 : vector<16xf32>
      %mul3A_536 = arith.mulf %sub3A_535, %div3A_533 : vector<16xf32>
      %mul3A_537 = arith.constant 0.707106769 : f32
      %mul3A_538 = vector.broadcast %mul3A_537 : f32 to vector<16xf32>
      %mul3A_539 = arith.mulf %mul3A_536, %mul3A_538 : vector<16xf32>
      %abs3A = math.absf %mul3A_539 : vector<16xf32>
      %mul3A_540 = arith.constant 4.704700e-01 : f32
      %mul3A_541 = vector.broadcast %mul3A_540 : f32 to vector<16xf32>
      %mul3A_542 = arith.mulf %mul3A_541, %abs3A : vector<16xf32>
      %add3A_543 = arith.constant 1.000000e+00 : f32
      %add3A_544 = vector.broadcast %add3A_543 : f32 to vector<16xf32>
      %add3A_545 = arith.addf %add3A_544, %mul3A_542 : vector<16xf32>
      %div3A_546 = arith.constant 1.000000e+00 : f32
      %div3A_547 = vector.broadcast %div3A_546 : f32 to vector<16xf32>
      %div3A_548 = arith.divf %div3A_547, %add3A_545 : vector<16xf32>
      %mul3A_549 = arith.constant 0.747855603 : f32
      %mul3A_550 = vector.broadcast %mul3A_549 : f32 to vector<16xf32>
      %mul3A_551 = arith.mulf %mul3A_550, %div3A_548 : vector<16xf32>
      %add3A_552 = arith.constant -9.587980e-02 : f32
      %add3A_553 = vector.broadcast %add3A_552 : f32 to vector<16xf32>
      %add3A_554 = arith.addf %mul3A_551, %add3A_553 : vector<16xf32>
      %mul3A_555 = arith.mulf %add3A_554, %div3A_548 : vector<16xf32>
      %add3A_556 = arith.constant 0.348024189 : f32
      %add3A_557 = vector.broadcast %add3A_556 : f32 to vector<16xf32>
      %add3A_558 = arith.addf %mul3A_555, %add3A_557 : vector<16xf32>
      %mul3A_559 = arith.mulf %add3A_558, %div3A_548 : vector<16xf32>
      %neg3A = arith.constant 0.000000e+00 : f32
      %neg3A_560 = vector.broadcast %neg3A : f32 to vector<16xf32>
      %neg3A_561 = arith.subf %neg3A_560, %abs3A : vector<16xf32>
      %mul3A_562 = arith.mulf %neg3A_561, %abs3A : vector<16xf32>
      %exp3A_563 = math.exp %mul3A_562 : vector<16xf32>
      %mul3A_564 = arith.mulf %mul3A_559, %exp3A_563 : vector<16xf32>
      %sub3A_565 = arith.constant 1.000000e+00 : f32
      %sub3A_566 = vector.broadcast %sub3A_565 : f32 to vector<16xf32>
      %sub3A_567 = arith.subf %sub3A_566, %mul3A_564 : vector<16xf32>
      %ge3A = arith.constant 0.000000e+00 : f32
      %ge3A_568 = vector.broadcast %ge3A : f32 to vector<16xf32>
      %ge3A_569 = arith.cmpf oge, %mul3A_539, %ge3A_568 : vector<16xf32>
      %neg3A_570 = arith.constant 0.000000e+00 : f32
      %neg3A_571 = vector.broadcast %neg3A_570 : f32 to vector<16xf32>
      %neg3A_572 = arith.subf %neg3A_571, %sub3A_567 : vector<16xf32>
      %select_n3A_573 = arith.select %ge3A_569, %sub3A_567, %neg3A_572 : vector<16xi1>, vector<16xf32>
      %add3A_574 = arith.constant 1.000000e+00 : f32
      %add3A_575 = vector.broadcast %add3A_574 : f32 to vector<16xf32>
      %add3A_576 = arith.addf %add3A_575, %select_n3A_573 : vector<16xf32>
      %mul3A_577 = arith.constant 5.000000e-01 : f32
      %mul3A_578 = vector.broadcast %mul3A_577 : f32 to vector<16xf32>
      %mul3A_579 = arith.mulf %mul3A_578, %add3A_576 : vector<16xf32>
      %eq3A_580 = arith.constant 0 : i32
      %eq3A_581 = vector.broadcast %eq3A_580 : i32 to vector<16xi32>
      %eq3A_582 = arith.cmpi eq, %select_n3A_397, %eq3A_581 : vector<16xi32>
      %select_n3A_583 = arith.select %eq3A_582, %div3A_512, %broadcast_in_dim3A_8 : vector<16xi1>, vector<16xf32>
      %eq3A_584 = arith.constant 0 : i32
      %eq3A_585 = vector.broadcast %eq3A_584 : i32 to vector<16xi32>
      %eq3A_586 = arith.cmpi eq, %select_n3A_468, %eq3A_585 : vector<16xi32>
      %select_n3A_587 = arith.select %eq3A_586, %sub3A_515, %broadcast_in_dim3A_8 : vector<16xi1>, vector<16xf32>
      %add3A_588 = arith.addf %select_n3A_583, %select_n3A_587 : vector<16xf32>
      %add3A_589 = arith.addf %scan3A_229, %add3A_588 : vector<16xf32>
      %add3A_590 = arith.addf %scan3A_237, %mul3A_579 : vector<16xf32>
      %div3A_591 = arith.constant 1.000000e+00 : f32
      %div3A_592 = vector.broadcast %div3A_591 : f32 to vector<16xf32>
      %div3A_593 = arith.divf %div3A_592, %get3A_285 : vector<16xf32>
      %gt3A_594 = arith.cmpf ogt, %add3A_321, %max3A_507 : vector<16xf32>
      %select_n3A_595 = arith.select %gt3A_594, %max3A_507, %max3A_436 : vector<16xi1>, vector<16xf32>
      %sub3A_596 = arith.subf %get3A_253, %select_n3A_595 : vector<16xf32>
      %mul3A_597 = arith.mulf %sub3A_596, %div3A_593 : vector<16xf32>
      %mul3A_598 = arith.constant 0.707106769 : f32
      %mul3A_599 = vector.broadcast %mul3A_598 : f32 to vector<16xf32>
      %mul3A_600 = arith.mulf %mul3A_597, %mul3A_599 : vector<16xf32>
      %abs3A_601 = math.absf %mul3A_600 : vector<16xf32>
      %mul3A_602 = arith.constant 4.704700e-01 : f32
      %mul3A_603 = vector.broadcast %mul3A_602 : f32 to vector<16xf32>
      %mul3A_604 = arith.mulf %mul3A_603, %abs3A_601 : vector<16xf32>
      %add3A_605 = arith.constant 1.000000e+00 : f32
      %add3A_606 = vector.broadcast %add3A_605 : f32 to vector<16xf32>
      %add3A_607 = arith.addf %add3A_606, %mul3A_604 : vector<16xf32>
      %div3A_608 = arith.constant 1.000000e+00 : f32
      %div3A_609 = vector.broadcast %div3A_608 : f32 to vector<16xf32>
      %div3A_610 = arith.divf %div3A_609, %add3A_607 : vector<16xf32>
      %mul3A_611 = arith.constant 0.747855603 : f32
      %mul3A_612 = vector.broadcast %mul3A_611 : f32 to vector<16xf32>
      %mul3A_613 = arith.mulf %mul3A_612, %div3A_610 : vector<16xf32>
      %add3A_614 = arith.constant -9.587980e-02 : f32
      %add3A_615 = vector.broadcast %add3A_614 : f32 to vector<16xf32>
      %add3A_616 = arith.addf %mul3A_613, %add3A_615 : vector<16xf32>
      %mul3A_617 = arith.mulf %add3A_616, %div3A_610 : vector<16xf32>
      %add3A_618 = arith.constant 0.348024189 : f32
      %add3A_619 = vector.broadcast %add3A_618 : f32 to vector<16xf32>
      %add3A_620 = arith.addf %mul3A_617, %add3A_619 : vector<16xf32>
      %mul3A_621 = arith.mulf %add3A_620, %div3A_610 : vector<16xf32>
      %neg3A_622 = arith.constant 0.000000e+00 : f32
      %neg3A_623 = vector.broadcast %neg3A_622 : f32 to vector<16xf32>
      %neg3A_624 = arith.subf %neg3A_623, %abs3A_601 : vector<16xf32>
      %mul3A_625 = arith.mulf %neg3A_624, %abs3A_601 : vector<16xf32>
      %exp3A_626 = math.exp %mul3A_625 : vector<16xf32>
      %mul3A_627 = arith.mulf %mul3A_621, %exp3A_626 : vector<16xf32>
      %sub3A_628 = arith.constant 1.000000e+00 : f32
      %sub3A_629 = vector.broadcast %sub3A_628 : f32 to vector<16xf32>
      %sub3A_630 = arith.subf %sub3A_629, %mul3A_627 : vector<16xf32>
      %ge3A_631 = arith.constant 0.000000e+00 : f32
      %ge3A_632 = vector.broadcast %ge3A_631 : f32 to vector<16xf32>
      %ge3A_633 = arith.cmpf oge, %mul3A_600, %ge3A_632 : vector<16xf32>
      %neg3A_634 = arith.constant 0.000000e+00 : f32
      %neg3A_635 = vector.broadcast %neg3A_634 : f32 to vector<16xf32>
      %neg3A_636 = arith.subf %neg3A_635, %sub3A_630 : vector<16xf32>
      %select_n3A_637 = arith.select %ge3A_633, %sub3A_630, %neg3A_636 : vector<16xi1>, vector<16xf32>
      %add3A_638 = arith.constant 1.000000e+00 : f32
      %add3A_639 = vector.broadcast %add3A_638 : f32 to vector<16xf32>
      %add3A_640 = arith.addf %add3A_639, %select_n3A_637 : vector<16xf32>
      %mul3A_641 = arith.constant 5.000000e-01 : f32
      %mul3A_642 = vector.broadcast %mul3A_641 : f32 to vector<16xf32>
      %mul3A_643 = arith.mulf %mul3A_642, %add3A_640 : vector<16xf32>
      %eq3A_644 = arith.constant 1 : i32
      %eq3A_645 = vector.broadcast %eq3A_644 : i32 to vector<16xi32>
      %eq3A_646 = arith.cmpi eq, %select_n3A_397, %eq3A_645 : vector<16xi32>
      %select_n3A_647 = arith.select %eq3A_646, %div3A_512, %broadcast_in_dim3A_8 : vector<16xi1>, vector<16xf32>
      %eq3A_648 = arith.constant 1 : i32
      %eq3A_649 = vector.broadcast %eq3A_648 : i32 to vector<16xi32>
      %eq3A_650 = arith.cmpi eq, %select_n3A_468, %eq3A_649 : vector<16xi32>
      %select_n3A_651 = arith.select %eq3A_650, %sub3A_515, %broadcast_in_dim3A_8 : vector<16xi1>, vector<16xf32>
      %add3A_652 = arith.addf %select_n3A_647, %select_n3A_651 : vector<16xf32>
      %add3A_653 = arith.addf %scan3A_230, %add3A_652 : vector<16xf32>
      %add3A_654 = arith.addf %scan3A_238, %mul3A_643 : vector<16xf32>
      %div3A_655 = arith.constant 1.000000e+00 : f32
      %div3A_656 = vector.broadcast %div3A_655 : f32 to vector<16xf32>
      %div3A_657 = arith.divf %div3A_656, %get3A_289 : vector<16xf32>
      %gt3A_658 = arith.cmpf ogt, %add3A_327, %max3A_507 : vector<16xf32>
      %select_n3A_659 = arith.select %gt3A_658, %max3A_507, %max3A_436 : vector<16xi1>, vector<16xf32>
      %sub3A_660 = arith.subf %get3A_257, %select_n3A_659 : vector<16xf32>
      %mul3A_661 = arith.mulf %sub3A_660, %div3A_657 : vector<16xf32>
      %mul3A_662 = arith.constant 0.707106769 : f32
      %mul3A_663 = vector.broadcast %mul3A_662 : f32 to vector<16xf32>
      %mul3A_664 = arith.mulf %mul3A_661, %mul3A_663 : vector<16xf32>
      %abs3A_665 = math.absf %mul3A_664 : vector<16xf32>
      %mul3A_666 = arith.constant 4.704700e-01 : f32
      %mul3A_667 = vector.broadcast %mul3A_666 : f32 to vector<16xf32>
      %mul3A_668 = arith.mulf %mul3A_667, %abs3A_665 : vector<16xf32>
      %add3A_669 = arith.constant 1.000000e+00 : f32
      %add3A_670 = vector.broadcast %add3A_669 : f32 to vector<16xf32>
      %add3A_671 = arith.addf %add3A_670, %mul3A_668 : vector<16xf32>
      %div3A_672 = arith.constant 1.000000e+00 : f32
      %div3A_673 = vector.broadcast %div3A_672 : f32 to vector<16xf32>
      %div3A_674 = arith.divf %div3A_673, %add3A_671 : vector<16xf32>
      %mul3A_675 = arith.constant 0.747855603 : f32
      %mul3A_676 = vector.broadcast %mul3A_675 : f32 to vector<16xf32>
      %mul3A_677 = arith.mulf %mul3A_676, %div3A_674 : vector<16xf32>
      %add3A_678 = arith.constant -9.587980e-02 : f32
      %add3A_679 = vector.broadcast %add3A_678 : f32 to vector<16xf32>
      %add3A_680 = arith.addf %mul3A_677, %add3A_679 : vector<16xf32>
      %mul3A_681 = arith.mulf %add3A_680, %div3A_674 : vector<16xf32>
      %add3A_682 = arith.constant 0.348024189 : f32
      %add3A_683 = vector.broadcast %add3A_682 : f32 to vector<16xf32>
      %add3A_684 = arith.addf %mul3A_681, %add3A_683 : vector<16xf32>
      %mul3A_685 = arith.mulf %add3A_684, %div3A_674 : vector<16xf32>
      %neg3A_686 = arith.constant 0.000000e+00 : f32
      %neg3A_687 = vector.broadcast %neg3A_686 : f32 to vector<16xf32>
      %neg3A_688 = arith.subf %neg3A_687, %abs3A_665 : vector<16xf32>
      %mul3A_689 = arith.mulf %neg3A_688, %abs3A_665 : vector<16xf32>
      %exp3A_690 = math.exp %mul3A_689 : vector<16xf32>
      %mul3A_691 = arith.mulf %mul3A_685, %exp3A_690 : vector<16xf32>
      %sub3A_692 = arith.constant 1.000000e+00 : f32
      %sub3A_693 = vector.broadcast %sub3A_692 : f32 to vector<16xf32>
      %sub3A_694 = arith.subf %sub3A_693, %mul3A_691 : vector<16xf32>
      %ge3A_695 = arith.constant 0.000000e+00 : f32
      %ge3A_696 = vector.broadcast %ge3A_695 : f32 to vector<16xf32>
      %ge3A_697 = arith.cmpf oge, %mul3A_664, %ge3A_696 : vector<16xf32>
      %neg3A_698 = arith.constant 0.000000e+00 : f32
      %neg3A_699 = vector.broadcast %neg3A_698 : f32 to vector<16xf32>
      %neg3A_700 = arith.subf %neg3A_699, %sub3A_694 : vector<16xf32>
      %select_n3A_701 = arith.select %ge3A_697, %sub3A_694, %neg3A_700 : vector<16xi1>, vector<16xf32>
      %add3A_702 = arith.constant 1.000000e+00 : f32
      %add3A_703 = vector.broadcast %add3A_702 : f32 to vector<16xf32>
      %add3A_704 = arith.addf %add3A_703, %select_n3A_701 : vector<16xf32>
      %mul3A_705 = arith.constant 5.000000e-01 : f32
      %mul3A_706 = vector.broadcast %mul3A_705 : f32 to vector<16xf32>
      %mul3A_707 = arith.mulf %mul3A_706, %add3A_704 : vector<16xf32>
      %eq3A_708 = arith.constant 2 : i32
      %eq3A_709 = vector.broadcast %eq3A_708 : i32 to vector<16xi32>
      %eq3A_710 = arith.cmpi eq, %select_n3A_397, %eq3A_709 : vector<16xi32>
      %select_n3A_711 = arith.select %eq3A_710, %div3A_512, %broadcast_in_dim3A_8 : vector<16xi1>, vector<16xf32>
      %eq3A_712 = arith.constant 2 : i32
      %eq3A_713 = vector.broadcast %eq3A_712 : i32 to vector<16xi32>
      %eq3A_714 = arith.cmpi eq, %select_n3A_468, %eq3A_713 : vector<16xi32>
      %select_n3A_715 = arith.select %eq3A_714, %sub3A_515, %broadcast_in_dim3A_8 : vector<16xi1>, vector<16xf32>
      %add3A_716 = arith.addf %select_n3A_711, %select_n3A_715 : vector<16xf32>
      %add3A_717 = arith.addf %scan3A_231, %add3A_716 : vector<16xf32>
      %add3A_718 = arith.addf %scan3A_239, %mul3A_707 : vector<16xf32>
      %div3A_719 = arith.constant 1.000000e+00 : f32
      %div3A_720 = vector.broadcast %div3A_719 : f32 to vector<16xf32>
      %div3A_721 = arith.divf %div3A_720, %get3A_293 : vector<16xf32>
      %gt3A_722 = arith.cmpf ogt, %add3A_333, %max3A_507 : vector<16xf32>
      %select_n3A_723 = arith.select %gt3A_722, %max3A_507, %max3A_436 : vector<16xi1>, vector<16xf32>
      %sub3A_724 = arith.subf %get3A_261, %select_n3A_723 : vector<16xf32>
      %mul3A_725 = arith.mulf %sub3A_724, %div3A_721 : vector<16xf32>
      %mul3A_726 = arith.constant 0.707106769 : f32
      %mul3A_727 = vector.broadcast %mul3A_726 : f32 to vector<16xf32>
      %mul3A_728 = arith.mulf %mul3A_725, %mul3A_727 : vector<16xf32>
      %abs3A_729 = math.absf %mul3A_728 : vector<16xf32>
      %mul3A_730 = arith.constant 4.704700e-01 : f32
      %mul3A_731 = vector.broadcast %mul3A_730 : f32 to vector<16xf32>
      %mul3A_732 = arith.mulf %mul3A_731, %abs3A_729 : vector<16xf32>
      %add3A_733 = arith.constant 1.000000e+00 : f32
      %add3A_734 = vector.broadcast %add3A_733 : f32 to vector<16xf32>
      %add3A_735 = arith.addf %add3A_734, %mul3A_732 : vector<16xf32>
      %div3A_736 = arith.constant 1.000000e+00 : f32
      %div3A_737 = vector.broadcast %div3A_736 : f32 to vector<16xf32>
      %div3A_738 = arith.divf %div3A_737, %add3A_735 : vector<16xf32>
      %mul3A_739 = arith.constant 0.747855603 : f32
      %mul3A_740 = vector.broadcast %mul3A_739 : f32 to vector<16xf32>
      %mul3A_741 = arith.mulf %mul3A_740, %div3A_738 : vector<16xf32>
      %add3A_742 = arith.constant -9.587980e-02 : f32
      %add3A_743 = vector.broadcast %add3A_742 : f32 to vector<16xf32>
      %add3A_744 = arith.addf %mul3A_741, %add3A_743 : vector<16xf32>
      %mul3A_745 = arith.mulf %add3A_744, %div3A_738 : vector<16xf32>
      %add3A_746 = arith.constant 0.348024189 : f32
      %add3A_747 = vector.broadcast %add3A_746 : f32 to vector<16xf32>
      %add3A_748 = arith.addf %mul3A_745, %add3A_747 : vector<16xf32>
      %mul3A_749 = arith.mulf %add3A_748, %div3A_738 : vector<16xf32>
      %neg3A_750 = arith.constant 0.000000e+00 : f32
      %neg3A_751 = vector.broadcast %neg3A_750 : f32 to vector<16xf32>
      %neg3A_752 = arith.subf %neg3A_751, %abs3A_729 : vector<16xf32>
      %mul3A_753 = arith.mulf %neg3A_752, %abs3A_729 : vector<16xf32>
      %exp3A_754 = math.exp %mul3A_753 : vector<16xf32>
      %mul3A_755 = arith.mulf %mul3A_749, %exp3A_754 : vector<16xf32>
      %sub3A_756 = arith.constant 1.000000e+00 : f32
      %sub3A_757 = vector.broadcast %sub3A_756 : f32 to vector<16xf32>
      %sub3A_758 = arith.subf %sub3A_757, %mul3A_755 : vector<16xf32>
      %ge3A_759 = arith.constant 0.000000e+00 : f32
      %ge3A_760 = vector.broadcast %ge3A_759 : f32 to vector<16xf32>
      %ge3A_761 = arith.cmpf oge, %mul3A_728, %ge3A_760 : vector<16xf32>
      %neg3A_762 = arith.constant 0.000000e+00 : f32
      %neg3A_763 = vector.broadcast %neg3A_762 : f32 to vector<16xf32>
      %neg3A_764 = arith.subf %neg3A_763, %sub3A_758 : vector<16xf32>
      %select_n3A_765 = arith.select %ge3A_761, %sub3A_758, %neg3A_764 : vector<16xi1>, vector<16xf32>
      %add3A_766 = arith.constant 1.000000e+00 : f32
      %add3A_767 = vector.broadcast %add3A_766 : f32 to vector<16xf32>
      %add3A_768 = arith.addf %add3A_767, %select_n3A_765 : vector<16xf32>
      %mul3A_769 = arith.constant 5.000000e-01 : f32
      %mul3A_770 = vector.broadcast %mul3A_769 : f32 to vector<16xf32>
      %mul3A_771 = arith.mulf %mul3A_770, %add3A_768 : vector<16xf32>
      %eq3A_772 = arith.constant 3 : i32
      %eq3A_773 = vector.broadcast %eq3A_772 : i32 to vector<16xi32>
      %eq3A_774 = arith.cmpi eq, %select_n3A_397, %eq3A_773 : vector<16xi32>
      %select_n3A_775 = arith.select %eq3A_774, %div3A_512, %broadcast_in_dim3A_8 : vector<16xi1>, vector<16xf32>
      %eq3A_776 = arith.constant 3 : i32
      %eq3A_777 = vector.broadcast %eq3A_776 : i32 to vector<16xi32>
      %eq3A_778 = arith.cmpi eq, %select_n3A_468, %eq3A_777 : vector<16xi32>
      %select_n3A_779 = arith.select %eq3A_778, %sub3A_515, %broadcast_in_dim3A_8 : vector<16xi1>, vector<16xf32>
      %add3A_780 = arith.addf %select_n3A_775, %select_n3A_779 : vector<16xf32>
      %add3A_781 = arith.addf %scan3A_232, %add3A_780 : vector<16xf32>
      %add3A_782 = arith.addf %scan3A_240, %mul3A_771 : vector<16xf32>
      %div3A_783 = arith.constant 1.000000e+00 : f32
      %div3A_784 = vector.broadcast %div3A_783 : f32 to vector<16xf32>
      %div3A_785 = arith.divf %div3A_784, %get3A_297 : vector<16xf32>
      %gt3A_786 = arith.cmpf ogt, %add3A_339, %max3A_507 : vector<16xf32>
      %select_n3A_787 = arith.select %gt3A_786, %max3A_507, %max3A_436 : vector<16xi1>, vector<16xf32>
      %sub3A_788 = arith.subf %get3A_265, %select_n3A_787 : vector<16xf32>
      %mul3A_789 = arith.mulf %sub3A_788, %div3A_785 : vector<16xf32>
      %mul3A_790 = arith.constant 0.707106769 : f32
      %mul3A_791 = vector.broadcast %mul3A_790 : f32 to vector<16xf32>
      %mul3A_792 = arith.mulf %mul3A_789, %mul3A_791 : vector<16xf32>
      %abs3A_793 = math.absf %mul3A_792 : vector<16xf32>
      %mul3A_794 = arith.constant 4.704700e-01 : f32
      %mul3A_795 = vector.broadcast %mul3A_794 : f32 to vector<16xf32>
      %mul3A_796 = arith.mulf %mul3A_795, %abs3A_793 : vector<16xf32>
      %add3A_797 = arith.constant 1.000000e+00 : f32
      %add3A_798 = vector.broadcast %add3A_797 : f32 to vector<16xf32>
      %add3A_799 = arith.addf %add3A_798, %mul3A_796 : vector<16xf32>
      %div3A_800 = arith.constant 1.000000e+00 : f32
      %div3A_801 = vector.broadcast %div3A_800 : f32 to vector<16xf32>
      %div3A_802 = arith.divf %div3A_801, %add3A_799 : vector<16xf32>
      %mul3A_803 = arith.constant 0.747855603 : f32
      %mul3A_804 = vector.broadcast %mul3A_803 : f32 to vector<16xf32>
      %mul3A_805 = arith.mulf %mul3A_804, %div3A_802 : vector<16xf32>
      %add3A_806 = arith.constant -9.587980e-02 : f32
      %add3A_807 = vector.broadcast %add3A_806 : f32 to vector<16xf32>
      %add3A_808 = arith.addf %mul3A_805, %add3A_807 : vector<16xf32>
      %mul3A_809 = arith.mulf %add3A_808, %div3A_802 : vector<16xf32>
      %add3A_810 = arith.constant 0.348024189 : f32
      %add3A_811 = vector.broadcast %add3A_810 : f32 to vector<16xf32>
      %add3A_812 = arith.addf %mul3A_809, %add3A_811 : vector<16xf32>
      %mul3A_813 = arith.mulf %add3A_812, %div3A_802 : vector<16xf32>
      %neg3A_814 = arith.constant 0.000000e+00 : f32
      %neg3A_815 = vector.broadcast %neg3A_814 : f32 to vector<16xf32>
      %neg3A_816 = arith.subf %neg3A_815, %abs3A_793 : vector<16xf32>
      %mul3A_817 = arith.mulf %neg3A_816, %abs3A_793 : vector<16xf32>
      %exp3A_818 = math.exp %mul3A_817 : vector<16xf32>
      %mul3A_819 = arith.mulf %mul3A_813, %exp3A_818 : vector<16xf32>
      %sub3A_820 = arith.constant 1.000000e+00 : f32
      %sub3A_821 = vector.broadcast %sub3A_820 : f32 to vector<16xf32>
      %sub3A_822 = arith.subf %sub3A_821, %mul3A_819 : vector<16xf32>
      %ge3A_823 = arith.constant 0.000000e+00 : f32
      %ge3A_824 = vector.broadcast %ge3A_823 : f32 to vector<16xf32>
      %ge3A_825 = arith.cmpf oge, %mul3A_792, %ge3A_824 : vector<16xf32>
      %neg3A_826 = arith.constant 0.000000e+00 : f32
      %neg3A_827 = vector.broadcast %neg3A_826 : f32 to vector<16xf32>
      %neg3A_828 = arith.subf %neg3A_827, %sub3A_822 : vector<16xf32>
      %select_n3A_829 = arith.select %ge3A_825, %sub3A_822, %neg3A_828 : vector<16xi1>, vector<16xf32>
      %add3A_830 = arith.constant 1.000000e+00 : f32
      %add3A_831 = vector.broadcast %add3A_830 : f32 to vector<16xf32>
      %add3A_832 = arith.addf %add3A_831, %select_n3A_829 : vector<16xf32>
      %mul3A_833 = arith.constant 5.000000e-01 : f32
      %mul3A_834 = vector.broadcast %mul3A_833 : f32 to vector<16xf32>
      %mul3A_835 = arith.mulf %mul3A_834, %add3A_832 : vector<16xf32>
      %eq3A_836 = arith.constant 4 : i32
      %eq3A_837 = vector.broadcast %eq3A_836 : i32 to vector<16xi32>
      %eq3A_838 = arith.cmpi eq, %select_n3A_397, %eq3A_837 : vector<16xi32>
      %select_n3A_839 = arith.select %eq3A_838, %div3A_512, %broadcast_in_dim3A_8 : vector<16xi1>, vector<16xf32>
      %eq3A_840 = arith.constant 4 : i32
      %eq3A_841 = vector.broadcast %eq3A_840 : i32 to vector<16xi32>
      %eq3A_842 = arith.cmpi eq, %select_n3A_468, %eq3A_841 : vector<16xi32>
      %select_n3A_843 = arith.select %eq3A_842, %sub3A_515, %broadcast_in_dim3A_8 : vector<16xi1>, vector<16xf32>
      %add3A_844 = arith.addf %select_n3A_839, %select_n3A_843 : vector<16xf32>
      %add3A_845 = arith.addf %scan3A_233, %add3A_844 : vector<16xf32>
      %add3A_846 = arith.addf %scan3A_241, %mul3A_835 : vector<16xf32>
      %div3A_847 = arith.constant 1.000000e+00 : f32
      %div3A_848 = vector.broadcast %div3A_847 : f32 to vector<16xf32>
      %div3A_849 = arith.divf %div3A_848, %get3A_301 : vector<16xf32>
      %gt3A_850 = arith.cmpf ogt, %add3A_345, %max3A_507 : vector<16xf32>
      %select_n3A_851 = arith.select %gt3A_850, %max3A_507, %max3A_436 : vector<16xi1>, vector<16xf32>
      %sub3A_852 = arith.subf %get3A_269, %select_n3A_851 : vector<16xf32>
      %mul3A_853 = arith.mulf %sub3A_852, %div3A_849 : vector<16xf32>
      %mul3A_854 = arith.constant 0.707106769 : f32
      %mul3A_855 = vector.broadcast %mul3A_854 : f32 to vector<16xf32>
      %mul3A_856 = arith.mulf %mul3A_853, %mul3A_855 : vector<16xf32>
      %abs3A_857 = math.absf %mul3A_856 : vector<16xf32>
      %mul3A_858 = arith.constant 4.704700e-01 : f32
      %mul3A_859 = vector.broadcast %mul3A_858 : f32 to vector<16xf32>
      %mul3A_860 = arith.mulf %mul3A_859, %abs3A_857 : vector<16xf32>
      %add3A_861 = arith.constant 1.000000e+00 : f32
      %add3A_862 = vector.broadcast %add3A_861 : f32 to vector<16xf32>
      %add3A_863 = arith.addf %add3A_862, %mul3A_860 : vector<16xf32>
      %div3A_864 = arith.constant 1.000000e+00 : f32
      %div3A_865 = vector.broadcast %div3A_864 : f32 to vector<16xf32>
      %div3A_866 = arith.divf %div3A_865, %add3A_863 : vector<16xf32>
      %mul3A_867 = arith.constant 0.747855603 : f32
      %mul3A_868 = vector.broadcast %mul3A_867 : f32 to vector<16xf32>
      %mul3A_869 = arith.mulf %mul3A_868, %div3A_866 : vector<16xf32>
      %add3A_870 = arith.constant -9.587980e-02 : f32
      %add3A_871 = vector.broadcast %add3A_870 : f32 to vector<16xf32>
      %add3A_872 = arith.addf %mul3A_869, %add3A_871 : vector<16xf32>
      %mul3A_873 = arith.mulf %add3A_872, %div3A_866 : vector<16xf32>
      %add3A_874 = arith.constant 0.348024189 : f32
      %add3A_875 = vector.broadcast %add3A_874 : f32 to vector<16xf32>
      %add3A_876 = arith.addf %mul3A_873, %add3A_875 : vector<16xf32>
      %mul3A_877 = arith.mulf %add3A_876, %div3A_866 : vector<16xf32>
      %neg3A_878 = arith.constant 0.000000e+00 : f32
      %neg3A_879 = vector.broadcast %neg3A_878 : f32 to vector<16xf32>
      %neg3A_880 = arith.subf %neg3A_879, %abs3A_857 : vector<16xf32>
      %mul3A_881 = arith.mulf %neg3A_880, %abs3A_857 : vector<16xf32>
      %exp3A_882 = math.exp %mul3A_881 : vector<16xf32>
      %mul3A_883 = arith.mulf %mul3A_877, %exp3A_882 : vector<16xf32>
      %sub3A_884 = arith.constant 1.000000e+00 : f32
      %sub3A_885 = vector.broadcast %sub3A_884 : f32 to vector<16xf32>
      %sub3A_886 = arith.subf %sub3A_885, %mul3A_883 : vector<16xf32>
      %ge3A_887 = arith.constant 0.000000e+00 : f32
      %ge3A_888 = vector.broadcast %ge3A_887 : f32 to vector<16xf32>
      %ge3A_889 = arith.cmpf oge, %mul3A_856, %ge3A_888 : vector<16xf32>
      %neg3A_890 = arith.constant 0.000000e+00 : f32
      %neg3A_891 = vector.broadcast %neg3A_890 : f32 to vector<16xf32>
      %neg3A_892 = arith.subf %neg3A_891, %sub3A_886 : vector<16xf32>
      %select_n3A_893 = arith.select %ge3A_889, %sub3A_886, %neg3A_892 : vector<16xi1>, vector<16xf32>
      %add3A_894 = arith.constant 1.000000e+00 : f32
      %add3A_895 = vector.broadcast %add3A_894 : f32 to vector<16xf32>
      %add3A_896 = arith.addf %add3A_895, %select_n3A_893 : vector<16xf32>
      %mul3A_897 = arith.constant 5.000000e-01 : f32
      %mul3A_898 = vector.broadcast %mul3A_897 : f32 to vector<16xf32>
      %mul3A_899 = arith.mulf %mul3A_898, %add3A_896 : vector<16xf32>
      %eq3A_900 = arith.constant 5 : i32
      %eq3A_901 = vector.broadcast %eq3A_900 : i32 to vector<16xi32>
      %eq3A_902 = arith.cmpi eq, %select_n3A_397, %eq3A_901 : vector<16xi32>
      %select_n3A_903 = arith.select %eq3A_902, %div3A_512, %broadcast_in_dim3A_8 : vector<16xi1>, vector<16xf32>
      %eq3A_904 = arith.constant 5 : i32
      %eq3A_905 = vector.broadcast %eq3A_904 : i32 to vector<16xi32>
      %eq3A_906 = arith.cmpi eq, %select_n3A_468, %eq3A_905 : vector<16xi32>
      %select_n3A_907 = arith.select %eq3A_906, %sub3A_515, %broadcast_in_dim3A_8 : vector<16xi1>, vector<16xf32>
      %add3A_908 = arith.addf %select_n3A_903, %select_n3A_907 : vector<16xf32>
      %add3A_909 = arith.addf %scan3A_234, %add3A_908 : vector<16xf32>
      %add3A_910 = arith.addf %scan3A_242, %mul3A_899 : vector<16xf32>
      %div3A_911 = arith.constant 1.000000e+00 : f32
      %div3A_912 = vector.broadcast %div3A_911 : f32 to vector<16xf32>
      %div3A_913 = arith.divf %div3A_912, %get3A_305 : vector<16xf32>
      %gt3A_914 = arith.cmpf ogt, %add3A_351, %max3A_507 : vector<16xf32>
      %select_n3A_915 = arith.select %gt3A_914, %max3A_507, %max3A_436 : vector<16xi1>, vector<16xf32>
      %sub3A_916 = arith.subf %get3A_273, %select_n3A_915 : vector<16xf32>
      %mul3A_917 = arith.mulf %sub3A_916, %div3A_913 : vector<16xf32>
      %mul3A_918 = arith.constant 0.707106769 : f32
      %mul3A_919 = vector.broadcast %mul3A_918 : f32 to vector<16xf32>
      %mul3A_920 = arith.mulf %mul3A_917, %mul3A_919 : vector<16xf32>
      %abs3A_921 = math.absf %mul3A_920 : vector<16xf32>
      %mul3A_922 = arith.constant 4.704700e-01 : f32
      %mul3A_923 = vector.broadcast %mul3A_922 : f32 to vector<16xf32>
      %mul3A_924 = arith.mulf %mul3A_923, %abs3A_921 : vector<16xf32>
      %add3A_925 = arith.constant 1.000000e+00 : f32
      %add3A_926 = vector.broadcast %add3A_925 : f32 to vector<16xf32>
      %add3A_927 = arith.addf %add3A_926, %mul3A_924 : vector<16xf32>
      %div3A_928 = arith.constant 1.000000e+00 : f32
      %div3A_929 = vector.broadcast %div3A_928 : f32 to vector<16xf32>
      %div3A_930 = arith.divf %div3A_929, %add3A_927 : vector<16xf32>
      %mul3A_931 = arith.constant 0.747855603 : f32
      %mul3A_932 = vector.broadcast %mul3A_931 : f32 to vector<16xf32>
      %mul3A_933 = arith.mulf %mul3A_932, %div3A_930 : vector<16xf32>
      %add3A_934 = arith.constant -9.587980e-02 : f32
      %add3A_935 = vector.broadcast %add3A_934 : f32 to vector<16xf32>
      %add3A_936 = arith.addf %mul3A_933, %add3A_935 : vector<16xf32>
      %mul3A_937 = arith.mulf %add3A_936, %div3A_930 : vector<16xf32>
      %add3A_938 = arith.constant 0.348024189 : f32
      %add3A_939 = vector.broadcast %add3A_938 : f32 to vector<16xf32>
      %add3A_940 = arith.addf %mul3A_937, %add3A_939 : vector<16xf32>
      %mul3A_941 = arith.mulf %add3A_940, %div3A_930 : vector<16xf32>
      %neg3A_942 = arith.constant 0.000000e+00 : f32
      %neg3A_943 = vector.broadcast %neg3A_942 : f32 to vector<16xf32>
      %neg3A_944 = arith.subf %neg3A_943, %abs3A_921 : vector<16xf32>
      %mul3A_945 = arith.mulf %neg3A_944, %abs3A_921 : vector<16xf32>
      %exp3A_946 = math.exp %mul3A_945 : vector<16xf32>
      %mul3A_947 = arith.mulf %mul3A_941, %exp3A_946 : vector<16xf32>
      %sub3A_948 = arith.constant 1.000000e+00 : f32
      %sub3A_949 = vector.broadcast %sub3A_948 : f32 to vector<16xf32>
      %sub3A_950 = arith.subf %sub3A_949, %mul3A_947 : vector<16xf32>
      %ge3A_951 = arith.constant 0.000000e+00 : f32
      %ge3A_952 = vector.broadcast %ge3A_951 : f32 to vector<16xf32>
      %ge3A_953 = arith.cmpf oge, %mul3A_920, %ge3A_952 : vector<16xf32>
      %neg3A_954 = arith.constant 0.000000e+00 : f32
      %neg3A_955 = vector.broadcast %neg3A_954 : f32 to vector<16xf32>
      %neg3A_956 = arith.subf %neg3A_955, %sub3A_950 : vector<16xf32>
      %select_n3A_957 = arith.select %ge3A_953, %sub3A_950, %neg3A_956 : vector<16xi1>, vector<16xf32>
      %add3A_958 = arith.constant 1.000000e+00 : f32
      %add3A_959 = vector.broadcast %add3A_958 : f32 to vector<16xf32>
      %add3A_960 = arith.addf %add3A_959, %select_n3A_957 : vector<16xf32>
      %mul3A_961 = arith.constant 5.000000e-01 : f32
      %mul3A_962 = vector.broadcast %mul3A_961 : f32 to vector<16xf32>
      %mul3A_963 = arith.mulf %mul3A_962, %add3A_960 : vector<16xf32>
      %eq3A_964 = arith.constant 6 : i32
      %eq3A_965 = vector.broadcast %eq3A_964 : i32 to vector<16xi32>
      %eq3A_966 = arith.cmpi eq, %select_n3A_397, %eq3A_965 : vector<16xi32>
      %select_n3A_967 = arith.select %eq3A_966, %div3A_512, %broadcast_in_dim3A_8 : vector<16xi1>, vector<16xf32>
      %eq3A_968 = arith.constant 6 : i32
      %eq3A_969 = vector.broadcast %eq3A_968 : i32 to vector<16xi32>
      %eq3A_970 = arith.cmpi eq, %select_n3A_468, %eq3A_969 : vector<16xi32>
      %select_n3A_971 = arith.select %eq3A_970, %sub3A_515, %broadcast_in_dim3A_8 : vector<16xi1>, vector<16xf32>
      %add3A_972 = arith.addf %select_n3A_967, %select_n3A_971 : vector<16xf32>
      %add3A_973 = arith.addf %scan3A_235, %add3A_972 : vector<16xf32>
      %add3A_974 = arith.addf %scan3A_243, %mul3A_963 : vector<16xf32>
      %div3A_975 = arith.constant 1.000000e+00 : f32
      %div3A_976 = vector.broadcast %div3A_975 : f32 to vector<16xf32>
      %div3A_977 = arith.divf %div3A_976, %get3A_309 : vector<16xf32>
      %gt3A_978 = arith.cmpf ogt, %add3A_357, %max3A_507 : vector<16xf32>
      %select_n3A_979 = arith.select %gt3A_978, %max3A_507, %max3A_436 : vector<16xi1>, vector<16xf32>
      %sub3A_980 = arith.subf %get3A_277, %select_n3A_979 : vector<16xf32>
      %mul3A_981 = arith.mulf %sub3A_980, %div3A_977 : vector<16xf32>
      %mul3A_982 = arith.constant 0.707106769 : f32
      %mul3A_983 = vector.broadcast %mul3A_982 : f32 to vector<16xf32>
      %mul3A_984 = arith.mulf %mul3A_981, %mul3A_983 : vector<16xf32>
      %abs3A_985 = math.absf %mul3A_984 : vector<16xf32>
      %mul3A_986 = arith.constant 4.704700e-01 : f32
      %mul3A_987 = vector.broadcast %mul3A_986 : f32 to vector<16xf32>
      %mul3A_988 = arith.mulf %mul3A_987, %abs3A_985 : vector<16xf32>
      %add3A_989 = arith.constant 1.000000e+00 : f32
      %add3A_990 = vector.broadcast %add3A_989 : f32 to vector<16xf32>
      %add3A_991 = arith.addf %add3A_990, %mul3A_988 : vector<16xf32>
      %div3A_992 = arith.constant 1.000000e+00 : f32
      %div3A_993 = vector.broadcast %div3A_992 : f32 to vector<16xf32>
      %div3A_994 = arith.divf %div3A_993, %add3A_991 : vector<16xf32>
      %mul3A_995 = arith.constant 0.747855603 : f32
      %mul3A_996 = vector.broadcast %mul3A_995 : f32 to vector<16xf32>
      %mul3A_997 = arith.mulf %mul3A_996, %div3A_994 : vector<16xf32>
      %add3A_998 = arith.constant -9.587980e-02 : f32
      %add3A_999 = vector.broadcast %add3A_998 : f32 to vector<16xf32>
      %add3A_1000 = arith.addf %mul3A_997, %add3A_999 : vector<16xf32>
      %mul3A_1001 = arith.mulf %add3A_1000, %div3A_994 : vector<16xf32>
      %add3A_1002 = arith.constant 0.348024189 : f32
      %add3A_1003 = vector.broadcast %add3A_1002 : f32 to vector<16xf32>
      %add3A_1004 = arith.addf %mul3A_1001, %add3A_1003 : vector<16xf32>
      %mul3A_1005 = arith.mulf %add3A_1004, %div3A_994 : vector<16xf32>
      %neg3A_1006 = arith.constant 0.000000e+00 : f32
      %neg3A_1007 = vector.broadcast %neg3A_1006 : f32 to vector<16xf32>
      %neg3A_1008 = arith.subf %neg3A_1007, %abs3A_985 : vector<16xf32>
      %mul3A_1009 = arith.mulf %neg3A_1008, %abs3A_985 : vector<16xf32>
      %exp3A_1010 = math.exp %mul3A_1009 : vector<16xf32>
      %mul3A_1011 = arith.mulf %mul3A_1005, %exp3A_1010 : vector<16xf32>
      %sub3A_1012 = arith.constant 1.000000e+00 : f32
      %sub3A_1013 = vector.broadcast %sub3A_1012 : f32 to vector<16xf32>
      %sub3A_1014 = arith.subf %sub3A_1013, %mul3A_1011 : vector<16xf32>
      %ge3A_1015 = arith.constant 0.000000e+00 : f32
      %ge3A_1016 = vector.broadcast %ge3A_1015 : f32 to vector<16xf32>
      %ge3A_1017 = arith.cmpf oge, %mul3A_984, %ge3A_1016 : vector<16xf32>
      %neg3A_1018 = arith.constant 0.000000e+00 : f32
      %neg3A_1019 = vector.broadcast %neg3A_1018 : f32 to vector<16xf32>
      %neg3A_1020 = arith.subf %neg3A_1019, %sub3A_1014 : vector<16xf32>
      %select_n3A_1021 = arith.select %ge3A_1017, %sub3A_1014, %neg3A_1020 : vector<16xi1>, vector<16xf32>
      %add3A_1022 = arith.constant 1.000000e+00 : f32
      %add3A_1023 = vector.broadcast %add3A_1022 : f32 to vector<16xf32>
      %add3A_1024 = arith.addf %add3A_1023, %select_n3A_1021 : vector<16xf32>
      %mul3A_1025 = arith.constant 5.000000e-01 : f32
      %mul3A_1026 = vector.broadcast %mul3A_1025 : f32 to vector<16xf32>
      %mul3A_1027 = arith.mulf %mul3A_1026, %add3A_1024 : vector<16xf32>
      %eq3A_1028 = arith.constant 7 : i32
      %eq3A_1029 = vector.broadcast %eq3A_1028 : i32 to vector<16xi32>
      %eq3A_1030 = arith.cmpi eq, %select_n3A_397, %eq3A_1029 : vector<16xi32>
      %select_n3A_1031 = arith.select %eq3A_1030, %div3A_512, %broadcast_in_dim3A_8 : vector<16xi1>, vector<16xf32>
      %eq3A_1032 = arith.constant 7 : i32
      %eq3A_1033 = vector.broadcast %eq3A_1032 : i32 to vector<16xi32>
      %eq3A_1034 = arith.cmpi eq, %select_n3A_468, %eq3A_1033 : vector<16xi32>
      %select_n3A_1035 = arith.select %eq3A_1034, %sub3A_515, %broadcast_in_dim3A_8 : vector<16xi1>, vector<16xf32>
      %add3A_1036 = arith.addf %select_n3A_1031, %select_n3A_1035 : vector<16xf32>
      %add3A_1037 = arith.addf %scan3A_236, %add3A_1036 : vector<16xf32>
      %add3A_1038 = arith.addf %scan3A_244, %mul3A_1027 : vector<16xf32>
      scf.yield %add3A_589, %add3A_653, %add3A_717, %add3A_781, %add3A_845, %add3A_909, %add3A_973, %add3A_1037, %add3A_590, %add3A_654, %add3A_718, %add3A_782, %add3A_846, %add3A_910, %add3A_974, %add3A_1038 : vector<16xf32>, vector<16xf32>, vector<16xf32>, vector<16xf32>, vector<16xf32>, vector<16xf32>, vector<16xf32>, vector<16xf32>, vector<16xf32>, vector<16xf32>, vector<16xf32>, vector<16xf32>, vector<16xf32>, vector<16xf32>, vector<16xf32>, vector<16xf32>
    }
    %scan3A_15 = arith.constant 40 : i32
    %reduce_sum3A = arith.constant true
    %reduce_sum3A_16 = vector.broadcast %reduce_sum3A : i1 to vector<16xi1>
    %reduce_sum3A_17 = tpu.scan <sum>, %scan3A_14#0 masked %reduce_sum3A_16 : vector<16xf32>, vector<16xi1> -> vector<16xf32>
    %reduce_sum3A_18 = vector.extract %reduce_sum3A_17[15] : f32 from vector<16xf32>
    %eq3A = arith.constant 0 : i32
    %eq3A_19 = vector.broadcast %eq3A : i32 to vector<16xi32>
    %eq3A_20 = arith.cmpi eq, %iota3A, %eq3A_19 : vector<16xi32>
    %broadcast_in_dim3A_21 = arith.constant 1.000000e+00 : f32
    %broadcast_in_dim3A_22 = vector.broadcast %broadcast_in_dim3A_21 : f32 to vector<16xf32>
    %mul3A_23 = vector.broadcast %reduce_sum3A_18 : f32 to vector<16xf32>
    %mul3A_24 = arith.mulf %broadcast_in_dim3A_22, %mul3A_23 : vector<16xf32>
    %select_n3A = arith.select %eq3A_20, %mul3A_24, %broadcast_in_dim3A_8 : vector<16xi1>, vector<16xf32>
    %add3A_25 = arith.addf %broadcast_in_dim3A_8, %select_n3A : vector<16xf32>
    %reduce_sum3A_26 = arith.constant true
    %reduce_sum3A_27 = vector.broadcast %reduce_sum3A_26 : i1 to vector<16xi1>
    %reduce_sum3A_28 = tpu.scan <sum>, %scan3A_14#1 masked %reduce_sum3A_27 : vector<16xf32>, vector<16xi1> -> vector<16xf32>
    %reduce_sum3A_29 = vector.extract %reduce_sum3A_28[15] : f32 from vector<16xf32>
    %eq3A_30 = arith.constant 1 : i32
    %eq3A_31 = vector.broadcast %eq3A_30 : i32 to vector<16xi32>
    %eq3A_32 = arith.cmpi eq, %iota3A, %eq3A_31 : vector<16xi32>
    %broadcast_in_dim3A_33 = arith.constant 1.000000e+00 : f32
    %broadcast_in_dim3A_34 = vector.broadcast %broadcast_in_dim3A_33 : f32 to vector<16xf32>
    %mul3A_35 = vector.broadcast %reduce_sum3A_29 : f32 to vector<16xf32>
    %mul3A_36 = arith.mulf %broadcast_in_dim3A_34, %mul3A_35 : vector<16xf32>
    %select_n3A_37 = arith.select %eq3A_32, %mul3A_36, %broadcast_in_dim3A_8 : vector<16xi1>, vector<16xf32>
    %add3A_38 = arith.addf %add3A_25, %select_n3A_37 : vector<16xf32>
    %reduce_sum3A_39 = arith.constant true
    %reduce_sum3A_40 = vector.broadcast %reduce_sum3A_39 : i1 to vector<16xi1>
    %reduce_sum3A_41 = tpu.scan <sum>, %scan3A_14#2 masked %reduce_sum3A_40 : vector<16xf32>, vector<16xi1> -> vector<16xf32>
    %reduce_sum3A_42 = vector.extract %reduce_sum3A_41[15] : f32 from vector<16xf32>
    %eq3A_43 = arith.constant 2 : i32
    %eq3A_44 = vector.broadcast %eq3A_43 : i32 to vector<16xi32>
    %eq3A_45 = arith.cmpi eq, %iota3A, %eq3A_44 : vector<16xi32>
    %broadcast_in_dim3A_46 = arith.constant 1.000000e+00 : f32
    %broadcast_in_dim3A_47 = vector.broadcast %broadcast_in_dim3A_46 : f32 to vector<16xf32>
    %mul3A_48 = vector.broadcast %reduce_sum3A_42 : f32 to vector<16xf32>
    %mul3A_49 = arith.mulf %broadcast_in_dim3A_47, %mul3A_48 : vector<16xf32>
    %select_n3A_50 = arith.select %eq3A_45, %mul3A_49, %broadcast_in_dim3A_8 : vector<16xi1>, vector<16xf32>
    %add3A_51 = arith.addf %add3A_38, %select_n3A_50 : vector<16xf32>
    %reduce_sum3A_52 = arith.constant true
    %reduce_sum3A_53 = vector.broadcast %reduce_sum3A_52 : i1 to vector<16xi1>
    %reduce_sum3A_54 = tpu.scan <sum>, %scan3A_14#3 masked %reduce_sum3A_53 : vector<16xf32>, vector<16xi1> -> vector<16xf32>
    %reduce_sum3A_55 = vector.extract %reduce_sum3A_54[15] : f32 from vector<16xf32>
    %eq3A_56 = arith.constant 3 : i32
    %eq3A_57 = vector.broadcast %eq3A_56 : i32 to vector<16xi32>
    %eq3A_58 = arith.cmpi eq, %iota3A, %eq3A_57 : vector<16xi32>
    %broadcast_in_dim3A_59 = arith.constant 1.000000e+00 : f32
    %broadcast_in_dim3A_60 = vector.broadcast %broadcast_in_dim3A_59 : f32 to vector<16xf32>
    %mul3A_61 = vector.broadcast %reduce_sum3A_55 : f32 to vector<16xf32>
    %mul3A_62 = arith.mulf %broadcast_in_dim3A_60, %mul3A_61 : vector<16xf32>
    %select_n3A_63 = arith.select %eq3A_58, %mul3A_62, %broadcast_in_dim3A_8 : vector<16xi1>, vector<16xf32>
    %add3A_64 = arith.addf %add3A_51, %select_n3A_63 : vector<16xf32>
    %reduce_sum3A_65 = arith.constant true
    %reduce_sum3A_66 = vector.broadcast %reduce_sum3A_65 : i1 to vector<16xi1>
    %reduce_sum3A_67 = tpu.scan <sum>, %scan3A_14#4 masked %reduce_sum3A_66 : vector<16xf32>, vector<16xi1> -> vector<16xf32>
    %reduce_sum3A_68 = vector.extract %reduce_sum3A_67[15] : f32 from vector<16xf32>
    %eq3A_69 = arith.constant 4 : i32
    %eq3A_70 = vector.broadcast %eq3A_69 : i32 to vector<16xi32>
    %eq3A_71 = arith.cmpi eq, %iota3A, %eq3A_70 : vector<16xi32>
    %broadcast_in_dim3A_72 = arith.constant 1.000000e+00 : f32
    %broadcast_in_dim3A_73 = vector.broadcast %broadcast_in_dim3A_72 : f32 to vector<16xf32>
    %mul3A_74 = vector.broadcast %reduce_sum3A_68 : f32 to vector<16xf32>
    %mul3A_75 = arith.mulf %broadcast_in_dim3A_73, %mul3A_74 : vector<16xf32>
    %select_n3A_76 = arith.select %eq3A_71, %mul3A_75, %broadcast_in_dim3A_8 : vector<16xi1>, vector<16xf32>
    %add3A_77 = arith.addf %add3A_64, %select_n3A_76 : vector<16xf32>
    %reduce_sum3A_78 = arith.constant true
    %reduce_sum3A_79 = vector.broadcast %reduce_sum3A_78 : i1 to vector<16xi1>
    %reduce_sum3A_80 = tpu.scan <sum>, %scan3A_14#5 masked %reduce_sum3A_79 : vector<16xf32>, vector<16xi1> -> vector<16xf32>
    %reduce_sum3A_81 = vector.extract %reduce_sum3A_80[15] : f32 from vector<16xf32>
    %eq3A_82 = arith.constant 5 : i32
    %eq3A_83 = vector.broadcast %eq3A_82 : i32 to vector<16xi32>
    %eq3A_84 = arith.cmpi eq, %iota3A, %eq3A_83 : vector<16xi32>
    %broadcast_in_dim3A_85 = arith.constant 1.000000e+00 : f32
    %broadcast_in_dim3A_86 = vector.broadcast %broadcast_in_dim3A_85 : f32 to vector<16xf32>
    %mul3A_87 = vector.broadcast %reduce_sum3A_81 : f32 to vector<16xf32>
    %mul3A_88 = arith.mulf %broadcast_in_dim3A_86, %mul3A_87 : vector<16xf32>
    %select_n3A_89 = arith.select %eq3A_84, %mul3A_88, %broadcast_in_dim3A_8 : vector<16xi1>, vector<16xf32>
    %add3A_90 = arith.addf %add3A_77, %select_n3A_89 : vector<16xf32>
    %reduce_sum3A_91 = arith.constant true
    %reduce_sum3A_92 = vector.broadcast %reduce_sum3A_91 : i1 to vector<16xi1>
    %reduce_sum3A_93 = tpu.scan <sum>, %scan3A_14#6 masked %reduce_sum3A_92 : vector<16xf32>, vector<16xi1> -> vector<16xf32>
    %reduce_sum3A_94 = vector.extract %reduce_sum3A_93[15] : f32 from vector<16xf32>
    %eq3A_95 = arith.constant 6 : i32
    %eq3A_96 = vector.broadcast %eq3A_95 : i32 to vector<16xi32>
    %eq3A_97 = arith.cmpi eq, %iota3A, %eq3A_96 : vector<16xi32>
    %broadcast_in_dim3A_98 = arith.constant 1.000000e+00 : f32
    %broadcast_in_dim3A_99 = vector.broadcast %broadcast_in_dim3A_98 : f32 to vector<16xf32>
    %mul3A_100 = vector.broadcast %reduce_sum3A_94 : f32 to vector<16xf32>
    %mul3A_101 = arith.mulf %broadcast_in_dim3A_99, %mul3A_100 : vector<16xf32>
    %select_n3A_102 = arith.select %eq3A_97, %mul3A_101, %broadcast_in_dim3A_8 : vector<16xi1>, vector<16xf32>
    %add3A_103 = arith.addf %add3A_90, %select_n3A_102 : vector<16xf32>
    %reduce_sum3A_104 = arith.constant true
    %reduce_sum3A_105 = vector.broadcast %reduce_sum3A_104 : i1 to vector<16xi1>
    %reduce_sum3A_106 = tpu.scan <sum>, %scan3A_14#7 masked %reduce_sum3A_105 : vector<16xf32>, vector<16xi1> -> vector<16xf32>
    %reduce_sum3A_107 = vector.extract %reduce_sum3A_106[15] : f32 from vector<16xf32>
    %eq3A_108 = arith.constant 7 : i32
    %eq3A_109 = vector.broadcast %eq3A_108 : i32 to vector<16xi32>
    %eq3A_110 = arith.cmpi eq, %iota3A, %eq3A_109 : vector<16xi32>
    %broadcast_in_dim3A_111 = arith.constant 1.000000e+00 : f32
    %broadcast_in_dim3A_112 = vector.broadcast %broadcast_in_dim3A_111 : f32 to vector<16xf32>
    %mul3A_113 = vector.broadcast %reduce_sum3A_107 : f32 to vector<16xf32>
    %mul3A_114 = arith.mulf %broadcast_in_dim3A_112, %mul3A_113 : vector<16xf32>
    %select_n3A_115 = arith.select %eq3A_110, %mul3A_114, %broadcast_in_dim3A_8 : vector<16xi1>, vector<16xf32>
    %add3A_116 = arith.addf %add3A_103, %select_n3A_115 : vector<16xf32>
    %reduce_sum3A_117 = arith.constant true
    %reduce_sum3A_118 = vector.broadcast %reduce_sum3A_117 : i1 to vector<16xi1>
    %reduce_sum3A_119 = tpu.scan <sum>, %scan3A_14#8 masked %reduce_sum3A_118 : vector<16xf32>, vector<16xi1> -> vector<16xf32>
    %reduce_sum3A_120 = vector.extract %reduce_sum3A_119[15] : f32 from vector<16xf32>
    %eq3A_121 = arith.constant 8 : i32
    %eq3A_122 = vector.broadcast %eq3A_121 : i32 to vector<16xi32>
    %eq3A_123 = arith.cmpi eq, %iota3A, %eq3A_122 : vector<16xi32>
    %broadcast_in_dim3A_124 = arith.constant 1.000000e+00 : f32
    %broadcast_in_dim3A_125 = vector.broadcast %broadcast_in_dim3A_124 : f32 to vector<16xf32>
    %mul3A_126 = vector.broadcast %reduce_sum3A_120 : f32 to vector<16xf32>
    %mul3A_127 = arith.mulf %broadcast_in_dim3A_125, %mul3A_126 : vector<16xf32>
    %select_n3A_128 = arith.select %eq3A_123, %mul3A_127, %broadcast_in_dim3A_8 : vector<16xi1>, vector<16xf32>
    %add3A_129 = arith.addf %add3A_116, %select_n3A_128 : vector<16xf32>
    %reduce_sum3A_130 = arith.constant true
    %reduce_sum3A_131 = vector.broadcast %reduce_sum3A_130 : i1 to vector<16xi1>
    %reduce_sum3A_132 = tpu.scan <sum>, %scan3A_14#9 masked %reduce_sum3A_131 : vector<16xf32>, vector<16xi1> -> vector<16xf32>
    %reduce_sum3A_133 = vector.extract %reduce_sum3A_132[15] : f32 from vector<16xf32>
    %eq3A_134 = arith.constant 9 : i32
    %eq3A_135 = vector.broadcast %eq3A_134 : i32 to vector<16xi32>
    %eq3A_136 = arith.cmpi eq, %iota3A, %eq3A_135 : vector<16xi32>
    %broadcast_in_dim3A_137 = arith.constant 1.000000e+00 : f32
    %broadcast_in_dim3A_138 = vector.broadcast %broadcast_in_dim3A_137 : f32 to vector<16xf32>
    %mul3A_139 = vector.broadcast %reduce_sum3A_133 : f32 to vector<16xf32>
    %mul3A_140 = arith.mulf %broadcast_in_dim3A_138, %mul3A_139 : vector<16xf32>
    %select_n3A_141 = arith.select %eq3A_136, %mul3A_140, %broadcast_in_dim3A_8 : vector<16xi1>, vector<16xf32>
    %add3A_142 = arith.addf %add3A_129, %select_n3A_141 : vector<16xf32>
    %reduce_sum3A_143 = arith.constant true
    %reduce_sum3A_144 = vector.broadcast %reduce_sum3A_143 : i1 to vector<16xi1>
    %reduce_sum3A_145 = tpu.scan <sum>, %scan3A_14#10 masked %reduce_sum3A_144 : vector<16xf32>, vector<16xi1> -> vector<16xf32>
    %reduce_sum3A_146 = vector.extract %reduce_sum3A_145[15] : f32 from vector<16xf32>
    %eq3A_147 = arith.constant 10 : i32
    %eq3A_148 = vector.broadcast %eq3A_147 : i32 to vector<16xi32>
    %eq3A_149 = arith.cmpi eq, %iota3A, %eq3A_148 : vector<16xi32>
    %broadcast_in_dim3A_150 = arith.constant 1.000000e+00 : f32
    %broadcast_in_dim3A_151 = vector.broadcast %broadcast_in_dim3A_150 : f32 to vector<16xf32>
    %mul3A_152 = vector.broadcast %reduce_sum3A_146 : f32 to vector<16xf32>
    %mul3A_153 = arith.mulf %broadcast_in_dim3A_151, %mul3A_152 : vector<16xf32>
    %select_n3A_154 = arith.select %eq3A_149, %mul3A_153, %broadcast_in_dim3A_8 : vector<16xi1>, vector<16xf32>
    %add3A_155 = arith.addf %add3A_142, %select_n3A_154 : vector<16xf32>
    %reduce_sum3A_156 = arith.constant true
    %reduce_sum3A_157 = vector.broadcast %reduce_sum3A_156 : i1 to vector<16xi1>
    %reduce_sum3A_158 = tpu.scan <sum>, %scan3A_14#11 masked %reduce_sum3A_157 : vector<16xf32>, vector<16xi1> -> vector<16xf32>
    %reduce_sum3A_159 = vector.extract %reduce_sum3A_158[15] : f32 from vector<16xf32>
    %eq3A_160 = arith.constant 11 : i32
    %eq3A_161 = vector.broadcast %eq3A_160 : i32 to vector<16xi32>
    %eq3A_162 = arith.cmpi eq, %iota3A, %eq3A_161 : vector<16xi32>
    %broadcast_in_dim3A_163 = arith.constant 1.000000e+00 : f32
    %broadcast_in_dim3A_164 = vector.broadcast %broadcast_in_dim3A_163 : f32 to vector<16xf32>
    %mul3A_165 = vector.broadcast %reduce_sum3A_159 : f32 to vector<16xf32>
    %mul3A_166 = arith.mulf %broadcast_in_dim3A_164, %mul3A_165 : vector<16xf32>
    %select_n3A_167 = arith.select %eq3A_162, %mul3A_166, %broadcast_in_dim3A_8 : vector<16xi1>, vector<16xf32>
    %add3A_168 = arith.addf %add3A_155, %select_n3A_167 : vector<16xf32>
    %reduce_sum3A_169 = arith.constant true
    %reduce_sum3A_170 = vector.broadcast %reduce_sum3A_169 : i1 to vector<16xi1>
    %reduce_sum3A_171 = tpu.scan <sum>, %scan3A_14#12 masked %reduce_sum3A_170 : vector<16xf32>, vector<16xi1> -> vector<16xf32>
    %reduce_sum3A_172 = vector.extract %reduce_sum3A_171[15] : f32 from vector<16xf32>
    %eq3A_173 = arith.constant 12 : i32
    %eq3A_174 = vector.broadcast %eq3A_173 : i32 to vector<16xi32>
    %eq3A_175 = arith.cmpi eq, %iota3A, %eq3A_174 : vector<16xi32>
    %broadcast_in_dim3A_176 = arith.constant 1.000000e+00 : f32
    %broadcast_in_dim3A_177 = vector.broadcast %broadcast_in_dim3A_176 : f32 to vector<16xf32>
    %mul3A_178 = vector.broadcast %reduce_sum3A_172 : f32 to vector<16xf32>
    %mul3A_179 = arith.mulf %broadcast_in_dim3A_177, %mul3A_178 : vector<16xf32>
    %select_n3A_180 = arith.select %eq3A_175, %mul3A_179, %broadcast_in_dim3A_8 : vector<16xi1>, vector<16xf32>
    %add3A_181 = arith.addf %add3A_168, %select_n3A_180 : vector<16xf32>
    %reduce_sum3A_182 = arith.constant true
    %reduce_sum3A_183 = vector.broadcast %reduce_sum3A_182 : i1 to vector<16xi1>
    %reduce_sum3A_184 = tpu.scan <sum>, %scan3A_14#13 masked %reduce_sum3A_183 : vector<16xf32>, vector<16xi1> -> vector<16xf32>
    %reduce_sum3A_185 = vector.extract %reduce_sum3A_184[15] : f32 from vector<16xf32>
    %eq3A_186 = arith.constant 13 : i32
    %eq3A_187 = vector.broadcast %eq3A_186 : i32 to vector<16xi32>
    %eq3A_188 = arith.cmpi eq, %iota3A, %eq3A_187 : vector<16xi32>
    %broadcast_in_dim3A_189 = arith.constant 1.000000e+00 : f32
    %broadcast_in_dim3A_190 = vector.broadcast %broadcast_in_dim3A_189 : f32 to vector<16xf32>
    %mul3A_191 = vector.broadcast %reduce_sum3A_185 : f32 to vector<16xf32>
    %mul3A_192 = arith.mulf %broadcast_in_dim3A_190, %mul3A_191 : vector<16xf32>
    %select_n3A_193 = arith.select %eq3A_188, %mul3A_192, %broadcast_in_dim3A_8 : vector<16xi1>, vector<16xf32>
    %add3A_194 = arith.addf %add3A_181, %select_n3A_193 : vector<16xf32>
    %reduce_sum3A_195 = arith.constant true
    %reduce_sum3A_196 = vector.broadcast %reduce_sum3A_195 : i1 to vector<16xi1>
    %reduce_sum3A_197 = tpu.scan <sum>, %scan3A_14#14 masked %reduce_sum3A_196 : vector<16xf32>, vector<16xi1> -> vector<16xf32>
    %reduce_sum3A_198 = vector.extract %reduce_sum3A_197[15] : f32 from vector<16xf32>
    %eq3A_199 = arith.constant 14 : i32
    %eq3A_200 = vector.broadcast %eq3A_199 : i32 to vector<16xi32>
    %eq3A_201 = arith.cmpi eq, %iota3A, %eq3A_200 : vector<16xi32>
    %broadcast_in_dim3A_202 = arith.constant 1.000000e+00 : f32
    %broadcast_in_dim3A_203 = vector.broadcast %broadcast_in_dim3A_202 : f32 to vector<16xf32>
    %mul3A_204 = vector.broadcast %reduce_sum3A_198 : f32 to vector<16xf32>
    %mul3A_205 = arith.mulf %broadcast_in_dim3A_203, %mul3A_204 : vector<16xf32>
    %select_n3A_206 = arith.select %eq3A_201, %mul3A_205, %broadcast_in_dim3A_8 : vector<16xi1>, vector<16xf32>
    %add3A_207 = arith.addf %add3A_194, %select_n3A_206 : vector<16xf32>
    %reduce_sum3A_208 = arith.constant true
    %reduce_sum3A_209 = vector.broadcast %reduce_sum3A_208 : i1 to vector<16xi1>
    %reduce_sum3A_210 = tpu.scan <sum>, %scan3A_14#15 masked %reduce_sum3A_209 : vector<16xf32>, vector<16xi1> -> vector<16xf32>
    %reduce_sum3A_211 = vector.extract %reduce_sum3A_210[15] : f32 from vector<16xf32>
    %eq3A_212 = arith.constant 15 : i32
    %eq3A_213 = vector.broadcast %eq3A_212 : i32 to vector<16xi32>
    %eq3A_214 = arith.cmpi eq, %iota3A, %eq3A_213 : vector<16xi32>
    %broadcast_in_dim3A_215 = arith.constant 1.000000e+00 : f32
    %broadcast_in_dim3A_216 = vector.broadcast %broadcast_in_dim3A_215 : f32 to vector<16xf32>
    %mul3A_217 = vector.broadcast %reduce_sum3A_211 : f32 to vector<16xf32>
    %mul3A_218 = arith.mulf %broadcast_in_dim3A_216, %mul3A_217 : vector<16xf32>
    %select_n3A_219 = arith.select %eq3A_214, %mul3A_218, %broadcast_in_dim3A_8 : vector<16xi1>, vector<16xf32>
    %add3A_220 = arith.addf %add3A_207, %select_n3A_219 : vector<16xf32>
    %swap3A = arith.constant 0 : index
    %swap3A_221 = tpu.vector_load %arg11[%swap3A] {strides = array<i32>} : memref<16xf32, #tpu.memory_space<vmem>>, vector<16xf32>,
    tpu.vector_store %arg11[%swap3A], %add3A_220 {strides = array<i32>} : memref<16xf32, #tpu.memory_space<vmem>>, vector<16xf32>,
    %mul3A_222 = arith.constant 2 : i32
    %mul3A_223 = arith.muli %add3A, %mul3A_222 : i32
    %mul3A_224 = arith.constant 640 : i32
    %mul3A_225 = arith.muli %mul3A_223, %mul3A_224 : i32
    "tpu.region"() ({
      %run_scoped3A = tpu.sem_alloc : memref<!tpu.dma_semaphore, #tpu.memory_space<semaphore_mem>>
      %dma_start3A = tpu.memref_slice %arg4[%mul3A_225] : memref<40960xi32, #tpu.memory_space<hbm>> -> memref<1280xi32, #tpu.memory_space<hbm>>
      %dma_start3A_228 = tpu.memref_slice %arg4[%mul3A_225] : memref<40960xi32, #tpu.memory_space<hbm>> -> memref<1280xi32, #tpu.memory_space<hbm>>
      tpu.enqueue_dma source(%arg9 : memref<1280xi32, #tpu.memory_space<vmem>>) target(%dma_start3A_228 : memref<1280xi32, #tpu.memory_space<hbm>>) target_semaphore(%run_scoped3A : memref<!tpu.dma_semaphore, #tpu.memory_space<semaphore_mem>>)
      %dma_wait3A = tpu.memref_slice %arg4[%mul3A_225] : memref<40960xi32, #tpu.memory_space<hbm>> -> memref<1280xi32, #tpu.memory_space<hbm>>
      %dma_wait3A_229 = tpu.memref_slice %arg4[%mul3A_225] : memref<40960xi32, #tpu.memory_space<hbm>> -> memref<1280xi32, #tpu.memory_space<hbm>>
      tpu.wait_dma2 semaphore(%run_scoped3A : memref<!tpu.dma_semaphore, #tpu.memory_space<semaphore_mem>>) src(%arg9 : memref<1280xi32, #tpu.memory_space<vmem>>) dst(%dma_wait3A_229 : memref<1280xi32, #tpu.memory_space<hbm>>)
      tpu.yield
    }) : () -> ()
    %mul3A_226 = arith.constant 640 : i32
    %mul3A_227 = arith.muli %add3A, %mul3A_226 : i32
    "tpu.region"() ({
      %run_scoped3A = tpu.sem_alloc : memref<!tpu.dma_semaphore, #tpu.memory_space<semaphore_mem>>
      %dma_start3A = arith.constant 0 : i32
      %dma_start3A_228 = tpu.memref_slice %arg5[%dma_start3A, %mul3A_227] : memref<2x20480xf32, #tpu.memory_space<hbm>> -> memref<2x640xf32, #tpu.memory_space<hbm>>
      %dma_start3A_229 = arith.constant 0 : i32
      %dma_start3A_230 = tpu.memref_slice %arg5[%dma_start3A_229, %mul3A_227] : memref<2x20480xf32, #tpu.memory_space<hbm>> -> memref<2x640xf32, #tpu.memory_space<hbm>>
      tpu.enqueue_dma source(%arg10 : memref<2x640xf32, #tpu.memory_space<vmem>>) target(%dma_start3A_230 : memref<2x640xf32, #tpu.memory_space<hbm>>) target_semaphore(%run_scoped3A : memref<!tpu.dma_semaphore, #tpu.memory_space<semaphore_mem>>)
      %dma_wait3A = arith.constant 0 : i32
      %dma_wait3A_231 = tpu.memref_slice %arg5[%dma_wait3A, %mul3A_227] : memref<2x20480xf32, #tpu.memory_space<hbm>> -> memref<2x640xf32, #tpu.memory_space<hbm>>
      %dma_wait3A_232 = arith.constant 0 : i32
      %dma_wait3A_233 = tpu.memref_slice %arg5[%dma_wait3A_232, %mul3A_227] : memref<2x20480xf32, #tpu.memory_space<hbm>> -> memref<2x640xf32, #tpu.memory_space<hbm>>
      tpu.wait_dma2 semaphore(%run_scoped3A : memref<!tpu.dma_semaphore, #tpu.memory_space<semaphore_mem>>) src(%arg10 : memref<2x640xf32, #tpu.memory_space<vmem>>) dst(%dma_wait3A_233 : memref<2x640xf32, #tpu.memory_space<hbm>>)
      tpu.yield
    }) : () -> ()
    "tpu.region"() ({
      %run_scoped3A = tpu.sem_alloc : memref<!tpu.dma_semaphore, #tpu.memory_space<semaphore_mem>>
      %dma_start3A = arith.constant 0 : i32
      %dma_start3A_228 = tpu.memref_slice %arg6[%add3A, %dma_start3A] : memref<32x16xf32, #tpu.memory_space<hbm>> -> memref<1x16xf32, #tpu.memory_space<hbm>>
      %dma_start3A_229 = tpu.memref_squeeze %dma_start3A_228 : memref<1x16xf32, #tpu.memory_space<hbm>> -> memref<16xf32, #tpu.memory_space<hbm>>
      %dma_start3A_230 = arith.constant 0 : i32
      %dma_start3A_231 = tpu.memref_slice %arg6[%add3A, %dma_start3A_230] : memref<32x16xf32, #tpu.memory_space<hbm>> -> memref<1x16xf32, #tpu.memory_space<hbm>>
      %dma_start3A_232 = tpu.memref_squeeze %dma_start3A_231 : memref<1x16xf32, #tpu.memory_space<hbm>> -> memref<16xf32, #tpu.memory_space<hbm>>
      tpu.enqueue_dma source(%arg11 : memref<16xf32, #tpu.memory_space<vmem>>) target(%dma_start3A_232 : memref<16xf32, #tpu.memory_space<hbm>>) target_semaphore(%run_scoped3A : memref<!tpu.dma_semaphore, #tpu.memory_space<semaphore_mem>>)
      %dma_wait3A = arith.constant 0 : i32
      %dma_wait3A_233 = tpu.memref_slice %arg6[%add3A, %dma_wait3A] : memref<32x16xf32, #tpu.memory_space<hbm>> -> memref<1x16xf32, #tpu.memory_space<hbm>>
      %dma_wait3A_234 = tpu.memref_squeeze %dma_wait3A_233 : memref<1x16xf32, #tpu.memory_space<hbm>> -> memref<16xf32, #tpu.memory_space<hbm>>
      %dma_wait3A_235 = arith.constant 0 : i32
      %dma_wait3A_236 = tpu.memref_slice %arg6[%add3A, %dma_wait3A_235] : memref<32x16xf32, #tpu.memory_space<hbm>> -> memref<1x16xf32, #tpu.memory_space<hbm>>
      %dma_wait3A_237 = tpu.memref_squeeze %dma_wait3A_236 : memref<1x16xf32, #tpu.memory_space<hbm>> -> memref<16xf32, #tpu.memory_space<hbm>>
      tpu.wait_dma2 semaphore(%run_scoped3A : memref<!tpu.dma_semaphore, #tpu.memory_space<semaphore_mem>>) src(%arg11 : memref<16xf32, #tpu.memory_space<vmem>>) dst(%dma_wait3A_237 : memref<16xf32, #tpu.memory_space<hbm>>)
      tpu.yield
    }) : () -> ()
    return
  }
}

#map = affine_map<(d0, d1) -> (0, 0)>
#map1 = affine_map<(d0, d1) -> (0)>
module attributes {stable_mosaic.version = 14 : i64} {
  func.func @_route_body(%arg0: i32, %arg1: i32, %arg2: memref<16x12288xf32, #tpu.memory_space<hbm>>, %arg3: memref<8x32768xf32, #tpu.memory_space<hbm>>, %arg4: memref<24576xi32, #tpu.memory_space<hbm>>, %arg5: memref<2x12288xf32, #tpu.memory_space<hbm>>, %arg6: memref<32x16xf32, #tpu.memory_space<hbm>>, %arg7: memref<16x384xf32, #tpu.memory_space<vmem>>, %arg8: memref<8x384xf32, #tpu.memory_space<vmem>>, %arg9: memref<768xi32, #tpu.memory_space<vmem>>, %arg10: memref<2x384xf32, #tpu.memory_space<vmem>>, %arg11: memref<16xf32, #tpu.memory_space<vmem>>) attributes {dimension_semantics = [#tpu.dimension_semantics<core_parallel>, #tpu.dimension_semantics<subcore_parallel>], iteration_bounds = array<i64: 2, 16>, scalar_prefetch = 0 : i64, scratch_operands = 5 : i64, tpu.core_type = #tpu.core_type<sc_vector_subcore>, window_params = [{transform_indices = #map}, {transform_indices = #map}, {transform_indices = #map1}, {transform_indices = #map}, {transform_indices = #map}]} {
    %mul3A = arith.constant 16 : i32
    %mul3A_0 = arith.muli %arg0, %mul3A : i32
    %add3A = arith.addi %mul3A_0, %arg1 : i32
    %mul3A_1 = arith.constant 384 : i32
    %mul3A_2 = arith.muli %add3A, %mul3A_1 : i32
    "tpu.region"() ({
      %run_scoped3A = tpu.sem_alloc : memref<!tpu.dma_semaphore, #tpu.memory_space<semaphore_mem>>
      %dma_start3A = arith.constant 0 : i32
      %dma_start3A_228 = tpu.memref_slice %arg2[%dma_start3A, %mul3A_2] : memref<16x12288xf32, #tpu.memory_space<hbm>> -> memref<16x384xf32, #tpu.memory_space<hbm>>
      %dma_start3A_229 = arith.constant 0 : i32
      %dma_start3A_230 = tpu.memref_slice %arg2[%dma_start3A_229, %mul3A_2] : memref<16x12288xf32, #tpu.memory_space<hbm>> -> memref<16x384xf32, #tpu.memory_space<hbm>>
      tpu.enqueue_dma source(%dma_start3A_230 : memref<16x384xf32, #tpu.memory_space<hbm>>) target(%arg7 : memref<16x384xf32, #tpu.memory_space<vmem>>) target_semaphore(%run_scoped3A : memref<!tpu.dma_semaphore, #tpu.memory_space<semaphore_mem>>)
      %dma_wait3A = arith.constant 0 : i32
      %dma_wait3A_231 = tpu.memref_slice %arg2[%dma_wait3A, %mul3A_2] : memref<16x12288xf32, #tpu.memory_space<hbm>> -> memref<16x384xf32, #tpu.memory_space<hbm>>
      %dma_wait3A_232 = arith.constant 0 : i32
      %dma_wait3A_233 = tpu.memref_slice %arg2[%dma_wait3A_232, %mul3A_2] : memref<16x12288xf32, #tpu.memory_space<hbm>> -> memref<16x384xf32, #tpu.memory_space<hbm>>
      tpu.wait_dma2 semaphore(%run_scoped3A : memref<!tpu.dma_semaphore, #tpu.memory_space<semaphore_mem>>) src(%dma_wait3A_233 : memref<16x384xf32, #tpu.memory_space<hbm>>) dst(%arg7 : memref<16x384xf32, #tpu.memory_space<vmem>>)
      tpu.yield
    }) : () -> ()
    %mul3A_3 = arith.constant 384 : i32
    %mul3A_4 = arith.muli %add3A, %mul3A_3 : i32
    %add3A_5 = arith.constant 20480 : i32
    %add3A_6 = arith.addi %add3A_5, %mul3A_4 : i32
    "tpu.region"() ({
      %run_scoped3A = tpu.sem_alloc : memref<!tpu.dma_semaphore, #tpu.memory_space<semaphore_mem>>
      %dma_start3A = arith.constant 0 : i32
      %dma_start3A_228 = tpu.memref_slice %arg3[%dma_start3A, %add3A_6] : memref<8x32768xf32, #tpu.memory_space<hbm>> -> memref<8x384xf32, #tpu.memory_space<hbm>>
      %dma_start3A_229 = arith.constant 0 : i32
      %dma_start3A_230 = tpu.memref_slice %arg3[%dma_start3A_229, %add3A_6] : memref<8x32768xf32, #tpu.memory_space<hbm>> -> memref<8x384xf32, #tpu.memory_space<hbm>>
      tpu.enqueue_dma source(%dma_start3A_230 : memref<8x384xf32, #tpu.memory_space<hbm>>) target(%arg8 : memref<8x384xf32, #tpu.memory_space<vmem>>) target_semaphore(%run_scoped3A : memref<!tpu.dma_semaphore, #tpu.memory_space<semaphore_mem>>)
      %dma_wait3A = arith.constant 0 : i32
      %dma_wait3A_231 = tpu.memref_slice %arg3[%dma_wait3A, %add3A_6] : memref<8x32768xf32, #tpu.memory_space<hbm>> -> memref<8x384xf32, #tpu.memory_space<hbm>>
      %dma_wait3A_232 = arith.constant 0 : i32
      %dma_wait3A_233 = tpu.memref_slice %arg3[%dma_wait3A_232, %add3A_6] : memref<8x32768xf32, #tpu.memory_space<hbm>> -> memref<8x384xf32, #tpu.memory_space<hbm>>
      tpu.wait_dma2 semaphore(%run_scoped3A : memref<!tpu.dma_semaphore, #tpu.memory_space<semaphore_mem>>) src(%dma_wait3A_233 : memref<8x384xf32, #tpu.memory_space<hbm>>) dst(%arg8 : memref<8x384xf32, #tpu.memory_space<vmem>>)
      tpu.yield
    }) : () -> ()
    %iota3A = tpu.iota {dimensions = array<i32: 0>} : vector<16xi32>
    %add3A_7 = arith.addi %iota3A, %iota3A : vector<16xi32>
    %broadcast_in_dim3A = arith.constant 0.000000e+00 : f32
    %broadcast_in_dim3A_8 = vector.broadcast %broadcast_in_dim3A : f32 to vector<16xf32>
    %broadcast_in_dim3A_9 = arith.constant 0xFF800000 : f32
    %broadcast_in_dim3A_10 = vector.broadcast %broadcast_in_dim3A_9 : f32 to vector<16xf32>
    %scan3A = arith.constant 0 : i32
    %scan3A_11 = arith.constant 24 : i32
    %scan3A_12 = arith.addi %scan3A, %scan3A_11 : i32
    %scan3A_13 = arith.constant 1 : i32
    %scan3A_14:16 = scf.for %scan3A_228 = %scan3A to %scan3A_12 step %scan3A_13 iter_args(%scan3A_229 = %broadcast_in_dim3A_8, %scan3A_230 = %broadcast_in_dim3A_8, %scan3A_231 = %broadcast_in_dim3A_8, %scan3A_232 = %broadcast_in_dim3A_8, %scan3A_233 = %broadcast_in_dim3A_8, %scan3A_234 = %broadcast_in_dim3A_8, %scan3A_235 = %broadcast_in_dim3A_8, %scan3A_236 = %broadcast_in_dim3A_8, %scan3A_237 = %broadcast_in_dim3A_8, %scan3A_238 = %broadcast_in_dim3A_8, %scan3A_239 = %broadcast_in_dim3A_8, %scan3A_240 = %broadcast_in_dim3A_8, %scan3A_241 = %broadcast_in_dim3A_8, %scan3A_242 = %broadcast_in_dim3A_8, %scan3A_243 = %broadcast_in_dim3A_8, %scan3A_244 = %broadcast_in_dim3A_8) -> (vector<16xf32>, vector<16xf32>, vector<16xf32>, vector<16xf32>, vector<16xf32>, vector<16xf32>, vector<16xf32>, vector<16xf32>, vector<16xf32>, vector<16xf32>, vector<16xf32>, vector<16xf32>, vector<16xf32>, vector<16xf32>, vector<16xf32>, vector<16xf32>)  : i32 {
      %mul3A_245 = arith.constant 16 : i32
      %mul3A_246 = arith.muli %scan3A_228, %mul3A_245 : i32
      %get3A = arith.constant 0 : i32
      %get3A_247 = arith.index_cast %get3A : i32 to index
      %get3A_248 = arith.index_cast %mul3A_246 : i32 to index
      %get3A_249 = tpu.vector_load %arg7[%get3A_247, %get3A_248] {strides = array<i32>} : memref<16x384xf32, #tpu.memory_space<vmem>>, vector<16xf32>,
      %get3A_250 = arith.constant 1 : i32
      %get3A_251 = arith.index_cast %get3A_250 : i32 to index
      %get3A_252 = arith.index_cast %mul3A_246 : i32 to index
      %get3A_253 = tpu.vector_load %arg7[%get3A_251, %get3A_252] {strides = array<i32>} : memref<16x384xf32, #tpu.memory_space<vmem>>, vector<16xf32>,
      %get3A_254 = arith.constant 2 : i32
      %get3A_255 = arith.index_cast %get3A_254 : i32 to index
      %get3A_256 = arith.index_cast %mul3A_246 : i32 to index
      %get3A_257 = tpu.vector_load %arg7[%get3A_255, %get3A_256] {strides = array<i32>} : memref<16x384xf32, #tpu.memory_space<vmem>>, vector<16xf32>,
      %get3A_258 = arith.constant 3 : i32
      %get3A_259 = arith.index_cast %get3A_258 : i32 to index
      %get3A_260 = arith.index_cast %mul3A_246 : i32 to index
      %get3A_261 = tpu.vector_load %arg7[%get3A_259, %get3A_260] {strides = array<i32>} : memref<16x384xf32, #tpu.memory_space<vmem>>, vector<16xf32>,
      %get3A_262 = arith.constant 4 : i32
      %get3A_263 = arith.index_cast %get3A_262 : i32 to index
      %get3A_264 = arith.index_cast %mul3A_246 : i32 to index
      %get3A_265 = tpu.vector_load %arg7[%get3A_263, %get3A_264] {strides = array<i32>} : memref<16x384xf32, #tpu.memory_space<vmem>>, vector<16xf32>,
      %get3A_266 = arith.constant 5 : i32
      %get3A_267 = arith.index_cast %get3A_266 : i32 to index
      %get3A_268 = arith.index_cast %mul3A_246 : i32 to index
      %get3A_269 = tpu.vector_load %arg7[%get3A_267, %get3A_268] {strides = array<i32>} : memref<16x384xf32, #tpu.memory_space<vmem>>, vector<16xf32>,
      %get3A_270 = arith.constant 6 : i32
      %get3A_271 = arith.index_cast %get3A_270 : i32 to index
      %get3A_272 = arith.index_cast %mul3A_246 : i32 to index
      %get3A_273 = tpu.vector_load %arg7[%get3A_271, %get3A_272] {strides = array<i32>} : memref<16x384xf32, #tpu.memory_space<vmem>>, vector<16xf32>,
      %get3A_274 = arith.constant 7 : i32
      %get3A_275 = arith.index_cast %get3A_274 : i32 to index
      %get3A_276 = arith.index_cast %mul3A_246 : i32 to index
      %get3A_277 = tpu.vector_load %arg7[%get3A_275, %get3A_276] {strides = array<i32>} : memref<16x384xf32, #tpu.memory_space<vmem>>, vector<16xf32>,
      %get3A_278 = arith.constant 8 : i32
      %get3A_279 = arith.index_cast %get3A_278 : i32 to index
      %get3A_280 = arith.index_cast %mul3A_246 : i32 to index
      %get3A_281 = tpu.vector_load %arg7[%get3A_279, %get3A_280] {strides = array<i32>} : memref<16x384xf32, #tpu.memory_space<vmem>>, vector<16xf32>,
      %get3A_282 = arith.constant 9 : i32
      %get3A_283 = arith.index_cast %get3A_282 : i32 to index
      %get3A_284 = arith.index_cast %mul3A_246 : i32 to index
      %get3A_285 = tpu.vector_load %arg7[%get3A_283, %get3A_284] {strides = array<i32>} : memref<16x384xf32, #tpu.memory_space<vmem>>, vector<16xf32>,
      %get3A_286 = arith.constant 10 : i32
      %get3A_287 = arith.index_cast %get3A_286 : i32 to index
      %get3A_288 = arith.index_cast %mul3A_246 : i32 to index
      %get3A_289 = tpu.vector_load %arg7[%get3A_287, %get3A_288] {strides = array<i32>} : memref<16x384xf32, #tpu.memory_space<vmem>>, vector<16xf32>,
      %get3A_290 = arith.constant 11 : i32
      %get3A_291 = arith.index_cast %get3A_290 : i32 to index
      %get3A_292 = arith.index_cast %mul3A_246 : i32 to index
      %get3A_293 = tpu.vector_load %arg7[%get3A_291, %get3A_292] {strides = array<i32>} : memref<16x384xf32, #tpu.memory_space<vmem>>, vector<16xf32>,
      %get3A_294 = arith.constant 12 : i32
      %get3A_295 = arith.index_cast %get3A_294 : i32 to index
      %get3A_296 = arith.index_cast %mul3A_246 : i32 to index
      %get3A_297 = tpu.vector_load %arg7[%get3A_295, %get3A_296] {strides = array<i32>} : memref<16x384xf32, #tpu.memory_space<vmem>>, vector<16xf32>,
      %get3A_298 = arith.constant 13 : i32
      %get3A_299 = arith.index_cast %get3A_298 : i32 to index
      %get3A_300 = arith.index_cast %mul3A_246 : i32 to index
      %get3A_301 = tpu.vector_load %arg7[%get3A_299, %get3A_300] {strides = array<i32>} : memref<16x384xf32, #tpu.memory_space<vmem>>, vector<16xf32>,
      %get3A_302 = arith.constant 14 : i32
      %get3A_303 = arith.index_cast %get3A_302 : i32 to index
      %get3A_304 = arith.index_cast %mul3A_246 : i32 to index
      %get3A_305 = tpu.vector_load %arg7[%get3A_303, %get3A_304] {strides = array<i32>} : memref<16x384xf32, #tpu.memory_space<vmem>>, vector<16xf32>,
      %get3A_306 = arith.constant 15 : i32
      %get3A_307 = arith.index_cast %get3A_306 : i32 to index
      %get3A_308 = arith.index_cast %mul3A_246 : i32 to index
      %get3A_309 = tpu.vector_load %arg7[%get3A_307, %get3A_308] {strides = array<i32>} : memref<16x384xf32, #tpu.memory_space<vmem>>, vector<16xf32>,
      %get3A_310 = arith.constant 0 : i32
      %get3A_311 = arith.index_cast %get3A_310 : i32 to index
      %get3A_312 = arith.index_cast %mul3A_246 : i32 to index
      %get3A_313 = tpu.vector_load %arg8[%get3A_311, %get3A_312] {strides = array<i32>} : memref<8x384xf32, #tpu.memory_space<vmem>>, vector<16xf32>,
      %mul3A_314 = arith.mulf %get3A_281, %get3A_313 : vector<16xf32>
      %add3A_315 = arith.addf %get3A_249, %mul3A_314 : vector<16xf32>
      %get3A_316 = arith.constant 1 : i32
      %get3A_317 = arith.index_cast %get3A_316 : i32 to index
      %get3A_318 = arith.index_cast %mul3A_246 : i32 to index
      %get3A_319 = tpu.vector_load %arg8[%get3A_317, %get3A_318] {strides = array<i32>} : memref<8x384xf32, #tpu.memory_space<vmem>>, vector<16xf32>,
      %mul3A_320 = arith.mulf %get3A_285, %get3A_319 : vector<16xf32>
      %add3A_321 = arith.addf %get3A_253, %mul3A_320 : vector<16xf32>
      %get3A_322 = arith.constant 2 : i32
      %get3A_323 = arith.index_cast %get3A_322 : i32 to index
      %get3A_324 = arith.index_cast %mul3A_246 : i32 to index
      %get3A_325 = tpu.vector_load %arg8[%get3A_323, %get3A_324] {strides = array<i32>} : memref<8x384xf32, #tpu.memory_space<vmem>>, vector<16xf32>,
      %mul3A_326 = arith.mulf %get3A_289, %get3A_325 : vector<16xf32>
      %add3A_327 = arith.addf %get3A_257, %mul3A_326 : vector<16xf32>
      %get3A_328 = arith.constant 3 : i32
      %get3A_329 = arith.index_cast %get3A_328 : i32 to index
      %get3A_330 = arith.index_cast %mul3A_246 : i32 to index
      %get3A_331 = tpu.vector_load %arg8[%get3A_329, %get3A_330] {strides = array<i32>} : memref<8x384xf32, #tpu.memory_space<vmem>>, vector<16xf32>,
      %mul3A_332 = arith.mulf %get3A_293, %get3A_331 : vector<16xf32>
      %add3A_333 = arith.addf %get3A_261, %mul3A_332 : vector<16xf32>
      %get3A_334 = arith.constant 4 : i32
      %get3A_335 = arith.index_cast %get3A_334 : i32 to index
      %get3A_336 = arith.index_cast %mul3A_246 : i32 to index
      %get3A_337 = tpu.vector_load %arg8[%get3A_335, %get3A_336] {strides = array<i32>} : memref<8x384xf32, #tpu.memory_space<vmem>>, vector<16xf32>,
      %mul3A_338 = arith.mulf %get3A_297, %get3A_337 : vector<16xf32>
      %add3A_339 = arith.addf %get3A_265, %mul3A_338 : vector<16xf32>
      %get3A_340 = arith.constant 5 : i32
      %get3A_341 = arith.index_cast %get3A_340 : i32 to index
      %get3A_342 = arith.index_cast %mul3A_246 : i32 to index
      %get3A_343 = tpu.vector_load %arg8[%get3A_341, %get3A_342] {strides = array<i32>} : memref<8x384xf32, #tpu.memory_space<vmem>>, vector<16xf32>,
      %mul3A_344 = arith.mulf %get3A_301, %get3A_343 : vector<16xf32>
      %add3A_345 = arith.addf %get3A_269, %mul3A_344 : vector<16xf32>
      %get3A_346 = arith.constant 6 : i32
      %get3A_347 = arith.index_cast %get3A_346 : i32 to index
      %get3A_348 = arith.index_cast %mul3A_246 : i32 to index
      %get3A_349 = tpu.vector_load %arg8[%get3A_347, %get3A_348] {strides = array<i32>} : memref<8x384xf32, #tpu.memory_space<vmem>>, vector<16xf32>,
      %mul3A_350 = arith.mulf %get3A_305, %get3A_349 : vector<16xf32>
      %add3A_351 = arith.addf %get3A_273, %mul3A_350 : vector<16xf32>
      %get3A_352 = arith.constant 7 : i32
      %get3A_353 = arith.index_cast %get3A_352 : i32 to index
      %get3A_354 = arith.index_cast %mul3A_246 : i32 to index
      %get3A_355 = tpu.vector_load %arg8[%get3A_353, %get3A_354] {strides = array<i32>} : memref<8x384xf32, #tpu.memory_space<vmem>>, vector<16xf32>,
      %mul3A_356 = arith.mulf %get3A_309, %get3A_355 : vector<16xf32>
      %add3A_357 = arith.addf %get3A_277, %mul3A_356 : vector<16xf32>
      %broadcast_in_dim3A_358 = arith.constant 8 : i32
      %broadcast_in_dim3A_359 = vector.broadcast %broadcast_in_dim3A_358 : i32 to vector<16xi32>
      %max3A = arith.maximumf %add3A_315, %add3A_321 : vector<16xf32>
      %max3A_360 = arith.maximumf %max3A, %add3A_327 : vector<16xf32>
      %max3A_361 = arith.maximumf %max3A_360, %add3A_333 : vector<16xf32>
      %max3A_362 = arith.maximumf %max3A_361, %add3A_339 : vector<16xf32>
      %max3A_363 = arith.maximumf %max3A_362, %add3A_345 : vector<16xf32>
      %max3A_364 = arith.maximumf %max3A_363, %add3A_351 : vector<16xf32>
      %max3A_365 = arith.maximumf %max3A_364, %add3A_357 : vector<16xf32>
      %eq3A_366 = arith.cmpf oeq, %add3A_357, %max3A_365 : vector<16xf32>
      %broadcast_in_dim3A_367 = arith.constant 7 : i32
      %broadcast_in_dim3A_368 = vector.broadcast %broadcast_in_dim3A_367 : i32 to vector<16xi32>
      %select_n3A_369 = arith.select %eq3A_366, %broadcast_in_dim3A_368, %broadcast_in_dim3A_359 : vector<16xi1>, vector<16xi32>
      %eq3A_370 = arith.cmpf oeq, %add3A_351, %max3A_365 : vector<16xf32>
      %broadcast_in_dim3A_371 = arith.constant 6 : i32
      %broadcast_in_dim3A_372 = vector.broadcast %broadcast_in_dim3A_371 : i32 to vector<16xi32>
      %select_n3A_373 = arith.select %eq3A_370, %broadcast_in_dim3A_372, %select_n3A_369 : vector<16xi1>, vector<16xi32>
      %eq3A_374 = arith.cmpf oeq, %add3A_345, %max3A_365 : vector<16xf32>
      %broadcast_in_dim3A_375 = arith.constant 5 : i32
      %broadcast_in_dim3A_376 = vector.broadcast %broadcast_in_dim3A_375 : i32 to vector<16xi32>
      %select_n3A_377 = arith.select %eq3A_374, %broadcast_in_dim3A_376, %select_n3A_373 : vector<16xi1>, vector<16xi32>
      %eq3A_378 = arith.cmpf oeq, %add3A_339, %max3A_365 : vector<16xf32>
      %broadcast_in_dim3A_379 = arith.constant 4 : i32
      %broadcast_in_dim3A_380 = vector.broadcast %broadcast_in_dim3A_379 : i32 to vector<16xi32>
      %select_n3A_381 = arith.select %eq3A_378, %broadcast_in_dim3A_380, %select_n3A_377 : vector<16xi1>, vector<16xi32>
      %eq3A_382 = arith.cmpf oeq, %add3A_333, %max3A_365 : vector<16xf32>
      %broadcast_in_dim3A_383 = arith.constant 3 : i32
      %broadcast_in_dim3A_384 = vector.broadcast %broadcast_in_dim3A_383 : i32 to vector<16xi32>
      %select_n3A_385 = arith.select %eq3A_382, %broadcast_in_dim3A_384, %select_n3A_381 : vector<16xi1>, vector<16xi32>
      %eq3A_386 = arith.cmpf oeq, %add3A_327, %max3A_365 : vector<16xf32>
      %broadcast_in_dim3A_387 = arith.constant 2 : i32
      %broadcast_in_dim3A_388 = vector.broadcast %broadcast_in_dim3A_387 : i32 to vector<16xi32>
      %select_n3A_389 = arith.select %eq3A_386, %broadcast_in_dim3A_388, %select_n3A_385 : vector<16xi1>, vector<16xi32>
      %eq3A_390 = arith.cmpf oeq, %add3A_321, %max3A_365 : vector<16xf32>
      %broadcast_in_dim3A_391 = arith.constant 1 : i32
      %broadcast_in_dim3A_392 = vector.broadcast %broadcast_in_dim3A_391 : i32 to vector<16xi32>
      %select_n3A_393 = arith.select %eq3A_390, %broadcast_in_dim3A_392, %select_n3A_389 : vector<16xi1>, vector<16xi32>
      %eq3A_394 = arith.cmpf oeq, %add3A_315, %max3A_365 : vector<16xf32>
      %broadcast_in_dim3A_395 = arith.constant 0 : i32
      %broadcast_in_dim3A_396 = vector.broadcast %broadcast_in_dim3A_395 : i32 to vector<16xi32>
      %select_n3A_397 = arith.select %eq3A_394, %broadcast_in_dim3A_396, %select_n3A_393 : vector<16xi1>, vector<16xi32>
      %eq3A_398 = arith.constant 0 : i32
      %eq3A_399 = vector.broadcast %eq3A_398 : i32 to vector<16xi32>
      %eq3A_400 = arith.cmpi eq, %select_n3A_397, %eq3A_399 : vector<16xi32>
      %select_n3A_401 = arith.select %eq3A_400, %broadcast_in_dim3A_10, %add3A_315 : vector<16xi1>, vector<16xf32>
      %eq3A_402 = arith.constant 1 : i32
      %eq3A_403 = vector.broadcast %eq3A_402 : i32 to vector<16xi32>
      %eq3A_404 = arith.cmpi eq, %select_n3A_397, %eq3A_403 : vector<16xi32>
      %select_n3A_405 = arith.select %eq3A_404, %broadcast_in_dim3A_10, %add3A_321 : vector<16xi1>, vector<16xf32>
      %eq3A_406 = arith.constant 2 : i32
      %eq3A_407 = vector.broadcast %eq3A_406 : i32 to vector<16xi32>
      %eq3A_408 = arith.cmpi eq, %select_n3A_397, %eq3A_407 : vector<16xi32>
      %select_n3A_409 = arith.select %eq3A_408, %broadcast_in_dim3A_10, %add3A_327 : vector<16xi1>, vector<16xf32>
      %eq3A_410 = arith.constant 3 : i32
      %eq3A_411 = vector.broadcast %eq3A_410 : i32 to vector<16xi32>
      %eq3A_412 = arith.cmpi eq, %select_n3A_397, %eq3A_411 : vector<16xi32>
      %select_n3A_413 = arith.select %eq3A_412, %broadcast_in_dim3A_10, %add3A_333 : vector<16xi1>, vector<16xf32>
      %eq3A_414 = arith.constant 4 : i32
      %eq3A_415 = vector.broadcast %eq3A_414 : i32 to vector<16xi32>
      %eq3A_416 = arith.cmpi eq, %select_n3A_397, %eq3A_415 : vector<16xi32>
      %select_n3A_417 = arith.select %eq3A_416, %broadcast_in_dim3A_10, %add3A_339 : vector<16xi1>, vector<16xf32>
      %eq3A_418 = arith.constant 5 : i32
      %eq3A_419 = vector.broadcast %eq3A_418 : i32 to vector<16xi32>
      %eq3A_420 = arith.cmpi eq, %select_n3A_397, %eq3A_419 : vector<16xi32>
      %select_n3A_421 = arith.select %eq3A_420, %broadcast_in_dim3A_10, %add3A_345 : vector<16xi1>, vector<16xf32>
      %eq3A_422 = arith.constant 6 : i32
      %eq3A_423 = vector.broadcast %eq3A_422 : i32 to vector<16xi32>
      %eq3A_424 = arith.cmpi eq, %select_n3A_397, %eq3A_423 : vector<16xi32>
      %select_n3A_425 = arith.select %eq3A_424, %broadcast_in_dim3A_10, %add3A_351 : vector<16xi1>, vector<16xf32>
      %eq3A_426 = arith.constant 7 : i32
      %eq3A_427 = vector.broadcast %eq3A_426 : i32 to vector<16xi32>
      %eq3A_428 = arith.cmpi eq, %select_n3A_397, %eq3A_427 : vector<16xi32>
      %select_n3A_429 = arith.select %eq3A_428, %broadcast_in_dim3A_10, %add3A_357 : vector<16xi1>, vector<16xf32>
      %max3A_430 = arith.maximumf %select_n3A_401, %select_n3A_405 : vector<16xf32>
      %max3A_431 = arith.maximumf %max3A_430, %select_n3A_409 : vector<16xf32>
      %max3A_432 = arith.maximumf %max3A_431, %select_n3A_413 : vector<16xf32>
      %max3A_433 = arith.maximumf %max3A_432, %select_n3A_417 : vector<16xf32>
      %max3A_434 = arith.maximumf %max3A_433, %select_n3A_421 : vector<16xf32>
      %max3A_435 = arith.maximumf %max3A_434, %select_n3A_425 : vector<16xf32>
      %max3A_436 = arith.maximumf %max3A_435, %select_n3A_429 : vector<16xf32>
      %eq3A_437 = arith.cmpf oeq, %select_n3A_429, %max3A_436 : vector<16xf32>
      %broadcast_in_dim3A_438 = arith.constant 7 : i32
      %broadcast_in_dim3A_439 = vector.broadcast %broadcast_in_dim3A_438 : i32 to vector<16xi32>
      %select_n3A_440 = arith.select %eq3A_437, %broadcast_in_dim3A_439, %broadcast_in_dim3A_359 : vector<16xi1>, vector<16xi32>
      %eq3A_441 = arith.cmpf oeq, %select_n3A_425, %max3A_436 : vector<16xf32>
      %broadcast_in_dim3A_442 = arith.constant 6 : i32
      %broadcast_in_dim3A_443 = vector.broadcast %broadcast_in_dim3A_442 : i32 to vector<16xi32>
      %select_n3A_444 = arith.select %eq3A_441, %broadcast_in_dim3A_443, %select_n3A_440 : vector<16xi1>, vector<16xi32>
      %eq3A_445 = arith.cmpf oeq, %select_n3A_421, %max3A_436 : vector<16xf32>
      %broadcast_in_dim3A_446 = arith.constant 5 : i32
      %broadcast_in_dim3A_447 = vector.broadcast %broadcast_in_dim3A_446 : i32 to vector<16xi32>
      %select_n3A_448 = arith.select %eq3A_445, %broadcast_in_dim3A_447, %select_n3A_444 : vector<16xi1>, vector<16xi32>
      %eq3A_449 = arith.cmpf oeq, %select_n3A_417, %max3A_436 : vector<16xf32>
      %broadcast_in_dim3A_450 = arith.constant 4 : i32
      %broadcast_in_dim3A_451 = vector.broadcast %broadcast_in_dim3A_450 : i32 to vector<16xi32>
      %select_n3A_452 = arith.select %eq3A_449, %broadcast_in_dim3A_451, %select_n3A_448 : vector<16xi1>, vector<16xi32>
      %eq3A_453 = arith.cmpf oeq, %select_n3A_413, %max3A_436 : vector<16xf32>
      %broadcast_in_dim3A_454 = arith.constant 3 : i32
      %broadcast_in_dim3A_455 = vector.broadcast %broadcast_in_dim3A_454 : i32 to vector<16xi32>
      %select_n3A_456 = arith.select %eq3A_453, %broadcast_in_dim3A_455, %select_n3A_452 : vector<16xi1>, vector<16xi32>
      %eq3A_457 = arith.cmpf oeq, %select_n3A_409, %max3A_436 : vector<16xf32>
      %broadcast_in_dim3A_458 = arith.constant 2 : i32
      %broadcast_in_dim3A_459 = vector.broadcast %broadcast_in_dim3A_458 : i32 to vector<16xi32>
      %select_n3A_460 = arith.select %eq3A_457, %broadcast_in_dim3A_459, %select_n3A_456 : vector<16xi1>, vector<16xi32>
      %eq3A_461 = arith.cmpf oeq, %select_n3A_405, %max3A_436 : vector<16xf32>
      %broadcast_in_dim3A_462 = arith.constant 1 : i32
      %broadcast_in_dim3A_463 = vector.broadcast %broadcast_in_dim3A_462 : i32 to vector<16xi32>
      %select_n3A_464 = arith.select %eq3A_461, %broadcast_in_dim3A_463, %select_n3A_460 : vector<16xi1>, vector<16xi32>
      %eq3A_465 = arith.cmpf oeq, %select_n3A_401, %max3A_436 : vector<16xf32>
      %broadcast_in_dim3A_466 = arith.constant 0 : i32
      %broadcast_in_dim3A_467 = vector.broadcast %broadcast_in_dim3A_466 : i32 to vector<16xi32>
      %select_n3A_468 = arith.select %eq3A_465, %broadcast_in_dim3A_467, %select_n3A_464 : vector<16xi1>, vector<16xi32>
      %eq3A_469 = arith.constant 0 : i32
      %eq3A_470 = vector.broadcast %eq3A_469 : i32 to vector<16xi32>
      %eq3A_471 = arith.cmpi eq, %select_n3A_468, %eq3A_470 : vector<16xi32>
      %select_n3A_472 = arith.select %eq3A_471, %broadcast_in_dim3A_10, %select_n3A_401 : vector<16xi1>, vector<16xf32>
      %eq3A_473 = arith.constant 1 : i32
      %eq3A_474 = vector.broadcast %eq3A_473 : i32 to vector<16xi32>
      %eq3A_475 = arith.cmpi eq, %select_n3A_468, %eq3A_474 : vector<16xi32>
      %select_n3A_476 = arith.select %eq3A_475, %broadcast_in_dim3A_10, %select_n3A_405 : vector<16xi1>, vector<16xf32>
      %eq3A_477 = arith.constant 2 : i32
      %eq3A_478 = vector.broadcast %eq3A_477 : i32 to vector<16xi32>
      %eq3A_479 = arith.cmpi eq, %select_n3A_468, %eq3A_478 : vector<16xi32>
      %select_n3A_480 = arith.select %eq3A_479, %broadcast_in_dim3A_10, %select_n3A_409 : vector<16xi1>, vector<16xf32>
      %eq3A_481 = arith.constant 3 : i32
      %eq3A_482 = vector.broadcast %eq3A_481 : i32 to vector<16xi32>
      %eq3A_483 = arith.cmpi eq, %select_n3A_468, %eq3A_482 : vector<16xi32>
      %select_n3A_484 = arith.select %eq3A_483, %broadcast_in_dim3A_10, %select_n3A_413 : vector<16xi1>, vector<16xf32>
      %eq3A_485 = arith.constant 4 : i32
      %eq3A_486 = vector.broadcast %eq3A_485 : i32 to vector<16xi32>
      %eq3A_487 = arith.cmpi eq, %select_n3A_468, %eq3A_486 : vector<16xi32>
      %select_n3A_488 = arith.select %eq3A_487, %broadcast_in_dim3A_10, %select_n3A_417 : vector<16xi1>, vector<16xf32>
      %eq3A_489 = arith.constant 5 : i32
      %eq3A_490 = vector.broadcast %eq3A_489 : i32 to vector<16xi32>
      %eq3A_491 = arith.cmpi eq, %select_n3A_468, %eq3A_490 : vector<16xi32>
      %select_n3A_492 = arith.select %eq3A_491, %broadcast_in_dim3A_10, %select_n3A_421 : vector<16xi1>, vector<16xf32>
      %eq3A_493 = arith.constant 6 : i32
      %eq3A_494 = vector.broadcast %eq3A_493 : i32 to vector<16xi32>
      %eq3A_495 = arith.cmpi eq, %select_n3A_468, %eq3A_494 : vector<16xi32>
      %select_n3A_496 = arith.select %eq3A_495, %broadcast_in_dim3A_10, %select_n3A_425 : vector<16xi1>, vector<16xf32>
      %eq3A_497 = arith.constant 7 : i32
      %eq3A_498 = vector.broadcast %eq3A_497 : i32 to vector<16xi32>
      %eq3A_499 = arith.cmpi eq, %select_n3A_468, %eq3A_498 : vector<16xi32>
      %select_n3A_500 = arith.select %eq3A_499, %broadcast_in_dim3A_10, %select_n3A_429 : vector<16xi1>, vector<16xf32>
      %max3A_501 = arith.maximumf %select_n3A_472, %select_n3A_476 : vector<16xf32>
      %max3A_502 = arith.maximumf %max3A_501, %select_n3A_480 : vector<16xf32>
      %max3A_503 = arith.maximumf %max3A_502, %select_n3A_484 : vector<16xf32>
      %max3A_504 = arith.maximumf %max3A_503, %select_n3A_488 : vector<16xf32>
      %max3A_505 = arith.maximumf %max3A_504, %select_n3A_492 : vector<16xf32>
      %max3A_506 = arith.maximumf %max3A_505, %select_n3A_496 : vector<16xf32>
      %max3A_507 = arith.maximumf %max3A_506, %select_n3A_500 : vector<16xf32>
      %sub3A = arith.subf %max3A_436, %max3A_365 : vector<16xf32>
      %exp3A = math.exp %sub3A : vector<16xf32>
      %add3A_508 = arith.constant 1.000000e+00 : f32
      %add3A_509 = vector.broadcast %add3A_508 : f32 to vector<16xf32>
      %add3A_510 = arith.addf %add3A_509, %exp3A : vector<16xf32>
      %div3A = arith.constant 1.000000e+00 : f32
      %div3A_511 = vector.broadcast %div3A : f32 to vector<16xf32>
      %div3A_512 = arith.divf %div3A_511, %add3A_510 : vector<16xf32>
      %sub3A_513 = arith.constant 1.000000e+00 : f32
      %sub3A_514 = vector.broadcast %sub3A_513 : f32 to vector<16xf32>
      %sub3A_515 = arith.subf %sub3A_514, %div3A_512 : vector<16xf32>
      %mul3A_516 = arith.constant 32 : i32
      %mul3A_517 = arith.muli %scan3A_228, %mul3A_516 : i32
      %add3A_518 = vector.broadcast %mul3A_517 : i32 to vector<16xi32>
      %add3A_519 = arith.addi %add3A_7, %add3A_518 : vector<16xi32>
      %add3A_520 = arith.constant 1 : i32
      %add3A_521 = vector.broadcast %add3A_520 : i32 to vector<16xi32>
      %add3A_522 = arith.addi %add3A_519, %add3A_521 : vector<16xi32>
      tpu.vector_store_idx %arg9[%add3A_519], %select_n3A_397 : memref<768xi32, #tpu.memory_space<vmem>>[vector<16xi32>], vector<16xi32>,
      tpu.vector_store_idx %arg9[%add3A_522], %select_n3A_468 : memref<768xi32, #tpu.memory_space<vmem>>[vector<16xi32>], vector<16xi32>,
      %swap3A_523 = arith.constant 0 : i32
      %swap3A_524 = arith.index_cast %swap3A_523 : i32 to index
      %swap3A_525 = arith.index_cast %mul3A_246 : i32 to index
      %swap3A_526 = tpu.vector_load %arg10[%swap3A_524, %swap3A_525] {strides = array<i32>} : memref<2x384xf32, #tpu.memory_space<vmem>>, vector<16xf32>,
      tpu.vector_store %arg10[%swap3A_524, %swap3A_525], %div3A_512 {strides = array<i32>} : memref<2x384xf32, #tpu.memory_space<vmem>>, vector<16xf32>,
      %swap3A_527 = arith.constant 1 : i32
      %swap3A_528 = arith.index_cast %swap3A_527 : i32 to index
      %swap3A_529 = arith.index_cast %mul3A_246 : i32 to index
      %swap3A_530 = tpu.vector_load %arg10[%swap3A_528, %swap3A_529] {strides = array<i32>} : memref<2x384xf32, #tpu.memory_space<vmem>>, vector<16xf32>,
      tpu.vector_store %arg10[%swap3A_528, %swap3A_529], %sub3A_515 {strides = array<i32>} : memref<2x384xf32, #tpu.memory_space<vmem>>, vector<16xf32>,
      %div3A_531 = arith.constant 1.000000e+00 : f32
      %div3A_532 = vector.broadcast %div3A_531 : f32 to vector<16xf32>
      %div3A_533 = arith.divf %div3A_532, %get3A_281 : vector<16xf32>
      %gt3A = arith.cmpf ogt, %add3A_315, %max3A_507 : vector<16xf32>
      %select_n3A_534 = arith.select %gt3A, %max3A_507, %max3A_436 : vector<16xi1>, vector<16xf32>
      %sub3A_535 = arith.subf %get3A_249, %select_n3A_534 : vector<16xf32>
      %mul3A_536 = arith.mulf %sub3A_535, %div3A_533 : vector<16xf32>
      %mul3A_537 = arith.constant 0.707106769 : f32
      %mul3A_538 = vector.broadcast %mul3A_537 : f32 to vector<16xf32>
      %mul3A_539 = arith.mulf %mul3A_536, %mul3A_538 : vector<16xf32>
      %abs3A = math.absf %mul3A_539 : vector<16xf32>
      %mul3A_540 = arith.constant 4.704700e-01 : f32
      %mul3A_541 = vector.broadcast %mul3A_540 : f32 to vector<16xf32>
      %mul3A_542 = arith.mulf %mul3A_541, %abs3A : vector<16xf32>
      %add3A_543 = arith.constant 1.000000e+00 : f32
      %add3A_544 = vector.broadcast %add3A_543 : f32 to vector<16xf32>
      %add3A_545 = arith.addf %add3A_544, %mul3A_542 : vector<16xf32>
      %div3A_546 = arith.constant 1.000000e+00 : f32
      %div3A_547 = vector.broadcast %div3A_546 : f32 to vector<16xf32>
      %div3A_548 = arith.divf %div3A_547, %add3A_545 : vector<16xf32>
      %mul3A_549 = arith.constant 0.747855603 : f32
      %mul3A_550 = vector.broadcast %mul3A_549 : f32 to vector<16xf32>
      %mul3A_551 = arith.mulf %mul3A_550, %div3A_548 : vector<16xf32>
      %add3A_552 = arith.constant -9.587980e-02 : f32
      %add3A_553 = vector.broadcast %add3A_552 : f32 to vector<16xf32>
      %add3A_554 = arith.addf %mul3A_551, %add3A_553 : vector<16xf32>
      %mul3A_555 = arith.mulf %add3A_554, %div3A_548 : vector<16xf32>
      %add3A_556 = arith.constant 0.348024189 : f32
      %add3A_557 = vector.broadcast %add3A_556 : f32 to vector<16xf32>
      %add3A_558 = arith.addf %mul3A_555, %add3A_557 : vector<16xf32>
      %mul3A_559 = arith.mulf %add3A_558, %div3A_548 : vector<16xf32>
      %neg3A = arith.constant 0.000000e+00 : f32
      %neg3A_560 = vector.broadcast %neg3A : f32 to vector<16xf32>
      %neg3A_561 = arith.subf %neg3A_560, %abs3A : vector<16xf32>
      %mul3A_562 = arith.mulf %neg3A_561, %abs3A : vector<16xf32>
      %exp3A_563 = math.exp %mul3A_562 : vector<16xf32>
      %mul3A_564 = arith.mulf %mul3A_559, %exp3A_563 : vector<16xf32>
      %sub3A_565 = arith.constant 1.000000e+00 : f32
      %sub3A_566 = vector.broadcast %sub3A_565 : f32 to vector<16xf32>
      %sub3A_567 = arith.subf %sub3A_566, %mul3A_564 : vector<16xf32>
      %ge3A = arith.constant 0.000000e+00 : f32
      %ge3A_568 = vector.broadcast %ge3A : f32 to vector<16xf32>
      %ge3A_569 = arith.cmpf oge, %mul3A_539, %ge3A_568 : vector<16xf32>
      %neg3A_570 = arith.constant 0.000000e+00 : f32
      %neg3A_571 = vector.broadcast %neg3A_570 : f32 to vector<16xf32>
      %neg3A_572 = arith.subf %neg3A_571, %sub3A_567 : vector<16xf32>
      %select_n3A_573 = arith.select %ge3A_569, %sub3A_567, %neg3A_572 : vector<16xi1>, vector<16xf32>
      %add3A_574 = arith.constant 1.000000e+00 : f32
      %add3A_575 = vector.broadcast %add3A_574 : f32 to vector<16xf32>
      %add3A_576 = arith.addf %add3A_575, %select_n3A_573 : vector<16xf32>
      %mul3A_577 = arith.constant 5.000000e-01 : f32
      %mul3A_578 = vector.broadcast %mul3A_577 : f32 to vector<16xf32>
      %mul3A_579 = arith.mulf %mul3A_578, %add3A_576 : vector<16xf32>
      %eq3A_580 = arith.constant 0 : i32
      %eq3A_581 = vector.broadcast %eq3A_580 : i32 to vector<16xi32>
      %eq3A_582 = arith.cmpi eq, %select_n3A_397, %eq3A_581 : vector<16xi32>
      %select_n3A_583 = arith.select %eq3A_582, %div3A_512, %broadcast_in_dim3A_8 : vector<16xi1>, vector<16xf32>
      %eq3A_584 = arith.constant 0 : i32
      %eq3A_585 = vector.broadcast %eq3A_584 : i32 to vector<16xi32>
      %eq3A_586 = arith.cmpi eq, %select_n3A_468, %eq3A_585 : vector<16xi32>
      %select_n3A_587 = arith.select %eq3A_586, %sub3A_515, %broadcast_in_dim3A_8 : vector<16xi1>, vector<16xf32>
      %add3A_588 = arith.addf %select_n3A_583, %select_n3A_587 : vector<16xf32>
      %add3A_589 = arith.addf %scan3A_229, %add3A_588 : vector<16xf32>
      %add3A_590 = arith.addf %scan3A_237, %mul3A_579 : vector<16xf32>
      %div3A_591 = arith.constant 1.000000e+00 : f32
      %div3A_592 = vector.broadcast %div3A_591 : f32 to vector<16xf32>
      %div3A_593 = arith.divf %div3A_592, %get3A_285 : vector<16xf32>
      %gt3A_594 = arith.cmpf ogt, %add3A_321, %max3A_507 : vector<16xf32>
      %select_n3A_595 = arith.select %gt3A_594, %max3A_507, %max3A_436 : vector<16xi1>, vector<16xf32>
      %sub3A_596 = arith.subf %get3A_253, %select_n3A_595 : vector<16xf32>
      %mul3A_597 = arith.mulf %sub3A_596, %div3A_593 : vector<16xf32>
      %mul3A_598 = arith.constant 0.707106769 : f32
      %mul3A_599 = vector.broadcast %mul3A_598 : f32 to vector<16xf32>
      %mul3A_600 = arith.mulf %mul3A_597, %mul3A_599 : vector<16xf32>
      %abs3A_601 = math.absf %mul3A_600 : vector<16xf32>
      %mul3A_602 = arith.constant 4.704700e-01 : f32
      %mul3A_603 = vector.broadcast %mul3A_602 : f32 to vector<16xf32>
      %mul3A_604 = arith.mulf %mul3A_603, %abs3A_601 : vector<16xf32>
      %add3A_605 = arith.constant 1.000000e+00 : f32
      %add3A_606 = vector.broadcast %add3A_605 : f32 to vector<16xf32>
      %add3A_607 = arith.addf %add3A_606, %mul3A_604 : vector<16xf32>
      %div3A_608 = arith.constant 1.000000e+00 : f32
      %div3A_609 = vector.broadcast %div3A_608 : f32 to vector<16xf32>
      %div3A_610 = arith.divf %div3A_609, %add3A_607 : vector<16xf32>
      %mul3A_611 = arith.constant 0.747855603 : f32
      %mul3A_612 = vector.broadcast %mul3A_611 : f32 to vector<16xf32>
      %mul3A_613 = arith.mulf %mul3A_612, %div3A_610 : vector<16xf32>
      %add3A_614 = arith.constant -9.587980e-02 : f32
      %add3A_615 = vector.broadcast %add3A_614 : f32 to vector<16xf32>
      %add3A_616 = arith.addf %mul3A_613, %add3A_615 : vector<16xf32>
      %mul3A_617 = arith.mulf %add3A_616, %div3A_610 : vector<16xf32>
      %add3A_618 = arith.constant 0.348024189 : f32
      %add3A_619 = vector.broadcast %add3A_618 : f32 to vector<16xf32>
      %add3A_620 = arith.addf %mul3A_617, %add3A_619 : vector<16xf32>
      %mul3A_621 = arith.mulf %add3A_620, %div3A_610 : vector<16xf32>
      %neg3A_622 = arith.constant 0.000000e+00 : f32
      %neg3A_623 = vector.broadcast %neg3A_622 : f32 to vector<16xf32>
      %neg3A_624 = arith.subf %neg3A_623, %abs3A_601 : vector<16xf32>
      %mul3A_625 = arith.mulf %neg3A_624, %abs3A_601 : vector<16xf32>
      %exp3A_626 = math.exp %mul3A_625 : vector<16xf32>
      %mul3A_627 = arith.mulf %mul3A_621, %exp3A_626 : vector<16xf32>
      %sub3A_628 = arith.constant 1.000000e+00 : f32
      %sub3A_629 = vector.broadcast %sub3A_628 : f32 to vector<16xf32>
      %sub3A_630 = arith.subf %sub3A_629, %mul3A_627 : vector<16xf32>
      %ge3A_631 = arith.constant 0.000000e+00 : f32
      %ge3A_632 = vector.broadcast %ge3A_631 : f32 to vector<16xf32>
      %ge3A_633 = arith.cmpf oge, %mul3A_600, %ge3A_632 : vector<16xf32>
      %neg3A_634 = arith.constant 0.000000e+00 : f32
      %neg3A_635 = vector.broadcast %neg3A_634 : f32 to vector<16xf32>
      %neg3A_636 = arith.subf %neg3A_635, %sub3A_630 : vector<16xf32>
      %select_n3A_637 = arith.select %ge3A_633, %sub3A_630, %neg3A_636 : vector<16xi1>, vector<16xf32>
      %add3A_638 = arith.constant 1.000000e+00 : f32
      %add3A_639 = vector.broadcast %add3A_638 : f32 to vector<16xf32>
      %add3A_640 = arith.addf %add3A_639, %select_n3A_637 : vector<16xf32>
      %mul3A_641 = arith.constant 5.000000e-01 : f32
      %mul3A_642 = vector.broadcast %mul3A_641 : f32 to vector<16xf32>
      %mul3A_643 = arith.mulf %mul3A_642, %add3A_640 : vector<16xf32>
      %eq3A_644 = arith.constant 1 : i32
      %eq3A_645 = vector.broadcast %eq3A_644 : i32 to vector<16xi32>
      %eq3A_646 = arith.cmpi eq, %select_n3A_397, %eq3A_645 : vector<16xi32>
      %select_n3A_647 = arith.select %eq3A_646, %div3A_512, %broadcast_in_dim3A_8 : vector<16xi1>, vector<16xf32>
      %eq3A_648 = arith.constant 1 : i32
      %eq3A_649 = vector.broadcast %eq3A_648 : i32 to vector<16xi32>
      %eq3A_650 = arith.cmpi eq, %select_n3A_468, %eq3A_649 : vector<16xi32>
      %select_n3A_651 = arith.select %eq3A_650, %sub3A_515, %broadcast_in_dim3A_8 : vector<16xi1>, vector<16xf32>
      %add3A_652 = arith.addf %select_n3A_647, %select_n3A_651 : vector<16xf32>
      %add3A_653 = arith.addf %scan3A_230, %add3A_652 : vector<16xf32>
      %add3A_654 = arith.addf %scan3A_238, %mul3A_643 : vector<16xf32>
      %div3A_655 = arith.constant 1.000000e+00 : f32
      %div3A_656 = vector.broadcast %div3A_655 : f32 to vector<16xf32>
      %div3A_657 = arith.divf %div3A_656, %get3A_289 : vector<16xf32>
      %gt3A_658 = arith.cmpf ogt, %add3A_327, %max3A_507 : vector<16xf32>
      %select_n3A_659 = arith.select %gt3A_658, %max3A_507, %max3A_436 : vector<16xi1>, vector<16xf32>
      %sub3A_660 = arith.subf %get3A_257, %select_n3A_659 : vector<16xf32>
      %mul3A_661 = arith.mulf %sub3A_660, %div3A_657 : vector<16xf32>
      %mul3A_662 = arith.constant 0.707106769 : f32
      %mul3A_663 = vector.broadcast %mul3A_662 : f32 to vector<16xf32>
      %mul3A_664 = arith.mulf %mul3A_661, %mul3A_663 : vector<16xf32>
      %abs3A_665 = math.absf %mul3A_664 : vector<16xf32>
      %mul3A_666 = arith.constant 4.704700e-01 : f32
      %mul3A_667 = vector.broadcast %mul3A_666 : f32 to vector<16xf32>
      %mul3A_668 = arith.mulf %mul3A_667, %abs3A_665 : vector<16xf32>
      %add3A_669 = arith.constant 1.000000e+00 : f32
      %add3A_670 = vector.broadcast %add3A_669 : f32 to vector<16xf32>
      %add3A_671 = arith.addf %add3A_670, %mul3A_668 : vector<16xf32>
      %div3A_672 = arith.constant 1.000000e+00 : f32
      %div3A_673 = vector.broadcast %div3A_672 : f32 to vector<16xf32>
      %div3A_674 = arith.divf %div3A_673, %add3A_671 : vector<16xf32>
      %mul3A_675 = arith.constant 0.747855603 : f32
      %mul3A_676 = vector.broadcast %mul3A_675 : f32 to vector<16xf32>
      %mul3A_677 = arith.mulf %mul3A_676, %div3A_674 : vector<16xf32>
      %add3A_678 = arith.constant -9.587980e-02 : f32
      %add3A_679 = vector.broadcast %add3A_678 : f32 to vector<16xf32>
      %add3A_680 = arith.addf %mul3A_677, %add3A_679 : vector<16xf32>
      %mul3A_681 = arith.mulf %add3A_680, %div3A_674 : vector<16xf32>
      %add3A_682 = arith.constant 0.348024189 : f32
      %add3A_683 = vector.broadcast %add3A_682 : f32 to vector<16xf32>
      %add3A_684 = arith.addf %mul3A_681, %add3A_683 : vector<16xf32>
      %mul3A_685 = arith.mulf %add3A_684, %div3A_674 : vector<16xf32>
      %neg3A_686 = arith.constant 0.000000e+00 : f32
      %neg3A_687 = vector.broadcast %neg3A_686 : f32 to vector<16xf32>
      %neg3A_688 = arith.subf %neg3A_687, %abs3A_665 : vector<16xf32>
      %mul3A_689 = arith.mulf %neg3A_688, %abs3A_665 : vector<16xf32>
      %exp3A_690 = math.exp %mul3A_689 : vector<16xf32>
      %mul3A_691 = arith.mulf %mul3A_685, %exp3A_690 : vector<16xf32>
      %sub3A_692 = arith.constant 1.000000e+00 : f32
      %sub3A_693 = vector.broadcast %sub3A_692 : f32 to vector<16xf32>
      %sub3A_694 = arith.subf %sub3A_693, %mul3A_691 : vector<16xf32>
      %ge3A_695 = arith.constant 0.000000e+00 : f32
      %ge3A_696 = vector.broadcast %ge3A_695 : f32 to vector<16xf32>
      %ge3A_697 = arith.cmpf oge, %mul3A_664, %ge3A_696 : vector<16xf32>
      %neg3A_698 = arith.constant 0.000000e+00 : f32
      %neg3A_699 = vector.broadcast %neg3A_698 : f32 to vector<16xf32>
      %neg3A_700 = arith.subf %neg3A_699, %sub3A_694 : vector<16xf32>
      %select_n3A_701 = arith.select %ge3A_697, %sub3A_694, %neg3A_700 : vector<16xi1>, vector<16xf32>
      %add3A_702 = arith.constant 1.000000e+00 : f32
      %add3A_703 = vector.broadcast %add3A_702 : f32 to vector<16xf32>
      %add3A_704 = arith.addf %add3A_703, %select_n3A_701 : vector<16xf32>
      %mul3A_705 = arith.constant 5.000000e-01 : f32
      %mul3A_706 = vector.broadcast %mul3A_705 : f32 to vector<16xf32>
      %mul3A_707 = arith.mulf %mul3A_706, %add3A_704 : vector<16xf32>
      %eq3A_708 = arith.constant 2 : i32
      %eq3A_709 = vector.broadcast %eq3A_708 : i32 to vector<16xi32>
      %eq3A_710 = arith.cmpi eq, %select_n3A_397, %eq3A_709 : vector<16xi32>
      %select_n3A_711 = arith.select %eq3A_710, %div3A_512, %broadcast_in_dim3A_8 : vector<16xi1>, vector<16xf32>
      %eq3A_712 = arith.constant 2 : i32
      %eq3A_713 = vector.broadcast %eq3A_712 : i32 to vector<16xi32>
      %eq3A_714 = arith.cmpi eq, %select_n3A_468, %eq3A_713 : vector<16xi32>
      %select_n3A_715 = arith.select %eq3A_714, %sub3A_515, %broadcast_in_dim3A_8 : vector<16xi1>, vector<16xf32>
      %add3A_716 = arith.addf %select_n3A_711, %select_n3A_715 : vector<16xf32>
      %add3A_717 = arith.addf %scan3A_231, %add3A_716 : vector<16xf32>
      %add3A_718 = arith.addf %scan3A_239, %mul3A_707 : vector<16xf32>
      %div3A_719 = arith.constant 1.000000e+00 : f32
      %div3A_720 = vector.broadcast %div3A_719 : f32 to vector<16xf32>
      %div3A_721 = arith.divf %div3A_720, %get3A_293 : vector<16xf32>
      %gt3A_722 = arith.cmpf ogt, %add3A_333, %max3A_507 : vector<16xf32>
      %select_n3A_723 = arith.select %gt3A_722, %max3A_507, %max3A_436 : vector<16xi1>, vector<16xf32>
      %sub3A_724 = arith.subf %get3A_261, %select_n3A_723 : vector<16xf32>
      %mul3A_725 = arith.mulf %sub3A_724, %div3A_721 : vector<16xf32>
      %mul3A_726 = arith.constant 0.707106769 : f32
      %mul3A_727 = vector.broadcast %mul3A_726 : f32 to vector<16xf32>
      %mul3A_728 = arith.mulf %mul3A_725, %mul3A_727 : vector<16xf32>
      %abs3A_729 = math.absf %mul3A_728 : vector<16xf32>
      %mul3A_730 = arith.constant 4.704700e-01 : f32
      %mul3A_731 = vector.broadcast %mul3A_730 : f32 to vector<16xf32>
      %mul3A_732 = arith.mulf %mul3A_731, %abs3A_729 : vector<16xf32>
      %add3A_733 = arith.constant 1.000000e+00 : f32
      %add3A_734 = vector.broadcast %add3A_733 : f32 to vector<16xf32>
      %add3A_735 = arith.addf %add3A_734, %mul3A_732 : vector<16xf32>
      %div3A_736 = arith.constant 1.000000e+00 : f32
      %div3A_737 = vector.broadcast %div3A_736 : f32 to vector<16xf32>
      %div3A_738 = arith.divf %div3A_737, %add3A_735 : vector<16xf32>
      %mul3A_739 = arith.constant 0.747855603 : f32
      %mul3A_740 = vector.broadcast %mul3A_739 : f32 to vector<16xf32>
      %mul3A_741 = arith.mulf %mul3A_740, %div3A_738 : vector<16xf32>
      %add3A_742 = arith.constant -9.587980e-02 : f32
      %add3A_743 = vector.broadcast %add3A_742 : f32 to vector<16xf32>
      %add3A_744 = arith.addf %mul3A_741, %add3A_743 : vector<16xf32>
      %mul3A_745 = arith.mulf %add3A_744, %div3A_738 : vector<16xf32>
      %add3A_746 = arith.constant 0.348024189 : f32
      %add3A_747 = vector.broadcast %add3A_746 : f32 to vector<16xf32>
      %add3A_748 = arith.addf %mul3A_745, %add3A_747 : vector<16xf32>
      %mul3A_749 = arith.mulf %add3A_748, %div3A_738 : vector<16xf32>
      %neg3A_750 = arith.constant 0.000000e+00 : f32
      %neg3A_751 = vector.broadcast %neg3A_750 : f32 to vector<16xf32>
      %neg3A_752 = arith.subf %neg3A_751, %abs3A_729 : vector<16xf32>
      %mul3A_753 = arith.mulf %neg3A_752, %abs3A_729 : vector<16xf32>
      %exp3A_754 = math.exp %mul3A_753 : vector<16xf32>
      %mul3A_755 = arith.mulf %mul3A_749, %exp3A_754 : vector<16xf32>
      %sub3A_756 = arith.constant 1.000000e+00 : f32
      %sub3A_757 = vector.broadcast %sub3A_756 : f32 to vector<16xf32>
      %sub3A_758 = arith.subf %sub3A_757, %mul3A_755 : vector<16xf32>
      %ge3A_759 = arith.constant 0.000000e+00 : f32
      %ge3A_760 = vector.broadcast %ge3A_759 : f32 to vector<16xf32>
      %ge3A_761 = arith.cmpf oge, %mul3A_728, %ge3A_760 : vector<16xf32>
      %neg3A_762 = arith.constant 0.000000e+00 : f32
      %neg3A_763 = vector.broadcast %neg3A_762 : f32 to vector<16xf32>
      %neg3A_764 = arith.subf %neg3A_763, %sub3A_758 : vector<16xf32>
      %select_n3A_765 = arith.select %ge3A_761, %sub3A_758, %neg3A_764 : vector<16xi1>, vector<16xf32>
      %add3A_766 = arith.constant 1.000000e+00 : f32
      %add3A_767 = vector.broadcast %add3A_766 : f32 to vector<16xf32>
      %add3A_768 = arith.addf %add3A_767, %select_n3A_765 : vector<16xf32>
      %mul3A_769 = arith.constant 5.000000e-01 : f32
      %mul3A_770 = vector.broadcast %mul3A_769 : f32 to vector<16xf32>
      %mul3A_771 = arith.mulf %mul3A_770, %add3A_768 : vector<16xf32>
      %eq3A_772 = arith.constant 3 : i32
      %eq3A_773 = vector.broadcast %eq3A_772 : i32 to vector<16xi32>
      %eq3A_774 = arith.cmpi eq, %select_n3A_397, %eq3A_773 : vector<16xi32>
      %select_n3A_775 = arith.select %eq3A_774, %div3A_512, %broadcast_in_dim3A_8 : vector<16xi1>, vector<16xf32>
      %eq3A_776 = arith.constant 3 : i32
      %eq3A_777 = vector.broadcast %eq3A_776 : i32 to vector<16xi32>
      %eq3A_778 = arith.cmpi eq, %select_n3A_468, %eq3A_777 : vector<16xi32>
      %select_n3A_779 = arith.select %eq3A_778, %sub3A_515, %broadcast_in_dim3A_8 : vector<16xi1>, vector<16xf32>
      %add3A_780 = arith.addf %select_n3A_775, %select_n3A_779 : vector<16xf32>
      %add3A_781 = arith.addf %scan3A_232, %add3A_780 : vector<16xf32>
      %add3A_782 = arith.addf %scan3A_240, %mul3A_771 : vector<16xf32>
      %div3A_783 = arith.constant 1.000000e+00 : f32
      %div3A_784 = vector.broadcast %div3A_783 : f32 to vector<16xf32>
      %div3A_785 = arith.divf %div3A_784, %get3A_297 : vector<16xf32>
      %gt3A_786 = arith.cmpf ogt, %add3A_339, %max3A_507 : vector<16xf32>
      %select_n3A_787 = arith.select %gt3A_786, %max3A_507, %max3A_436 : vector<16xi1>, vector<16xf32>
      %sub3A_788 = arith.subf %get3A_265, %select_n3A_787 : vector<16xf32>
      %mul3A_789 = arith.mulf %sub3A_788, %div3A_785 : vector<16xf32>
      %mul3A_790 = arith.constant 0.707106769 : f32
      %mul3A_791 = vector.broadcast %mul3A_790 : f32 to vector<16xf32>
      %mul3A_792 = arith.mulf %mul3A_789, %mul3A_791 : vector<16xf32>
      %abs3A_793 = math.absf %mul3A_792 : vector<16xf32>
      %mul3A_794 = arith.constant 4.704700e-01 : f32
      %mul3A_795 = vector.broadcast %mul3A_794 : f32 to vector<16xf32>
      %mul3A_796 = arith.mulf %mul3A_795, %abs3A_793 : vector<16xf32>
      %add3A_797 = arith.constant 1.000000e+00 : f32
      %add3A_798 = vector.broadcast %add3A_797 : f32 to vector<16xf32>
      %add3A_799 = arith.addf %add3A_798, %mul3A_796 : vector<16xf32>
      %div3A_800 = arith.constant 1.000000e+00 : f32
      %div3A_801 = vector.broadcast %div3A_800 : f32 to vector<16xf32>
      %div3A_802 = arith.divf %div3A_801, %add3A_799 : vector<16xf32>
      %mul3A_803 = arith.constant 0.747855603 : f32
      %mul3A_804 = vector.broadcast %mul3A_803 : f32 to vector<16xf32>
      %mul3A_805 = arith.mulf %mul3A_804, %div3A_802 : vector<16xf32>
      %add3A_806 = arith.constant -9.587980e-02 : f32
      %add3A_807 = vector.broadcast %add3A_806 : f32 to vector<16xf32>
      %add3A_808 = arith.addf %mul3A_805, %add3A_807 : vector<16xf32>
      %mul3A_809 = arith.mulf %add3A_808, %div3A_802 : vector<16xf32>
      %add3A_810 = arith.constant 0.348024189 : f32
      %add3A_811 = vector.broadcast %add3A_810 : f32 to vector<16xf32>
      %add3A_812 = arith.addf %mul3A_809, %add3A_811 : vector<16xf32>
      %mul3A_813 = arith.mulf %add3A_812, %div3A_802 : vector<16xf32>
      %neg3A_814 = arith.constant 0.000000e+00 : f32
      %neg3A_815 = vector.broadcast %neg3A_814 : f32 to vector<16xf32>
      %neg3A_816 = arith.subf %neg3A_815, %abs3A_793 : vector<16xf32>
      %mul3A_817 = arith.mulf %neg3A_816, %abs3A_793 : vector<16xf32>
      %exp3A_818 = math.exp %mul3A_817 : vector<16xf32>
      %mul3A_819 = arith.mulf %mul3A_813, %exp3A_818 : vector<16xf32>
      %sub3A_820 = arith.constant 1.000000e+00 : f32
      %sub3A_821 = vector.broadcast %sub3A_820 : f32 to vector<16xf32>
      %sub3A_822 = arith.subf %sub3A_821, %mul3A_819 : vector<16xf32>
      %ge3A_823 = arith.constant 0.000000e+00 : f32
      %ge3A_824 = vector.broadcast %ge3A_823 : f32 to vector<16xf32>
      %ge3A_825 = arith.cmpf oge, %mul3A_792, %ge3A_824 : vector<16xf32>
      %neg3A_826 = arith.constant 0.000000e+00 : f32
      %neg3A_827 = vector.broadcast %neg3A_826 : f32 to vector<16xf32>
      %neg3A_828 = arith.subf %neg3A_827, %sub3A_822 : vector<16xf32>
      %select_n3A_829 = arith.select %ge3A_825, %sub3A_822, %neg3A_828 : vector<16xi1>, vector<16xf32>
      %add3A_830 = arith.constant 1.000000e+00 : f32
      %add3A_831 = vector.broadcast %add3A_830 : f32 to vector<16xf32>
      %add3A_832 = arith.addf %add3A_831, %select_n3A_829 : vector<16xf32>
      %mul3A_833 = arith.constant 5.000000e-01 : f32
      %mul3A_834 = vector.broadcast %mul3A_833 : f32 to vector<16xf32>
      %mul3A_835 = arith.mulf %mul3A_834, %add3A_832 : vector<16xf32>
      %eq3A_836 = arith.constant 4 : i32
      %eq3A_837 = vector.broadcast %eq3A_836 : i32 to vector<16xi32>
      %eq3A_838 = arith.cmpi eq, %select_n3A_397, %eq3A_837 : vector<16xi32>
      %select_n3A_839 = arith.select %eq3A_838, %div3A_512, %broadcast_in_dim3A_8 : vector<16xi1>, vector<16xf32>
      %eq3A_840 = arith.constant 4 : i32
      %eq3A_841 = vector.broadcast %eq3A_840 : i32 to vector<16xi32>
      %eq3A_842 = arith.cmpi eq, %select_n3A_468, %eq3A_841 : vector<16xi32>
      %select_n3A_843 = arith.select %eq3A_842, %sub3A_515, %broadcast_in_dim3A_8 : vector<16xi1>, vector<16xf32>
      %add3A_844 = arith.addf %select_n3A_839, %select_n3A_843 : vector<16xf32>
      %add3A_845 = arith.addf %scan3A_233, %add3A_844 : vector<16xf32>
      %add3A_846 = arith.addf %scan3A_241, %mul3A_835 : vector<16xf32>
      %div3A_847 = arith.constant 1.000000e+00 : f32
      %div3A_848 = vector.broadcast %div3A_847 : f32 to vector<16xf32>
      %div3A_849 = arith.divf %div3A_848, %get3A_301 : vector<16xf32>
      %gt3A_850 = arith.cmpf ogt, %add3A_345, %max3A_507 : vector<16xf32>
      %select_n3A_851 = arith.select %gt3A_850, %max3A_507, %max3A_436 : vector<16xi1>, vector<16xf32>
      %sub3A_852 = arith.subf %get3A_269, %select_n3A_851 : vector<16xf32>
      %mul3A_853 = arith.mulf %sub3A_852, %div3A_849 : vector<16xf32>
      %mul3A_854 = arith.constant 0.707106769 : f32
      %mul3A_855 = vector.broadcast %mul3A_854 : f32 to vector<16xf32>
      %mul3A_856 = arith.mulf %mul3A_853, %mul3A_855 : vector<16xf32>
      %abs3A_857 = math.absf %mul3A_856 : vector<16xf32>
      %mul3A_858 = arith.constant 4.704700e-01 : f32
      %mul3A_859 = vector.broadcast %mul3A_858 : f32 to vector<16xf32>
      %mul3A_860 = arith.mulf %mul3A_859, %abs3A_857 : vector<16xf32>
      %add3A_861 = arith.constant 1.000000e+00 : f32
      %add3A_862 = vector.broadcast %add3A_861 : f32 to vector<16xf32>
      %add3A_863 = arith.addf %add3A_862, %mul3A_860 : vector<16xf32>
      %div3A_864 = arith.constant 1.000000e+00 : f32
      %div3A_865 = vector.broadcast %div3A_864 : f32 to vector<16xf32>
      %div3A_866 = arith.divf %div3A_865, %add3A_863 : vector<16xf32>
      %mul3A_867 = arith.constant 0.747855603 : f32
      %mul3A_868 = vector.broadcast %mul3A_867 : f32 to vector<16xf32>
      %mul3A_869 = arith.mulf %mul3A_868, %div3A_866 : vector<16xf32>
      %add3A_870 = arith.constant -9.587980e-02 : f32
      %add3A_871 = vector.broadcast %add3A_870 : f32 to vector<16xf32>
      %add3A_872 = arith.addf %mul3A_869, %add3A_871 : vector<16xf32>
      %mul3A_873 = arith.mulf %add3A_872, %div3A_866 : vector<16xf32>
      %add3A_874 = arith.constant 0.348024189 : f32
      %add3A_875 = vector.broadcast %add3A_874 : f32 to vector<16xf32>
      %add3A_876 = arith.addf %mul3A_873, %add3A_875 : vector<16xf32>
      %mul3A_877 = arith.mulf %add3A_876, %div3A_866 : vector<16xf32>
      %neg3A_878 = arith.constant 0.000000e+00 : f32
      %neg3A_879 = vector.broadcast %neg3A_878 : f32 to vector<16xf32>
      %neg3A_880 = arith.subf %neg3A_879, %abs3A_857 : vector<16xf32>
      %mul3A_881 = arith.mulf %neg3A_880, %abs3A_857 : vector<16xf32>
      %exp3A_882 = math.exp %mul3A_881 : vector<16xf32>
      %mul3A_883 = arith.mulf %mul3A_877, %exp3A_882 : vector<16xf32>
      %sub3A_884 = arith.constant 1.000000e+00 : f32
      %sub3A_885 = vector.broadcast %sub3A_884 : f32 to vector<16xf32>
      %sub3A_886 = arith.subf %sub3A_885, %mul3A_883 : vector<16xf32>
      %ge3A_887 = arith.constant 0.000000e+00 : f32
      %ge3A_888 = vector.broadcast %ge3A_887 : f32 to vector<16xf32>
      %ge3A_889 = arith.cmpf oge, %mul3A_856, %ge3A_888 : vector<16xf32>
      %neg3A_890 = arith.constant 0.000000e+00 : f32
      %neg3A_891 = vector.broadcast %neg3A_890 : f32 to vector<16xf32>
      %neg3A_892 = arith.subf %neg3A_891, %sub3A_886 : vector<16xf32>
      %select_n3A_893 = arith.select %ge3A_889, %sub3A_886, %neg3A_892 : vector<16xi1>, vector<16xf32>
      %add3A_894 = arith.constant 1.000000e+00 : f32
      %add3A_895 = vector.broadcast %add3A_894 : f32 to vector<16xf32>
      %add3A_896 = arith.addf %add3A_895, %select_n3A_893 : vector<16xf32>
      %mul3A_897 = arith.constant 5.000000e-01 : f32
      %mul3A_898 = vector.broadcast %mul3A_897 : f32 to vector<16xf32>
      %mul3A_899 = arith.mulf %mul3A_898, %add3A_896 : vector<16xf32>
      %eq3A_900 = arith.constant 5 : i32
      %eq3A_901 = vector.broadcast %eq3A_900 : i32 to vector<16xi32>
      %eq3A_902 = arith.cmpi eq, %select_n3A_397, %eq3A_901 : vector<16xi32>
      %select_n3A_903 = arith.select %eq3A_902, %div3A_512, %broadcast_in_dim3A_8 : vector<16xi1>, vector<16xf32>
      %eq3A_904 = arith.constant 5 : i32
      %eq3A_905 = vector.broadcast %eq3A_904 : i32 to vector<16xi32>
      %eq3A_906 = arith.cmpi eq, %select_n3A_468, %eq3A_905 : vector<16xi32>
      %select_n3A_907 = arith.select %eq3A_906, %sub3A_515, %broadcast_in_dim3A_8 : vector<16xi1>, vector<16xf32>
      %add3A_908 = arith.addf %select_n3A_903, %select_n3A_907 : vector<16xf32>
      %add3A_909 = arith.addf %scan3A_234, %add3A_908 : vector<16xf32>
      %add3A_910 = arith.addf %scan3A_242, %mul3A_899 : vector<16xf32>
      %div3A_911 = arith.constant 1.000000e+00 : f32
      %div3A_912 = vector.broadcast %div3A_911 : f32 to vector<16xf32>
      %div3A_913 = arith.divf %div3A_912, %get3A_305 : vector<16xf32>
      %gt3A_914 = arith.cmpf ogt, %add3A_351, %max3A_507 : vector<16xf32>
      %select_n3A_915 = arith.select %gt3A_914, %max3A_507, %max3A_436 : vector<16xi1>, vector<16xf32>
      %sub3A_916 = arith.subf %get3A_273, %select_n3A_915 : vector<16xf32>
      %mul3A_917 = arith.mulf %sub3A_916, %div3A_913 : vector<16xf32>
      %mul3A_918 = arith.constant 0.707106769 : f32
      %mul3A_919 = vector.broadcast %mul3A_918 : f32 to vector<16xf32>
      %mul3A_920 = arith.mulf %mul3A_917, %mul3A_919 : vector<16xf32>
      %abs3A_921 = math.absf %mul3A_920 : vector<16xf32>
      %mul3A_922 = arith.constant 4.704700e-01 : f32
      %mul3A_923 = vector.broadcast %mul3A_922 : f32 to vector<16xf32>
      %mul3A_924 = arith.mulf %mul3A_923, %abs3A_921 : vector<16xf32>
      %add3A_925 = arith.constant 1.000000e+00 : f32
      %add3A_926 = vector.broadcast %add3A_925 : f32 to vector<16xf32>
      %add3A_927 = arith.addf %add3A_926, %mul3A_924 : vector<16xf32>
      %div3A_928 = arith.constant 1.000000e+00 : f32
      %div3A_929 = vector.broadcast %div3A_928 : f32 to vector<16xf32>
      %div3A_930 = arith.divf %div3A_929, %add3A_927 : vector<16xf32>
      %mul3A_931 = arith.constant 0.747855603 : f32
      %mul3A_932 = vector.broadcast %mul3A_931 : f32 to vector<16xf32>
      %mul3A_933 = arith.mulf %mul3A_932, %div3A_930 : vector<16xf32>
      %add3A_934 = arith.constant -9.587980e-02 : f32
      %add3A_935 = vector.broadcast %add3A_934 : f32 to vector<16xf32>
      %add3A_936 = arith.addf %mul3A_933, %add3A_935 : vector<16xf32>
      %mul3A_937 = arith.mulf %add3A_936, %div3A_930 : vector<16xf32>
      %add3A_938 = arith.constant 0.348024189 : f32
      %add3A_939 = vector.broadcast %add3A_938 : f32 to vector<16xf32>
      %add3A_940 = arith.addf %mul3A_937, %add3A_939 : vector<16xf32>
      %mul3A_941 = arith.mulf %add3A_940, %div3A_930 : vector<16xf32>
      %neg3A_942 = arith.constant 0.000000e+00 : f32
      %neg3A_943 = vector.broadcast %neg3A_942 : f32 to vector<16xf32>
      %neg3A_944 = arith.subf %neg3A_943, %abs3A_921 : vector<16xf32>
      %mul3A_945 = arith.mulf %neg3A_944, %abs3A_921 : vector<16xf32>
      %exp3A_946 = math.exp %mul3A_945 : vector<16xf32>
      %mul3A_947 = arith.mulf %mul3A_941, %exp3A_946 : vector<16xf32>
      %sub3A_948 = arith.constant 1.000000e+00 : f32
      %sub3A_949 = vector.broadcast %sub3A_948 : f32 to vector<16xf32>
      %sub3A_950 = arith.subf %sub3A_949, %mul3A_947 : vector<16xf32>
      %ge3A_951 = arith.constant 0.000000e+00 : f32
      %ge3A_952 = vector.broadcast %ge3A_951 : f32 to vector<16xf32>
      %ge3A_953 = arith.cmpf oge, %mul3A_920, %ge3A_952 : vector<16xf32>
      %neg3A_954 = arith.constant 0.000000e+00 : f32
      %neg3A_955 = vector.broadcast %neg3A_954 : f32 to vector<16xf32>
      %neg3A_956 = arith.subf %neg3A_955, %sub3A_950 : vector<16xf32>
      %select_n3A_957 = arith.select %ge3A_953, %sub3A_950, %neg3A_956 : vector<16xi1>, vector<16xf32>
      %add3A_958 = arith.constant 1.000000e+00 : f32
      %add3A_959 = vector.broadcast %add3A_958 : f32 to vector<16xf32>
      %add3A_960 = arith.addf %add3A_959, %select_n3A_957 : vector<16xf32>
      %mul3A_961 = arith.constant 5.000000e-01 : f32
      %mul3A_962 = vector.broadcast %mul3A_961 : f32 to vector<16xf32>
      %mul3A_963 = arith.mulf %mul3A_962, %add3A_960 : vector<16xf32>
      %eq3A_964 = arith.constant 6 : i32
      %eq3A_965 = vector.broadcast %eq3A_964 : i32 to vector<16xi32>
      %eq3A_966 = arith.cmpi eq, %select_n3A_397, %eq3A_965 : vector<16xi32>
      %select_n3A_967 = arith.select %eq3A_966, %div3A_512, %broadcast_in_dim3A_8 : vector<16xi1>, vector<16xf32>
      %eq3A_968 = arith.constant 6 : i32
      %eq3A_969 = vector.broadcast %eq3A_968 : i32 to vector<16xi32>
      %eq3A_970 = arith.cmpi eq, %select_n3A_468, %eq3A_969 : vector<16xi32>
      %select_n3A_971 = arith.select %eq3A_970, %sub3A_515, %broadcast_in_dim3A_8 : vector<16xi1>, vector<16xf32>
      %add3A_972 = arith.addf %select_n3A_967, %select_n3A_971 : vector<16xf32>
      %add3A_973 = arith.addf %scan3A_235, %add3A_972 : vector<16xf32>
      %add3A_974 = arith.addf %scan3A_243, %mul3A_963 : vector<16xf32>
      %div3A_975 = arith.constant 1.000000e+00 : f32
      %div3A_976 = vector.broadcast %div3A_975 : f32 to vector<16xf32>
      %div3A_977 = arith.divf %div3A_976, %get3A_309 : vector<16xf32>
      %gt3A_978 = arith.cmpf ogt, %add3A_357, %max3A_507 : vector<16xf32>
      %select_n3A_979 = arith.select %gt3A_978, %max3A_507, %max3A_436 : vector<16xi1>, vector<16xf32>
      %sub3A_980 = arith.subf %get3A_277, %select_n3A_979 : vector<16xf32>
      %mul3A_981 = arith.mulf %sub3A_980, %div3A_977 : vector<16xf32>
      %mul3A_982 = arith.constant 0.707106769 : f32
      %mul3A_983 = vector.broadcast %mul3A_982 : f32 to vector<16xf32>
      %mul3A_984 = arith.mulf %mul3A_981, %mul3A_983 : vector<16xf32>
      %abs3A_985 = math.absf %mul3A_984 : vector<16xf32>
      %mul3A_986 = arith.constant 4.704700e-01 : f32
      %mul3A_987 = vector.broadcast %mul3A_986 : f32 to vector<16xf32>
      %mul3A_988 = arith.mulf %mul3A_987, %abs3A_985 : vector<16xf32>
      %add3A_989 = arith.constant 1.000000e+00 : f32
      %add3A_990 = vector.broadcast %add3A_989 : f32 to vector<16xf32>
      %add3A_991 = arith.addf %add3A_990, %mul3A_988 : vector<16xf32>
      %div3A_992 = arith.constant 1.000000e+00 : f32
      %div3A_993 = vector.broadcast %div3A_992 : f32 to vector<16xf32>
      %div3A_994 = arith.divf %div3A_993, %add3A_991 : vector<16xf32>
      %mul3A_995 = arith.constant 0.747855603 : f32
      %mul3A_996 = vector.broadcast %mul3A_995 : f32 to vector<16xf32>
      %mul3A_997 = arith.mulf %mul3A_996, %div3A_994 : vector<16xf32>
      %add3A_998 = arith.constant -9.587980e-02 : f32
      %add3A_999 = vector.broadcast %add3A_998 : f32 to vector<16xf32>
      %add3A_1000 = arith.addf %mul3A_997, %add3A_999 : vector<16xf32>
      %mul3A_1001 = arith.mulf %add3A_1000, %div3A_994 : vector<16xf32>
      %add3A_1002 = arith.constant 0.348024189 : f32
      %add3A_1003 = vector.broadcast %add3A_1002 : f32 to vector<16xf32>
      %add3A_1004 = arith.addf %mul3A_1001, %add3A_1003 : vector<16xf32>
      %mul3A_1005 = arith.mulf %add3A_1004, %div3A_994 : vector<16xf32>
      %neg3A_1006 = arith.constant 0.000000e+00 : f32
      %neg3A_1007 = vector.broadcast %neg3A_1006 : f32 to vector<16xf32>
      %neg3A_1008 = arith.subf %neg3A_1007, %abs3A_985 : vector<16xf32>
      %mul3A_1009 = arith.mulf %neg3A_1008, %abs3A_985 : vector<16xf32>
      %exp3A_1010 = math.exp %mul3A_1009 : vector<16xf32>
      %mul3A_1011 = arith.mulf %mul3A_1005, %exp3A_1010 : vector<16xf32>
      %sub3A_1012 = arith.constant 1.000000e+00 : f32
      %sub3A_1013 = vector.broadcast %sub3A_1012 : f32 to vector<16xf32>
      %sub3A_1014 = arith.subf %sub3A_1013, %mul3A_1011 : vector<16xf32>
      %ge3A_1015 = arith.constant 0.000000e+00 : f32
      %ge3A_1016 = vector.broadcast %ge3A_1015 : f32 to vector<16xf32>
      %ge3A_1017 = arith.cmpf oge, %mul3A_984, %ge3A_1016 : vector<16xf32>
      %neg3A_1018 = arith.constant 0.000000e+00 : f32
      %neg3A_1019 = vector.broadcast %neg3A_1018 : f32 to vector<16xf32>
      %neg3A_1020 = arith.subf %neg3A_1019, %sub3A_1014 : vector<16xf32>
      %select_n3A_1021 = arith.select %ge3A_1017, %sub3A_1014, %neg3A_1020 : vector<16xi1>, vector<16xf32>
      %add3A_1022 = arith.constant 1.000000e+00 : f32
      %add3A_1023 = vector.broadcast %add3A_1022 : f32 to vector<16xf32>
      %add3A_1024 = arith.addf %add3A_1023, %select_n3A_1021 : vector<16xf32>
      %mul3A_1025 = arith.constant 5.000000e-01 : f32
      %mul3A_1026 = vector.broadcast %mul3A_1025 : f32 to vector<16xf32>
      %mul3A_1027 = arith.mulf %mul3A_1026, %add3A_1024 : vector<16xf32>
      %eq3A_1028 = arith.constant 7 : i32
      %eq3A_1029 = vector.broadcast %eq3A_1028 : i32 to vector<16xi32>
      %eq3A_1030 = arith.cmpi eq, %select_n3A_397, %eq3A_1029 : vector<16xi32>
      %select_n3A_1031 = arith.select %eq3A_1030, %div3A_512, %broadcast_in_dim3A_8 : vector<16xi1>, vector<16xf32>
      %eq3A_1032 = arith.constant 7 : i32
      %eq3A_1033 = vector.broadcast %eq3A_1032 : i32 to vector<16xi32>
      %eq3A_1034 = arith.cmpi eq, %select_n3A_468, %eq3A_1033 : vector<16xi32>
      %select_n3A_1035 = arith.select %eq3A_1034, %sub3A_515, %broadcast_in_dim3A_8 : vector<16xi1>, vector<16xf32>
      %add3A_1036 = arith.addf %select_n3A_1031, %select_n3A_1035 : vector<16xf32>
      %add3A_1037 = arith.addf %scan3A_236, %add3A_1036 : vector<16xf32>
      %add3A_1038 = arith.addf %scan3A_244, %mul3A_1027 : vector<16xf32>
      scf.yield %add3A_589, %add3A_653, %add3A_717, %add3A_781, %add3A_845, %add3A_909, %add3A_973, %add3A_1037, %add3A_590, %add3A_654, %add3A_718, %add3A_782, %add3A_846, %add3A_910, %add3A_974, %add3A_1038 : vector<16xf32>, vector<16xf32>, vector<16xf32>, vector<16xf32>, vector<16xf32>, vector<16xf32>, vector<16xf32>, vector<16xf32>, vector<16xf32>, vector<16xf32>, vector<16xf32>, vector<16xf32>, vector<16xf32>, vector<16xf32>, vector<16xf32>, vector<16xf32>
    }
    %scan3A_15 = arith.constant 24 : i32
    %reduce_sum3A = arith.constant true
    %reduce_sum3A_16 = vector.broadcast %reduce_sum3A : i1 to vector<16xi1>
    %reduce_sum3A_17 = tpu.scan <sum>, %scan3A_14#0 masked %reduce_sum3A_16 : vector<16xf32>, vector<16xi1> -> vector<16xf32>
    %reduce_sum3A_18 = vector.extract %reduce_sum3A_17[15] : f32 from vector<16xf32>
    %eq3A = arith.constant 0 : i32
    %eq3A_19 = vector.broadcast %eq3A : i32 to vector<16xi32>
    %eq3A_20 = arith.cmpi eq, %iota3A, %eq3A_19 : vector<16xi32>
    %broadcast_in_dim3A_21 = arith.constant 1.000000e+00 : f32
    %broadcast_in_dim3A_22 = vector.broadcast %broadcast_in_dim3A_21 : f32 to vector<16xf32>
    %mul3A_23 = vector.broadcast %reduce_sum3A_18 : f32 to vector<16xf32>
    %mul3A_24 = arith.mulf %broadcast_in_dim3A_22, %mul3A_23 : vector<16xf32>
    %select_n3A = arith.select %eq3A_20, %mul3A_24, %broadcast_in_dim3A_8 : vector<16xi1>, vector<16xf32>
    %add3A_25 = arith.addf %broadcast_in_dim3A_8, %select_n3A : vector<16xf32>
    %reduce_sum3A_26 = arith.constant true
    %reduce_sum3A_27 = vector.broadcast %reduce_sum3A_26 : i1 to vector<16xi1>
    %reduce_sum3A_28 = tpu.scan <sum>, %scan3A_14#1 masked %reduce_sum3A_27 : vector<16xf32>, vector<16xi1> -> vector<16xf32>
    %reduce_sum3A_29 = vector.extract %reduce_sum3A_28[15] : f32 from vector<16xf32>
    %eq3A_30 = arith.constant 1 : i32
    %eq3A_31 = vector.broadcast %eq3A_30 : i32 to vector<16xi32>
    %eq3A_32 = arith.cmpi eq, %iota3A, %eq3A_31 : vector<16xi32>
    %broadcast_in_dim3A_33 = arith.constant 1.000000e+00 : f32
    %broadcast_in_dim3A_34 = vector.broadcast %broadcast_in_dim3A_33 : f32 to vector<16xf32>
    %mul3A_35 = vector.broadcast %reduce_sum3A_29 : f32 to vector<16xf32>
    %mul3A_36 = arith.mulf %broadcast_in_dim3A_34, %mul3A_35 : vector<16xf32>
    %select_n3A_37 = arith.select %eq3A_32, %mul3A_36, %broadcast_in_dim3A_8 : vector<16xi1>, vector<16xf32>
    %add3A_38 = arith.addf %add3A_25, %select_n3A_37 : vector<16xf32>
    %reduce_sum3A_39 = arith.constant true
    %reduce_sum3A_40 = vector.broadcast %reduce_sum3A_39 : i1 to vector<16xi1>
    %reduce_sum3A_41 = tpu.scan <sum>, %scan3A_14#2 masked %reduce_sum3A_40 : vector<16xf32>, vector<16xi1> -> vector<16xf32>
    %reduce_sum3A_42 = vector.extract %reduce_sum3A_41[15] : f32 from vector<16xf32>
    %eq3A_43 = arith.constant 2 : i32
    %eq3A_44 = vector.broadcast %eq3A_43 : i32 to vector<16xi32>
    %eq3A_45 = arith.cmpi eq, %iota3A, %eq3A_44 : vector<16xi32>
    %broadcast_in_dim3A_46 = arith.constant 1.000000e+00 : f32
    %broadcast_in_dim3A_47 = vector.broadcast %broadcast_in_dim3A_46 : f32 to vector<16xf32>
    %mul3A_48 = vector.broadcast %reduce_sum3A_42 : f32 to vector<16xf32>
    %mul3A_49 = arith.mulf %broadcast_in_dim3A_47, %mul3A_48 : vector<16xf32>
    %select_n3A_50 = arith.select %eq3A_45, %mul3A_49, %broadcast_in_dim3A_8 : vector<16xi1>, vector<16xf32>
    %add3A_51 = arith.addf %add3A_38, %select_n3A_50 : vector<16xf32>
    %reduce_sum3A_52 = arith.constant true
    %reduce_sum3A_53 = vector.broadcast %reduce_sum3A_52 : i1 to vector<16xi1>
    %reduce_sum3A_54 = tpu.scan <sum>, %scan3A_14#3 masked %reduce_sum3A_53 : vector<16xf32>, vector<16xi1> -> vector<16xf32>
    %reduce_sum3A_55 = vector.extract %reduce_sum3A_54[15] : f32 from vector<16xf32>
    %eq3A_56 = arith.constant 3 : i32
    %eq3A_57 = vector.broadcast %eq3A_56 : i32 to vector<16xi32>
    %eq3A_58 = arith.cmpi eq, %iota3A, %eq3A_57 : vector<16xi32>
    %broadcast_in_dim3A_59 = arith.constant 1.000000e+00 : f32
    %broadcast_in_dim3A_60 = vector.broadcast %broadcast_in_dim3A_59 : f32 to vector<16xf32>
    %mul3A_61 = vector.broadcast %reduce_sum3A_55 : f32 to vector<16xf32>
    %mul3A_62 = arith.mulf %broadcast_in_dim3A_60, %mul3A_61 : vector<16xf32>
    %select_n3A_63 = arith.select %eq3A_58, %mul3A_62, %broadcast_in_dim3A_8 : vector<16xi1>, vector<16xf32>
    %add3A_64 = arith.addf %add3A_51, %select_n3A_63 : vector<16xf32>
    %reduce_sum3A_65 = arith.constant true
    %reduce_sum3A_66 = vector.broadcast %reduce_sum3A_65 : i1 to vector<16xi1>
    %reduce_sum3A_67 = tpu.scan <sum>, %scan3A_14#4 masked %reduce_sum3A_66 : vector<16xf32>, vector<16xi1> -> vector<16xf32>
    %reduce_sum3A_68 = vector.extract %reduce_sum3A_67[15] : f32 from vector<16xf32>
    %eq3A_69 = arith.constant 4 : i32
    %eq3A_70 = vector.broadcast %eq3A_69 : i32 to vector<16xi32>
    %eq3A_71 = arith.cmpi eq, %iota3A, %eq3A_70 : vector<16xi32>
    %broadcast_in_dim3A_72 = arith.constant 1.000000e+00 : f32
    %broadcast_in_dim3A_73 = vector.broadcast %broadcast_in_dim3A_72 : f32 to vector<16xf32>
    %mul3A_74 = vector.broadcast %reduce_sum3A_68 : f32 to vector<16xf32>
    %mul3A_75 = arith.mulf %broadcast_in_dim3A_73, %mul3A_74 : vector<16xf32>
    %select_n3A_76 = arith.select %eq3A_71, %mul3A_75, %broadcast_in_dim3A_8 : vector<16xi1>, vector<16xf32>
    %add3A_77 = arith.addf %add3A_64, %select_n3A_76 : vector<16xf32>
    %reduce_sum3A_78 = arith.constant true
    %reduce_sum3A_79 = vector.broadcast %reduce_sum3A_78 : i1 to vector<16xi1>
    %reduce_sum3A_80 = tpu.scan <sum>, %scan3A_14#5 masked %reduce_sum3A_79 : vector<16xf32>, vector<16xi1> -> vector<16xf32>
    %reduce_sum3A_81 = vector.extract %reduce_sum3A_80[15] : f32 from vector<16xf32>
    %eq3A_82 = arith.constant 5 : i32
    %eq3A_83 = vector.broadcast %eq3A_82 : i32 to vector<16xi32>
    %eq3A_84 = arith.cmpi eq, %iota3A, %eq3A_83 : vector<16xi32>
    %broadcast_in_dim3A_85 = arith.constant 1.000000e+00 : f32
    %broadcast_in_dim3A_86 = vector.broadcast %broadcast_in_dim3A_85 : f32 to vector<16xf32>
    %mul3A_87 = vector.broadcast %reduce_sum3A_81 : f32 to vector<16xf32>
    %mul3A_88 = arith.mulf %broadcast_in_dim3A_86, %mul3A_87 : vector<16xf32>
    %select_n3A_89 = arith.select %eq3A_84, %mul3A_88, %broadcast_in_dim3A_8 : vector<16xi1>, vector<16xf32>
    %add3A_90 = arith.addf %add3A_77, %select_n3A_89 : vector<16xf32>
    %reduce_sum3A_91 = arith.constant true
    %reduce_sum3A_92 = vector.broadcast %reduce_sum3A_91 : i1 to vector<16xi1>
    %reduce_sum3A_93 = tpu.scan <sum>, %scan3A_14#6 masked %reduce_sum3A_92 : vector<16xf32>, vector<16xi1> -> vector<16xf32>
    %reduce_sum3A_94 = vector.extract %reduce_sum3A_93[15] : f32 from vector<16xf32>
    %eq3A_95 = arith.constant 6 : i32
    %eq3A_96 = vector.broadcast %eq3A_95 : i32 to vector<16xi32>
    %eq3A_97 = arith.cmpi eq, %iota3A, %eq3A_96 : vector<16xi32>
    %broadcast_in_dim3A_98 = arith.constant 1.000000e+00 : f32
    %broadcast_in_dim3A_99 = vector.broadcast %broadcast_in_dim3A_98 : f32 to vector<16xf32>
    %mul3A_100 = vector.broadcast %reduce_sum3A_94 : f32 to vector<16xf32>
    %mul3A_101 = arith.mulf %broadcast_in_dim3A_99, %mul3A_100 : vector<16xf32>
    %select_n3A_102 = arith.select %eq3A_97, %mul3A_101, %broadcast_in_dim3A_8 : vector<16xi1>, vector<16xf32>
    %add3A_103 = arith.addf %add3A_90, %select_n3A_102 : vector<16xf32>
    %reduce_sum3A_104 = arith.constant true
    %reduce_sum3A_105 = vector.broadcast %reduce_sum3A_104 : i1 to vector<16xi1>
    %reduce_sum3A_106 = tpu.scan <sum>, %scan3A_14#7 masked %reduce_sum3A_105 : vector<16xf32>, vector<16xi1> -> vector<16xf32>
    %reduce_sum3A_107 = vector.extract %reduce_sum3A_106[15] : f32 from vector<16xf32>
    %eq3A_108 = arith.constant 7 : i32
    %eq3A_109 = vector.broadcast %eq3A_108 : i32 to vector<16xi32>
    %eq3A_110 = arith.cmpi eq, %iota3A, %eq3A_109 : vector<16xi32>
    %broadcast_in_dim3A_111 = arith.constant 1.000000e+00 : f32
    %broadcast_in_dim3A_112 = vector.broadcast %broadcast_in_dim3A_111 : f32 to vector<16xf32>
    %mul3A_113 = vector.broadcast %reduce_sum3A_107 : f32 to vector<16xf32>
    %mul3A_114 = arith.mulf %broadcast_in_dim3A_112, %mul3A_113 : vector<16xf32>
    %select_n3A_115 = arith.select %eq3A_110, %mul3A_114, %broadcast_in_dim3A_8 : vector<16xi1>, vector<16xf32>
    %add3A_116 = arith.addf %add3A_103, %select_n3A_115 : vector<16xf32>
    %reduce_sum3A_117 = arith.constant true
    %reduce_sum3A_118 = vector.broadcast %reduce_sum3A_117 : i1 to vector<16xi1>
    %reduce_sum3A_119 = tpu.scan <sum>, %scan3A_14#8 masked %reduce_sum3A_118 : vector<16xf32>, vector<16xi1> -> vector<16xf32>
    %reduce_sum3A_120 = vector.extract %reduce_sum3A_119[15] : f32 from vector<16xf32>
    %eq3A_121 = arith.constant 8 : i32
    %eq3A_122 = vector.broadcast %eq3A_121 : i32 to vector<16xi32>
    %eq3A_123 = arith.cmpi eq, %iota3A, %eq3A_122 : vector<16xi32>
    %broadcast_in_dim3A_124 = arith.constant 1.000000e+00 : f32
    %broadcast_in_dim3A_125 = vector.broadcast %broadcast_in_dim3A_124 : f32 to vector<16xf32>
    %mul3A_126 = vector.broadcast %reduce_sum3A_120 : f32 to vector<16xf32>
    %mul3A_127 = arith.mulf %broadcast_in_dim3A_125, %mul3A_126 : vector<16xf32>
    %select_n3A_128 = arith.select %eq3A_123, %mul3A_127, %broadcast_in_dim3A_8 : vector<16xi1>, vector<16xf32>
    %add3A_129 = arith.addf %add3A_116, %select_n3A_128 : vector<16xf32>
    %reduce_sum3A_130 = arith.constant true
    %reduce_sum3A_131 = vector.broadcast %reduce_sum3A_130 : i1 to vector<16xi1>
    %reduce_sum3A_132 = tpu.scan <sum>, %scan3A_14#9 masked %reduce_sum3A_131 : vector<16xf32>, vector<16xi1> -> vector<16xf32>
    %reduce_sum3A_133 = vector.extract %reduce_sum3A_132[15] : f32 from vector<16xf32>
    %eq3A_134 = arith.constant 9 : i32
    %eq3A_135 = vector.broadcast %eq3A_134 : i32 to vector<16xi32>
    %eq3A_136 = arith.cmpi eq, %iota3A, %eq3A_135 : vector<16xi32>
    %broadcast_in_dim3A_137 = arith.constant 1.000000e+00 : f32
    %broadcast_in_dim3A_138 = vector.broadcast %broadcast_in_dim3A_137 : f32 to vector<16xf32>
    %mul3A_139 = vector.broadcast %reduce_sum3A_133 : f32 to vector<16xf32>
    %mul3A_140 = arith.mulf %broadcast_in_dim3A_138, %mul3A_139 : vector<16xf32>
    %select_n3A_141 = arith.select %eq3A_136, %mul3A_140, %broadcast_in_dim3A_8 : vector<16xi1>, vector<16xf32>
    %add3A_142 = arith.addf %add3A_129, %select_n3A_141 : vector<16xf32>
    %reduce_sum3A_143 = arith.constant true
    %reduce_sum3A_144 = vector.broadcast %reduce_sum3A_143 : i1 to vector<16xi1>
    %reduce_sum3A_145 = tpu.scan <sum>, %scan3A_14#10 masked %reduce_sum3A_144 : vector<16xf32>, vector<16xi1> -> vector<16xf32>
    %reduce_sum3A_146 = vector.extract %reduce_sum3A_145[15] : f32 from vector<16xf32>
    %eq3A_147 = arith.constant 10 : i32
    %eq3A_148 = vector.broadcast %eq3A_147 : i32 to vector<16xi32>
    %eq3A_149 = arith.cmpi eq, %iota3A, %eq3A_148 : vector<16xi32>
    %broadcast_in_dim3A_150 = arith.constant 1.000000e+00 : f32
    %broadcast_in_dim3A_151 = vector.broadcast %broadcast_in_dim3A_150 : f32 to vector<16xf32>
    %mul3A_152 = vector.broadcast %reduce_sum3A_146 : f32 to vector<16xf32>
    %mul3A_153 = arith.mulf %broadcast_in_dim3A_151, %mul3A_152 : vector<16xf32>
    %select_n3A_154 = arith.select %eq3A_149, %mul3A_153, %broadcast_in_dim3A_8 : vector<16xi1>, vector<16xf32>
    %add3A_155 = arith.addf %add3A_142, %select_n3A_154 : vector<16xf32>
    %reduce_sum3A_156 = arith.constant true
    %reduce_sum3A_157 = vector.broadcast %reduce_sum3A_156 : i1 to vector<16xi1>
    %reduce_sum3A_158 = tpu.scan <sum>, %scan3A_14#11 masked %reduce_sum3A_157 : vector<16xf32>, vector<16xi1> -> vector<16xf32>
    %reduce_sum3A_159 = vector.extract %reduce_sum3A_158[15] : f32 from vector<16xf32>
    %eq3A_160 = arith.constant 11 : i32
    %eq3A_161 = vector.broadcast %eq3A_160 : i32 to vector<16xi32>
    %eq3A_162 = arith.cmpi eq, %iota3A, %eq3A_161 : vector<16xi32>
    %broadcast_in_dim3A_163 = arith.constant 1.000000e+00 : f32
    %broadcast_in_dim3A_164 = vector.broadcast %broadcast_in_dim3A_163 : f32 to vector<16xf32>
    %mul3A_165 = vector.broadcast %reduce_sum3A_159 : f32 to vector<16xf32>
    %mul3A_166 = arith.mulf %broadcast_in_dim3A_164, %mul3A_165 : vector<16xf32>
    %select_n3A_167 = arith.select %eq3A_162, %mul3A_166, %broadcast_in_dim3A_8 : vector<16xi1>, vector<16xf32>
    %add3A_168 = arith.addf %add3A_155, %select_n3A_167 : vector<16xf32>
    %reduce_sum3A_169 = arith.constant true
    %reduce_sum3A_170 = vector.broadcast %reduce_sum3A_169 : i1 to vector<16xi1>
    %reduce_sum3A_171 = tpu.scan <sum>, %scan3A_14#12 masked %reduce_sum3A_170 : vector<16xf32>, vector<16xi1> -> vector<16xf32>
    %reduce_sum3A_172 = vector.extract %reduce_sum3A_171[15] : f32 from vector<16xf32>
    %eq3A_173 = arith.constant 12 : i32
    %eq3A_174 = vector.broadcast %eq3A_173 : i32 to vector<16xi32>
    %eq3A_175 = arith.cmpi eq, %iota3A, %eq3A_174 : vector<16xi32>
    %broadcast_in_dim3A_176 = arith.constant 1.000000e+00 : f32
    %broadcast_in_dim3A_177 = vector.broadcast %broadcast_in_dim3A_176 : f32 to vector<16xf32>
    %mul3A_178 = vector.broadcast %reduce_sum3A_172 : f32 to vector<16xf32>
    %mul3A_179 = arith.mulf %broadcast_in_dim3A_177, %mul3A_178 : vector<16xf32>
    %select_n3A_180 = arith.select %eq3A_175, %mul3A_179, %broadcast_in_dim3A_8 : vector<16xi1>, vector<16xf32>
    %add3A_181 = arith.addf %add3A_168, %select_n3A_180 : vector<16xf32>
    %reduce_sum3A_182 = arith.constant true
    %reduce_sum3A_183 = vector.broadcast %reduce_sum3A_182 : i1 to vector<16xi1>
    %reduce_sum3A_184 = tpu.scan <sum>, %scan3A_14#13 masked %reduce_sum3A_183 : vector<16xf32>, vector<16xi1> -> vector<16xf32>
    %reduce_sum3A_185 = vector.extract %reduce_sum3A_184[15] : f32 from vector<16xf32>
    %eq3A_186 = arith.constant 13 : i32
    %eq3A_187 = vector.broadcast %eq3A_186 : i32 to vector<16xi32>
    %eq3A_188 = arith.cmpi eq, %iota3A, %eq3A_187 : vector<16xi32>
    %broadcast_in_dim3A_189 = arith.constant 1.000000e+00 : f32
    %broadcast_in_dim3A_190 = vector.broadcast %broadcast_in_dim3A_189 : f32 to vector<16xf32>
    %mul3A_191 = vector.broadcast %reduce_sum3A_185 : f32 to vector<16xf32>
    %mul3A_192 = arith.mulf %broadcast_in_dim3A_190, %mul3A_191 : vector<16xf32>
    %select_n3A_193 = arith.select %eq3A_188, %mul3A_192, %broadcast_in_dim3A_8 : vector<16xi1>, vector<16xf32>
    %add3A_194 = arith.addf %add3A_181, %select_n3A_193 : vector<16xf32>
    %reduce_sum3A_195 = arith.constant true
    %reduce_sum3A_196 = vector.broadcast %reduce_sum3A_195 : i1 to vector<16xi1>
    %reduce_sum3A_197 = tpu.scan <sum>, %scan3A_14#14 masked %reduce_sum3A_196 : vector<16xf32>, vector<16xi1> -> vector<16xf32>
    %reduce_sum3A_198 = vector.extract %reduce_sum3A_197[15] : f32 from vector<16xf32>
    %eq3A_199 = arith.constant 14 : i32
    %eq3A_200 = vector.broadcast %eq3A_199 : i32 to vector<16xi32>
    %eq3A_201 = arith.cmpi eq, %iota3A, %eq3A_200 : vector<16xi32>
    %broadcast_in_dim3A_202 = arith.constant 1.000000e+00 : f32
    %broadcast_in_dim3A_203 = vector.broadcast %broadcast_in_dim3A_202 : f32 to vector<16xf32>
    %mul3A_204 = vector.broadcast %reduce_sum3A_198 : f32 to vector<16xf32>
    %mul3A_205 = arith.mulf %broadcast_in_dim3A_203, %mul3A_204 : vector<16xf32>
    %select_n3A_206 = arith.select %eq3A_201, %mul3A_205, %broadcast_in_dim3A_8 : vector<16xi1>, vector<16xf32>
    %add3A_207 = arith.addf %add3A_194, %select_n3A_206 : vector<16xf32>
    %reduce_sum3A_208 = arith.constant true
    %reduce_sum3A_209 = vector.broadcast %reduce_sum3A_208 : i1 to vector<16xi1>
    %reduce_sum3A_210 = tpu.scan <sum>, %scan3A_14#15 masked %reduce_sum3A_209 : vector<16xf32>, vector<16xi1> -> vector<16xf32>
    %reduce_sum3A_211 = vector.extract %reduce_sum3A_210[15] : f32 from vector<16xf32>
    %eq3A_212 = arith.constant 15 : i32
    %eq3A_213 = vector.broadcast %eq3A_212 : i32 to vector<16xi32>
    %eq3A_214 = arith.cmpi eq, %iota3A, %eq3A_213 : vector<16xi32>
    %broadcast_in_dim3A_215 = arith.constant 1.000000e+00 : f32
    %broadcast_in_dim3A_216 = vector.broadcast %broadcast_in_dim3A_215 : f32 to vector<16xf32>
    %mul3A_217 = vector.broadcast %reduce_sum3A_211 : f32 to vector<16xf32>
    %mul3A_218 = arith.mulf %broadcast_in_dim3A_216, %mul3A_217 : vector<16xf32>
    %select_n3A_219 = arith.select %eq3A_214, %mul3A_218, %broadcast_in_dim3A_8 : vector<16xi1>, vector<16xf32>
    %add3A_220 = arith.addf %add3A_207, %select_n3A_219 : vector<16xf32>
    %swap3A = arith.constant 0 : index
    %swap3A_221 = tpu.vector_load %arg11[%swap3A] {strides = array<i32>} : memref<16xf32, #tpu.memory_space<vmem>>, vector<16xf32>,
    tpu.vector_store %arg11[%swap3A], %add3A_220 {strides = array<i32>} : memref<16xf32, #tpu.memory_space<vmem>>, vector<16xf32>,
    %mul3A_222 = arith.constant 2 : i32
    %mul3A_223 = arith.muli %add3A, %mul3A_222 : i32
    %mul3A_224 = arith.constant 384 : i32
    %mul3A_225 = arith.muli %mul3A_223, %mul3A_224 : i32
    "tpu.region"() ({
      %run_scoped3A = tpu.sem_alloc : memref<!tpu.dma_semaphore, #tpu.memory_space<semaphore_mem>>
      %dma_start3A = tpu.memref_slice %arg4[%mul3A_225] : memref<24576xi32, #tpu.memory_space<hbm>> -> memref<768xi32, #tpu.memory_space<hbm>>
      %dma_start3A_228 = tpu.memref_slice %arg4[%mul3A_225] : memref<24576xi32, #tpu.memory_space<hbm>> -> memref<768xi32, #tpu.memory_space<hbm>>
      tpu.enqueue_dma source(%arg9 : memref<768xi32, #tpu.memory_space<vmem>>) target(%dma_start3A_228 : memref<768xi32, #tpu.memory_space<hbm>>) target_semaphore(%run_scoped3A : memref<!tpu.dma_semaphore, #tpu.memory_space<semaphore_mem>>)
      %dma_wait3A = tpu.memref_slice %arg4[%mul3A_225] : memref<24576xi32, #tpu.memory_space<hbm>> -> memref<768xi32, #tpu.memory_space<hbm>>
      %dma_wait3A_229 = tpu.memref_slice %arg4[%mul3A_225] : memref<24576xi32, #tpu.memory_space<hbm>> -> memref<768xi32, #tpu.memory_space<hbm>>
      tpu.wait_dma2 semaphore(%run_scoped3A : memref<!tpu.dma_semaphore, #tpu.memory_space<semaphore_mem>>) src(%arg9 : memref<768xi32, #tpu.memory_space<vmem>>) dst(%dma_wait3A_229 : memref<768xi32, #tpu.memory_space<hbm>>)
      tpu.yield
    }) : () -> ()
    %mul3A_226 = arith.constant 384 : i32
    %mul3A_227 = arith.muli %add3A, %mul3A_226 : i32
    "tpu.region"() ({
      %run_scoped3A = tpu.sem_alloc : memref<!tpu.dma_semaphore, #tpu.memory_space<semaphore_mem>>
      %dma_start3A = arith.constant 0 : i32
      %dma_start3A_228 = tpu.memref_slice %arg5[%dma_start3A, %mul3A_227] : memref<2x12288xf32, #tpu.memory_space<hbm>> -> memref<2x384xf32, #tpu.memory_space<hbm>>
      %dma_start3A_229 = arith.constant 0 : i32
      %dma_start3A_230 = tpu.memref_slice %arg5[%dma_start3A_229, %mul3A_227] : memref<2x12288xf32, #tpu.memory_space<hbm>> -> memref<2x384xf32, #tpu.memory_space<hbm>>
      tpu.enqueue_dma source(%arg10 : memref<2x384xf32, #tpu.memory_space<vmem>>) target(%dma_start3A_230 : memref<2x384xf32, #tpu.memory_space<hbm>>) target_semaphore(%run_scoped3A : memref<!tpu.dma_semaphore, #tpu.memory_space<semaphore_mem>>)
      %dma_wait3A = arith.constant 0 : i32
      %dma_wait3A_231 = tpu.memref_slice %arg5[%dma_wait3A, %mul3A_227] : memref<2x12288xf32, #tpu.memory_space<hbm>> -> memref<2x384xf32, #tpu.memory_space<hbm>>
      %dma_wait3A_232 = arith.constant 0 : i32
      %dma_wait3A_233 = tpu.memref_slice %arg5[%dma_wait3A_232, %mul3A_227] : memref<2x12288xf32, #tpu.memory_space<hbm>> -> memref<2x384xf32, #tpu.memory_space<hbm>>
      tpu.wait_dma2 semaphore(%run_scoped3A : memref<!tpu.dma_semaphore, #tpu.memory_space<semaphore_mem>>) src(%arg10 : memref<2x384xf32, #tpu.memory_space<vmem>>) dst(%dma_wait3A_233 : memref<2x384xf32, #tpu.memory_space<hbm>>)
      tpu.yield
    }) : () -> ()
    "tpu.region"() ({
      %run_scoped3A = tpu.sem_alloc : memref<!tpu.dma_semaphore, #tpu.memory_space<semaphore_mem>>
      %dma_start3A = arith.constant 0 : i32
      %dma_start3A_228 = tpu.memref_slice %arg6[%add3A, %dma_start3A] : memref<32x16xf32, #tpu.memory_space<hbm>> -> memref<1x16xf32, #tpu.memory_space<hbm>>
      %dma_start3A_229 = tpu.memref_squeeze %dma_start3A_228 : memref<1x16xf32, #tpu.memory_space<hbm>> -> memref<16xf32, #tpu.memory_space<hbm>>
      %dma_start3A_230 = arith.constant 0 : i32
      %dma_start3A_231 = tpu.memref_slice %arg6[%add3A, %dma_start3A_230] : memref<32x16xf32, #tpu.memory_space<hbm>> -> memref<1x16xf32, #tpu.memory_space<hbm>>
      %dma_start3A_232 = tpu.memref_squeeze %dma_start3A_231 : memref<1x16xf32, #tpu.memory_space<hbm>> -> memref<16xf32, #tpu.memory_space<hbm>>
      tpu.enqueue_dma source(%arg11 : memref<16xf32, #tpu.memory_space<vmem>>) target(%dma_start3A_232 : memref<16xf32, #tpu.memory_space<hbm>>) target_semaphore(%run_scoped3A : memref<!tpu.dma_semaphore, #tpu.memory_space<semaphore_mem>>)
      %dma_wait3A = arith.constant 0 : i32
      %dma_wait3A_233 = tpu.memref_slice %arg6[%add3A, %dma_wait3A] : memref<32x16xf32, #tpu.memory_space<hbm>> -> memref<1x16xf32, #tpu.memory_space<hbm>>
      %dma_wait3A_234 = tpu.memref_squeeze %dma_wait3A_233 : memref<1x16xf32, #tpu.memory_space<hbm>> -> memref<16xf32, #tpu.memory_space<hbm>>
      %dma_wait3A_235 = arith.constant 0 : i32
      %dma_wait3A_236 = tpu.memref_slice %arg6[%add3A, %dma_wait3A_235] : memref<32x16xf32, #tpu.memory_space<hbm>> -> memref<1x16xf32, #tpu.memory_space<hbm>>
      %dma_wait3A_237 = tpu.memref_squeeze %dma_wait3A_236 : memref<1x16xf32, #tpu.memory_space<hbm>> -> memref<16xf32, #tpu.memory_space<hbm>>
      tpu.wait_dma2 semaphore(%run_scoped3A : memref<!tpu.dma_semaphore, #tpu.memory_space<semaphore_mem>>) src(%arg11 : memref<16xf32, #tpu.memory_space<vmem>>) dst(%dma_wait3A_237 : memref<16xf32, #tpu.memory_space<hbm>>)
      tpu.yield
    }) : () -> ()
    return
  }
}

module attributes {stable_mosaic.version = 14 : i64} {
  func.func @_loss_body(%arg0: memref<32x16xf32, #tpu.memory_space<vmem>>, %arg1: memref<32x16xf32, #tpu.memory_space<vmem>>, %arg2: memref<1x1xf32, #tpu.memory_space<vmem>>) attributes {dimension_semantics = [], scalar_prefetch = 0 : i64, scratch_operands = 0 : i64, tpu.core_type = #tpu.core_type<tc>} {
    %get3A = arith.constant 0 : index
    %get3A_0 = arith.constant 0 : index
    %get3A_1 = vector.load %arg0[%get3A, %get3A_0] : memref<32x16xf32, #tpu.memory_space<vmem>>, vector<32x16xf32>
    %reduce_sum3A = arith.constant dense<0.000000e+00> : vector<16xf32>
    %reduce_sum3A_2 = vector.multi_reduction <add>, %get3A_1, %reduce_sum3A [0] : vector<32x16xf32> to vector<16xf32>
    %broadcast_in_dim3A = vector.shape_cast %reduce_sum3A_2 : vector<16xf32> to vector<1x16xf32>
    %add3A = arith.constant 0.000000e+00 : f32
    %add3A_3 = vector.broadcast %add3A : f32 to vector<1x16xf32>
    %add3A_4 = arith.addf %add3A_3, %broadcast_in_dim3A : vector<1x16xf32>
    %get3A_5 = arith.constant 0 : index
    %get3A_6 = arith.constant 0 : index
    %get3A_7 = vector.load %arg1[%get3A_5, %get3A_6] : memref<32x16xf32, #tpu.memory_space<vmem>>, vector<32x16xf32>
    %reduce_sum3A_8 = arith.constant dense<0.000000e+00> : vector<16xf32>
    %reduce_sum3A_9 = vector.multi_reduction <add>, %get3A_7, %reduce_sum3A_8 [0] : vector<32x16xf32> to vector<16xf32>
    %broadcast_in_dim3A_10 = vector.shape_cast %reduce_sum3A_9 : vector<16xf32> to vector<1x16xf32>
    %add3A_11 = arith.addf %add3A_4, %broadcast_in_dim3A_10 : vector<1x16xf32>
    %slice3A = vector.extract_strided_slice %add3A_11 {offsets = [0, 0], sizes = [1, 8], strides = [1, 1]} : vector<1x16xf32> to vector<1x8xf32>
    %slice3A_12 = vector.extract_strided_slice %add3A_11 {offsets = [0, 8], sizes = [1, 8], strides = [1, 1]} : vector<1x16xf32> to vector<1x8xf32>
    %reduce_sum3A_13 = vector.shape_cast %slice3A : vector<1x8xf32> to vector<1x1x8xf32>
    %reduce_sum3A_14 = arith.constant dense<0.000000e+00> : vector<1xf32>
    %reduce_sum3A_15 = vector.multi_reduction <add>, %reduce_sum3A_13, %reduce_sum3A_14 [1, 2] : vector<1x1x8xf32> to vector<1xf32>
    %reduce_sum3A_16 = vector.shape_cast %reduce_sum3A_15 : vector<1xf32> to vector<1x1x1xf32>
    %reduce_sum3A_17 = vector.extract %reduce_sum3A_16[0, 0, 0] : f32 from vector<1x1x1xf32>
    %broadcast_in_dim3A_18 = vector.broadcast %reduce_sum3A_17 : f32 to vector<1x1xf32>
    %div3A = arith.constant 8.000000e+00 : f32
    %div3A_19 = vector.broadcast %div3A : f32 to vector<1x1xf32>
    %div3A_20 = arith.divf %broadcast_in_dim3A_18, %div3A_19 : vector<1x1xf32>
    %sub3A = vector.broadcast %div3A_20 : vector<1x1xf32> to vector<1x8xf32>
    %sub3A_21 = arith.subf %slice3A, %sub3A : vector<1x8xf32>
    %integer_pow3A = arith.mulf %sub3A_21, %sub3A_21 : vector<1x8xf32>
    %reduce_sum3A_22 = vector.shape_cast %integer_pow3A : vector<1x8xf32> to vector<1x1x8xf32>
    %reduce_sum3A_23 = arith.constant dense<0.000000e+00> : vector<1xf32>
    %reduce_sum3A_24 = vector.multi_reduction <add>, %reduce_sum3A_22, %reduce_sum3A_23 [1, 2] : vector<1x1x8xf32> to vector<1xf32>
    %reduce_sum3A_25 = vector.shape_cast %reduce_sum3A_24 : vector<1xf32> to vector<1x1x1xf32>
    %reduce_sum3A_26 = vector.extract %reduce_sum3A_25[0, 0, 0] : f32 from vector<1x1x1xf32>
    %broadcast_in_dim3A_27 = vector.broadcast %reduce_sum3A_26 : f32 to vector<1x1xf32>
    %div3A_28 = arith.constant 7.000000e+00 : f32
    %div3A_29 = vector.broadcast %div3A_28 : f32 to vector<1x1xf32>
    %div3A_30 = arith.divf %broadcast_in_dim3A_27, %div3A_29 : vector<1x1xf32>
    %mul3A = arith.mulf %div3A_20, %div3A_20 : vector<1x1xf32>
    %add3A_31 = arith.constant 1.000000e-10 : f32
    %add3A_32 = vector.broadcast %add3A_31 : f32 to vector<1x1xf32>
    %add3A_33 = arith.addf %mul3A, %add3A_32 : vector<1x1xf32>
    %div3A_34 = arith.divf %div3A_30, %add3A_33 : vector<1x1xf32>
    %reduce_sum3A_35 = vector.shape_cast %slice3A_12 : vector<1x8xf32> to vector<1x1x8xf32>
    %reduce_sum3A_36 = arith.constant dense<0.000000e+00> : vector<1xf32>
    %reduce_sum3A_37 = vector.multi_reduction <add>, %reduce_sum3A_35, %reduce_sum3A_36 [1, 2] : vector<1x1x8xf32> to vector<1xf32>
    %reduce_sum3A_38 = vector.shape_cast %reduce_sum3A_37 : vector<1xf32> to vector<1x1x1xf32>
    %reduce_sum3A_39 = vector.extract %reduce_sum3A_38[0, 0, 0] : f32 from vector<1x1x1xf32>
    %broadcast_in_dim3A_40 = vector.broadcast %reduce_sum3A_39 : f32 to vector<1x1xf32>
    %div3A_41 = arith.constant 8.000000e+00 : f32
    %div3A_42 = vector.broadcast %div3A_41 : f32 to vector<1x1xf32>
    %div3A_43 = arith.divf %broadcast_in_dim3A_40, %div3A_42 : vector<1x1xf32>
    %sub3A_44 = vector.broadcast %div3A_43 : vector<1x1xf32> to vector<1x8xf32>
    %sub3A_45 = arith.subf %slice3A_12, %sub3A_44 : vector<1x8xf32>
    %integer_pow3A_46 = arith.mulf %sub3A_45, %sub3A_45 : vector<1x8xf32>
    %reduce_sum3A_47 = vector.shape_cast %integer_pow3A_46 : vector<1x8xf32> to vector<1x1x8xf32>
    %reduce_sum3A_48 = arith.constant dense<0.000000e+00> : vector<1xf32>
    %reduce_sum3A_49 = vector.multi_reduction <add>, %reduce_sum3A_47, %reduce_sum3A_48 [1, 2] : vector<1x1x8xf32> to vector<1xf32>
    %reduce_sum3A_50 = vector.shape_cast %reduce_sum3A_49 : vector<1xf32> to vector<1x1x1xf32>
    %reduce_sum3A_51 = vector.extract %reduce_sum3A_50[0, 0, 0] : f32 from vector<1x1x1xf32>
    %broadcast_in_dim3A_52 = vector.broadcast %reduce_sum3A_51 : f32 to vector<1x1xf32>
    %div3A_53 = arith.constant 7.000000e+00 : f32
    %div3A_54 = vector.broadcast %div3A_53 : f32 to vector<1x1xf32>
    %div3A_55 = arith.divf %broadcast_in_dim3A_52, %div3A_54 : vector<1x1xf32>
    %mul3A_56 = arith.mulf %div3A_43, %div3A_43 : vector<1x1xf32>
    %add3A_57 = arith.constant 1.000000e-10 : f32
    %add3A_58 = vector.broadcast %add3A_57 : f32 to vector<1x1xf32>
    %add3A_59 = arith.addf %mul3A_56, %add3A_58 : vector<1x1xf32>
    %div3A_60 = arith.divf %div3A_55, %add3A_59 : vector<1x1xf32>
    %add3A_61 = arith.addf %div3A_34, %div3A_60 : vector<1x1xf32>
    %swap3A = arith.constant 0 : index
    %swap3A_62 = arith.constant 0 : index
    %swap3A_63 = vector.load %arg2[%swap3A, %swap3A_62] : memref<1x1xf32, #tpu.memory_space<vmem>>, vector<1x1xf32>
    tpu.vector_store %arg2[%swap3A, %swap3A_62], %add3A_61 {strides = array<i32>} : memref<1x1xf32, #tpu.memory_space<vmem>>, vector<1x1xf32>,
    return
  }
}

module attributes {stable_mosaic.version = 14 : i64} {
  func.func @_dense_body(%arg0: i32, %arg1: memref<16x1024xf32, #tpu.memory_space<vmem>>, %arg2: memref<2048x1024xf32, #tpu.memory_space<vmem>>, %arg3: memref<16x2048xf32, #tpu.memory_space<vmem>>) attributes {dimension_semantics = [#tpu.dimension_semantics<arbitrary>], iteration_bounds = array<i64: 6>, scalar_prefetch = 0 : i64, scratch_operands = 0 : i64, tpu.core_type = #tpu.core_type<tc>, window_params = [{pipeline_mode = #tpu.pipeline_mode<synchronous>, transform_indices = @transform_0, window_bounds = array<i64: 16, 1024>}, {transform_indices = @transform_1, window_bounds = array<i64: 2048, 1024>}, {transform_indices = @transform_2, window_bounds = array<i64: 16, 2048>}]} {
    %get3A = arith.constant 0 : index
    %get3A_0 = arith.constant 0 : index
    %get3A_1 = vector.load %arg1[%get3A, %get3A_0] : memref<16x1024xf32, #tpu.memory_space<vmem>>, vector<16x1024xf32>
    %get3A_2 = arith.constant 0 : index
    %get3A_3 = arith.constant 0 : index
    %get3A_4 = vector.load %arg2[%get3A_2, %get3A_3] : memref<2048x1024xf32, #tpu.memory_space<vmem>>, vector<2048x1024xf32>
    %dot_general3A = arith.constant dense<0.000000e+00> : vector<16x2048xf32>
    %dot_general3A_5 = tpu.matmul %get3A_1, %get3A_4, %dot_general3A {dimension_numbers = #tpu.dot_dimension_numbers<[1], [1], [0], [0], [0, 0, 1, 0], [], []>, transpose_lhs_hint = false} : vector<16x1024xf32>, vector<2048x1024xf32>, vector<16x2048xf32> -> vector<16x2048xf32>
    %slice3A = vector.extract_strided_slice %dot_general3A_5 {offsets = [0, 0], sizes = [8, 2048], strides = [1, 1]} : vector<16x2048xf32> to vector<8x2048xf32>
    %slice3A_6 = vector.extract_strided_slice %dot_general3A_5 {offsets = [8, 0], sizes = [8, 2048], strides = [1, 1]} : vector<16x2048xf32> to vector<8x2048xf32>
    %custom_jvp_call3A = arith.constant 0.000000e+00 : f32
    %max3A = vector.broadcast %custom_jvp_call3A : f32 to vector<8x2048xf32>
    %max3A_7 = arith.maximumf %slice3A_6, %max3A : vector<8x2048xf32>
    %sub3A = vector.broadcast %custom_jvp_call3A : f32 to vector<8x2048xf32>
    %sub3A_8 = arith.subf %slice3A_6, %sub3A : vector<8x2048xf32>
    %ne3A = arith.cmpf one, %sub3A_8, %sub3A_8 : vector<8x2048xf32>
    %add3A = vector.broadcast %custom_jvp_call3A : f32 to vector<8x2048xf32>
    %add3A_9 = arith.addf %slice3A_6, %add3A : vector<8x2048xf32>
    %abs3A = math.absf %sub3A_8 : vector<8x2048xf32>
    %neg3A = arith.constant 0.000000e+00 : f32
    %neg3A_10 = vector.broadcast %neg3A : f32 to vector<8x2048xf32>
    %neg3A_11 = arith.subf %neg3A_10, %abs3A : vector<8x2048xf32>
    %exp3A = math.exp %neg3A_11 : vector<8x2048xf32>
    %log1p3A = math.log1p %exp3A : vector<8x2048xf32>
    %add3A_12 = arith.addf %max3A_7, %log1p3A : vector<8x2048xf32>
    %select_n3A = arith.select %ne3A, %add3A_9, %add3A_12 : vector<8x2048xi1>, vector<8x2048xf32>
    %add3A_13 = arith.constant 0.00999999977 : f32
    %add3A_14 = vector.broadcast %add3A_13 : f32 to vector<8x2048xf32>
    %add3A_15 = arith.addf %select_n3A, %add3A_14 : vector<8x2048xf32>
    %concatenate3A = tpu.concatenate %slice3A, %add3A_15 in 0 : vector<8x2048xf32>, vector<8x2048xf32> -> vector<16x2048xf32>
    %swap3A = arith.constant 0 : index
    %swap3A_16 = arith.constant 0 : index
    %swap3A_17 = vector.load %arg3[%swap3A, %swap3A_16] : memref<16x2048xf32, #tpu.memory_space<vmem>>, vector<16x2048xf32>
    tpu.vector_store %arg3[%swap3A, %swap3A_16], %concatenate3A {strides = array<i32>} : memref<16x2048xf32, #tpu.memory_space<vmem>>, vector<16x2048xf32>,
    return
  }
  func.func @transform_0(%arg0: i32) -> (i32, i32) {
    %c0_i32 = arith.constant 0 : i32
    %c0_i32_0 = arith.constant 0 : i32
    %c0_i32_1 = arith.constant 0 : i32
    return %c0_i32, %c0_i32_0 : i32, i32
  }
  func.func @transform_1(%arg0: i32) -> (i32, i32) {
    %add3A = arith.constant 10 : i32
    %add3A_0 = arith.addi %add3A, %arg0 : i32
    %c0_i32 = arith.constant 0 : i32
    %c0_i32_1 = arith.constant 0 : i32
    return %add3A_0, %c0_i32 : i32, i32
  }
  func.func @transform_2(%arg0: i32) -> (i32, i32) {
    %c0_i32 = arith.constant 0 : i32
    %c0_i32_0 = arith.constant 0 : i32
    return %c0_i32, %arg0 : i32, i32
  }
}

module attributes {stable_mosaic.version = 14 : i64} {
  func.func @_dense_body(%arg0: i32, %arg1: memref<16x1024xf32, #tpu.memory_space<vmem>>, %arg2: memref<2048x1024xf32, #tpu.memory_space<vmem>>, %arg3: memref<16x2048xf32, #tpu.memory_space<vmem>>) attributes {dimension_semantics = [#tpu.dimension_semantics<arbitrary>], iteration_bounds = array<i64: 10>, scalar_prefetch = 0 : i64, scratch_operands = 0 : i64, tpu.core_type = #tpu.core_type<tc>, window_params = [{pipeline_mode = #tpu.pipeline_mode<synchronous>, transform_indices = @transform_0, window_bounds = array<i64: 16, 1024>}, {transform_indices = @transform_1, window_bounds = array<i64: 2048, 1024>}, {transform_indices = @transform_2, window_bounds = array<i64: 16, 2048>}]} {
    %get3A = arith.constant 0 : index
    %get3A_0 = arith.constant 0 : index
    %get3A_1 = vector.load %arg1[%get3A, %get3A_0] : memref<16x1024xf32, #tpu.memory_space<vmem>>, vector<16x1024xf32>
    %get3A_2 = arith.constant 0 : index
    %get3A_3 = arith.constant 0 : index
    %get3A_4 = vector.load %arg2[%get3A_2, %get3A_3] : memref<2048x1024xf32, #tpu.memory_space<vmem>>, vector<2048x1024xf32>
    %dot_general3A = arith.constant dense<0.000000e+00> : vector<16x2048xf32>
    %dot_general3A_5 = tpu.matmul %get3A_1, %get3A_4, %dot_general3A {dimension_numbers = #tpu.dot_dimension_numbers<[1], [1], [0], [0], [0, 0, 1, 0], [], []>, transpose_lhs_hint = false} : vector<16x1024xf32>, vector<2048x1024xf32>, vector<16x2048xf32> -> vector<16x2048xf32>
    %slice3A = vector.extract_strided_slice %dot_general3A_5 {offsets = [0, 0], sizes = [8, 2048], strides = [1, 1]} : vector<16x2048xf32> to vector<8x2048xf32>
    %slice3A_6 = vector.extract_strided_slice %dot_general3A_5 {offsets = [8, 0], sizes = [8, 2048], strides = [1, 1]} : vector<16x2048xf32> to vector<8x2048xf32>
    %custom_jvp_call3A = arith.constant 0.000000e+00 : f32
    %max3A = vector.broadcast %custom_jvp_call3A : f32 to vector<8x2048xf32>
    %max3A_7 = arith.maximumf %slice3A_6, %max3A : vector<8x2048xf32>
    %sub3A = vector.broadcast %custom_jvp_call3A : f32 to vector<8x2048xf32>
    %sub3A_8 = arith.subf %slice3A_6, %sub3A : vector<8x2048xf32>
    %ne3A = arith.cmpf one, %sub3A_8, %sub3A_8 : vector<8x2048xf32>
    %add3A = vector.broadcast %custom_jvp_call3A : f32 to vector<8x2048xf32>
    %add3A_9 = arith.addf %slice3A_6, %add3A : vector<8x2048xf32>
    %abs3A = math.absf %sub3A_8 : vector<8x2048xf32>
    %neg3A = arith.constant 0.000000e+00 : f32
    %neg3A_10 = vector.broadcast %neg3A : f32 to vector<8x2048xf32>
    %neg3A_11 = arith.subf %neg3A_10, %abs3A : vector<8x2048xf32>
    %exp3A = math.exp %neg3A_11 : vector<8x2048xf32>
    %log1p3A = math.log1p %exp3A : vector<8x2048xf32>
    %add3A_12 = arith.addf %max3A_7, %log1p3A : vector<8x2048xf32>
    %select_n3A = arith.select %ne3A, %add3A_9, %add3A_12 : vector<8x2048xi1>, vector<8x2048xf32>
    %add3A_13 = arith.constant 0.00999999977 : f32
    %add3A_14 = vector.broadcast %add3A_13 : f32 to vector<8x2048xf32>
    %add3A_15 = arith.addf %select_n3A, %add3A_14 : vector<8x2048xf32>
    %concatenate3A = tpu.concatenate %slice3A, %add3A_15 in 0 : vector<8x2048xf32>, vector<8x2048xf32> -> vector<16x2048xf32>
    %swap3A = arith.constant 0 : index
    %swap3A_16 = arith.constant 0 : index
    %swap3A_17 = vector.load %arg3[%swap3A, %swap3A_16] : memref<16x2048xf32, #tpu.memory_space<vmem>>, vector<16x2048xf32>
    tpu.vector_store %arg3[%swap3A, %swap3A_16], %concatenate3A {strides = array<i32>} : memref<16x2048xf32, #tpu.memory_space<vmem>>, vector<16x2048xf32>,
    return
  }
  func.func @transform_0(%arg0: i32) -> (i32, i32) {
    %c0_i32 = arith.constant 0 : i32
    %c0_i32_0 = arith.constant 0 : i32
    %c0_i32_1 = arith.constant 0 : i32
    return %c0_i32, %c0_i32_0 : i32, i32
  }
  func.func @transform_1(%arg0: i32) -> (i32, i32) {
    %add3A = arith.constant 0 : i32
    %add3A_0 = arith.addi %add3A, %arg0 : i32
    %c0_i32 = arith.constant 0 : i32
    %c0_i32_1 = arith.constant 0 : i32
    return %add3A_0, %c0_i32 : i32, i32
  }
  func.func @transform_2(%arg0: i32) -> (i32, i32) {
    %c0_i32 = arith.constant 0 : i32
    %c0_i32_0 = arith.constant 0 : i32
    return %c0_i32, %arg0 : i32, i32
  }
}

</mosaic_0001>

<sc_bundles>
// kernel: kernel.10.cloned.1.call-start
scs
__scs_entry_jumppad:
0x0: {  	(pc) =	sbr.rel $0x88, $3  }
0x1: {  	(tag) =	ssettag $0x0;
	lr =	simm.s32 $0x1  }
0x2: {  	[smem:$0x3F9D] =	sst lr;
	_ =	strace $0xD0000000  }
0x3: {  	_ = 	snop  }
0x4: {  	_ = 	snop  }
0x5: {  	_ = 	snop  }
0x6: {  	_ = 	snop  }
0x7: {  	_ = 	snop  }
__scs_overlays_trampoline_lowered:
0x8: {  	[smem:$0x3FAC] =	sst s0  }
0x9: {  	[smem:$0x3FAD] =	sst s1  }
0xa: {  	[smem:$0x3FAE] =	sst s2  }
0xb: {  	[smem:$0x3FAF] =	sst s3  }
0xc: {  	[smem:$0x3FB0] =	sst s4  }
0xd: {  	[smem:$0x3FB1] =	sst s5  }
0xe: {  	[smem:$0x3FB2] =	sst s6  }
0xf: {  	[smem:$0x3FB3] =	sst s7  }
0x10: {  	[smem:$0x3FB4] =	sst s8  }
0x11: {  	[smem:$0x3FB5] =	sst s9;
	s0 =	simm.s32 @!p0 $0x0  }
0x12: {  	s1 =	sld [smem:$0x3F9B];
	s0 =	simm.s32 @p0 $0x1  }
0x13: {  	[smem:$0x3FB6] =	sst s0;
	s0 =	simm.s32 @!p1 $0x0  }
0x14: {  	s2 =	sld [smem:$0x3F9A];
	s0 =	simm.s32 @p1 $0x1  }
0x15: {  	[smem:$0x3FB7] =	sst s0;
	s0 =	simm.s32 @!p2 $0x0  }
0x16: {  	s3 =	sld [smem:$0x3FDB];
	s0 =	simm.s32 @p2 $0x1  }
0x17: {  	s4 =	simm.s32 $0x1BF5;
	[smem:$0x3FB9] =	sst s0  }
0x18: {  	s0 =	sld [smem:$0x3F9C];
	_ =	swait.ge [sflag:s4], $0x0  }
0x19: {  	s7 =	sld [smem:$0x3F9D]  }
0x1a: {  	s8 =	sadd.s32 $0xFFFFE003, lr  }
0x1b: {  	s9 =	sadd.s32 $0xFFFFFEF7, lr;
	s5 =	simm.s32 $0xFFFFFFFF;
	p2 =	slt.u32 s8, $0xFFFFF086  }
0x1c: {  	p1 =	slt.u32 s9, $0xF7A;
	s5 =	simm.s32 @!p2 $0x0  }
0x1d: {  	s5 =	simm.s32 @p1 $0x1;
	p0 =	seq.s32 s7, s2  }
0x1e: {  	s7 =	smul.u32 @!p0 $0xF7A, s2;
	p2 =	seq.s32 @!p0 s5, $0x0  }
0x1f: {  	s9 =	smul.u32 $0xF7A, s1;
	s8 =	simm.s32 @!p0 $0x1BF5;
	p2 =	por !p2, p0  }
0x20: {  	[sflag:s8] =	ssyncset.s32 @!p0 $0xFFFFF086;
	s6 =	sadd.s32 @!p0 s3, s7;
	s7 =	simm.s32 @!p0 $0x108  }
0x21: {  	s3 =	sadd.s32 s3, s9;
	s6 =	sadd.s32 @!p0 $0x88, s6;
	s7 =	simm.s32 @p2 $0x1082  }
0x22: {  	[simem:s7], [sflag:s8] =	dma.local @!p0 [hbm:s6], $0xF7A  }
0x23: {  	s9 =	sor.u32 $0xD0000000, s2;
	s6 =	simm.s32 $0x108;
	_ =	swait.ge @!p0 [sflag:s8], $0x0  }
0x24: {  	s3 =	sadd.s32 $0x88, s3;
	s6 =	simm.s32 @!p1 $0x1082;
	[sflag:s4] =	ssyncset.s32 $0xFFFFF086  }
0x25: {  	[simem:s6], [sflag:s4] =	dma.local [hbm:s3], $0xF7A  }
0x26: {  	[smem:$0x3F9D] =	sst s1;
	(tag) =	ssettag s2;
	_ =	strace s9  }
0x27: {  	s1 =	sld [smem:$0x3FAD]  }
0x28: {  	s2 =	sld [smem:$0x3FAE]  }
0x29: {  	s4 =	sld [smem:$0x3FB0]  }
0x2a: {  	p0 =	seq.s32 s5, $0x0;
	s5 =	sld [smem:$0x3FB1]  }
0x2b: {  	s6 =	sld [smem:$0x3FB2]  }
0x2c: {  	s7 =	sld [smem:$0x3FB3]  }
0x2d: {  	s3 =	simm.s32 $0x108;
	s8 =	sld [smem:$0x3FB4]  }
0x2e: {  	s3 =	simm.s32 @!p0 $0x1082;
	s9 =	sld [smem:$0x3FB5]  }
0x2f: {  	lr =	sadd.s32 s0, s3;
	s0 =	sld [smem:$0x3FAC]  }
0x30: {  	s3 =	sld [smem:$0x3FAF]  }
0x31: {  	[smem:$0x3FB8] =	sst s10  }
0x32: {  	s10 =	sld [smem:$0x3FB6];
	_ =	sdelay $0x3  }
0x33: {  	p0 =	seq.s32 s10, $0x1;
	s10 =	sld [smem:$0x3FB8];
	_ =	sdelay $0x3  }
0x34: {  	[smem:$0x3FB8] =	sst s10  }
0x35: {  	s10 =	sld [smem:$0x3FB7];
	_ =	sdelay $0x3  }
0x36: {  	p1 =	seq.s32 s10, $0x1;
	s10 =	sld [smem:$0x3FB8];
	_ =	sdelay $0x3  }
0x37: {  	[smem:$0x3FB8] =	sst s10  }
0x38: {  	s10 =	sld [smem:$0x3FB9]  }
0x39: {  	_ = 	snop;
	(pc) =	sbr.ind lr, $3  }
0x3a: {  	_ = 	snop  }
0x3b: {  	_ = 	snop  }
0x3c: {  	p2 =	seq.s32 s10, $0x1;
	s10 =	sld [smem:$0x3FB8]  }
0x3d: {  	_ =	shalt  }
0x3e: {  	_ =	shalt  }
0x3f: {  	_ =	shalt  }
0x40: {  	_ =	shalt  }
0x41: {  	_ =	shalt  }
0x42: {  	_ =	shalt  }
0x43: {  	_ =	shalt  }
0x44: {  	_ =	shalt  }
0x45: {  	_ =	shalt  }
0x46: {  	_ =	shalt  }
0x47: {  	_ =	shalt  }
0x48: {  	_ =	shalt  }
0x49: {  	_ =	shalt  }
0x4a: {  	_ =	shalt  }
0x4b: {  	_ =	shalt  }
0x4c: {  	_ =	shalt  }
0x4d: {  	_ =	shalt  }
0x4e: {  	_ =	shalt  }
0x4f: {  	_ =	shalt  }
0x50: {  	_ =	shalt  }
0x51: {  	_ =	shalt  }
0x52: {  	_ =	shalt  }
0x53: {  	_ =	shalt  }
0x54: {  	_ =	shalt  }
0x55: {  	_ =	shalt  }
0x56: {  	_ =	shalt  }
0x57: {  	_ =	shalt  }
0x58: {  	_ =	shalt  }
0x59: {  	_ =	shalt  }
0x5a: {  	_ =	shalt  }
0x5b: {  	_ =	shalt  }
0x5c: {  	_ =	shalt  }
0x5d: {  	_ =	shalt  }
0x5e: {  	_ =	shalt  }
0x5f: {  	_ =	shalt  }
0x60: {  	_ =	shalt  }
0x61: {  	_ =	shalt  }
0x62: {  	_ =	shalt  }
0x63: {  	_ =	shalt  }
0x64: {  	_ =	shalt  }
0x65: {  	_ =	shalt  }
0x66: {  	_ =	shalt  }
0x67: {  	_ =	shalt  }
0x68: {  	_ =	shalt  }
0x69: {  	_ =	shalt  }
0x6a: {  	_ =	shalt  }
0x6b: {  	_ =	shalt  }
0x6c: {  	_ =	shalt  }
0x6d: {  	_ =	shalt  }
0x6e: {  	_ =	shalt  }
0x6f: {  	_ =	shalt  }
0x70: {  	_ =	shalt  }
0x71: {  	_ =	shalt  }
0x72: {  	_ =	shalt  }
0x73: {  	_ =	shalt  }
0x74: {  	_ =	shalt  }
0x75: {  	_ =	shalt  }
0x76: {  	_ =	shalt  }
0x77: {  	_ =	shalt  }
0x78: {  	_ =	shalt  }
0x79: {  	_ =	shalt  }
0x7a: {  	_ =	shalt  }
0x7b: {  	_ =	shalt  }
0x7c: {  	_ =	shalt  }
0x7d: {  	_ =	shalt  }
0x7e: {  	_ =	shalt  }
0x7f: {  	_ =	shalt  }
0x80: {  	_ =	shalt  }
0x81: {  	_ =	shalt  }
0x82: {  	_ =	shalt  }
0x83: {  	_ =	shalt  }
0x84: {  	_ =	shalt  }
0x85: {  	_ =	shalt  }
0x86: {  	_ =	shalt  }
0x87: {  	_ =	shalt  }
.Lfunc_end0:
.L_simem_size_0:
called_computation.1_lowered:
.L_overlay_start_0:
0x88: {  	s2 =	sld [smem:$0x3FD9]  }
0x89: {  	s3 =	sld [smem:$0x3FFE];
	_ =	sdelay $0x1  }
0x8a: {  	s1 =	srdreg.scid  }
0x8b: {  	s0 =	sand.u32 $0x1, s1  }
0x8c: {  	s17 =	sshll.u32 s0, $0xA;
	s2 =	sadd.s32 s3, s2  }
0x8d: {  	s2 =	sadd.s32 s2, s17  }
0x8e: {  	[smem:$0x3FC4] =	sst s2  }
0x8f: {  	_ = 	snop  }
0x90: {  	s18 =	sld [smem:$0x3FC6];
	(tm) =	ssettm $0x1  }
0x91: {  	s19 =	sld [smem:$0x3FFB];
	_ =	sdelay $0x3  }
0x92: {  	_ =	strace s19  }
0x93: {  	s2 =	sld [smem:$0x3FFC];
	_ =	sdelay $0x3  }
0x94: {  	_ =	strace s2  }
0x95: {  	s2 =	sld [smem:$0x3FFD];
	_ =	sdelay $0x3  }
0x96: {  	_ =	strace s2  }
0x97: {  	_ =	strace $0x8FFFFFFF  }
0x98: {  	s20 =	sld [smem:$0x3FDB];
	_ =	sdelay $0x1  }
0x99: {  	s4 =	simm.s32 $_scs_section_size  }
0x9a: {  	s5 =	simm.s32 $_size__tile_overlayer_lowered;
	s6 =	simm.s32 $_tile_overlayer_lowered  }
0x9b: {  	s7 =	simm.s32 $0x1BFF;
	s21 =	sshll.u32 s6, $0x1;
	s4 =	sadd.s32 s4, s20  }
0x9c: {  	s22 =	simm.s32 $0x0;
	s5 =	sshll.u32 s5, $0x1;
	s6 =	sadd.s32 s21, s4  }
0x9d: {  	[timem:s22], [sflag:s7] =	dma.local [hbm:s6], s5  }
0x9e: {  	_ =	swait.ge [sflag:s7], s5  }
0x9f: {  	s5 =	ssub.s32 $0x0, s5;
	[sflag:s7] =	ssyncset.done $0x0  }
0xa0: {  	[sflag:s7] =	ssyncadd.s32 s5;
	_ =	sdelay $0x1  }
0xa1: {  	s23 =	simm.s32 $0x1B8B  }
0xa2: {  	_ =	swait.ge [sflag:s23], $0x1  }
0xa3: {  	[sflag:s23] =	ssyncset.done $0x0  }
0xa4: {  	[sflag:s23] =	ssyncadd.s32 $0xFFFFFFFF  }
0xa5: {  	s5 =	sld [smem:$0x0]  }
0xa6: {  	s6 =	sand.u32 $0xFFFFFFFE, s1  }
0xa7: {  	p0 =	sne.s32 s1, s6  }
0xa8: {  	s6 =	sshll.u32 @p0 s6, $0xE  }
0xa9: {  	s6 =	sadd.s32 @p0 $0x11B8D, s6;
	s7 =	sshll.u32 @p0 s5, $0x11  }
0xaa: {  	s6 =	sor.u32 @p0 s7, s6  }
0xab: {  	[sflag:s6] =	ssyncadd.remote.s32 @p0 $0x1;
	_ =	sdelay $0x1  }
0xac: {  	s6 =	simm.s32 @p0 $0x1B8D  }
0xad: {  	_ =	swait.eq @p0 [sflag:s6], $0x1  }
0xae: {  	[sflag:s6] =	ssyncadd.s32 @p0 $0xFFFFFFFF  }
0xaf: {  	s7 =	sshll.u32 @!p0 s1, $0xE  }
0xb0: {  	s7 =	sor.u32 @!p0 $0x4000, s7;
	s6 =	simm.s32 @!p0 $0x1B8D  }
0xb1: {  	s5 =	sshll.u32 @!p0 s5, $0x11;
	s7 =	sadd.s32 @!p0 $0x11B8D, s7;
	_ =	swait.eq @!p0 [sflag:s6], $0x1  }
0xb2: {  	s5 =	sor.u32 @!p0 s5, s7;
	[sflag:s6] =	ssyncadd.s32 @!p0 $0xFFFFFFFF  }
0xb3: {  	s25 =	simm.s32 $0x1B8E;
	s24 =	sld [smem:$0x3FFE];
	[sflag:s5] =	ssyncadd.remote.s32 @!p0 $0x1  }
0xb4: {  	s26 =	simm.s32 $execute0_lowered;
	[smem:$0x3FD2] =	sst s25  }
0xb5: {  	s6 =	sshll.u32 s26, $0x1;
	_ =	strace $0x80000049;
	[dreg:$0x1] =	wrdreg $0xFFFFFFFF  }
0xb6: {  	s28 =	simm.s32 $_size_execute0_lowered;
	s4 =	sadd.s32 s4, s6;
	[dreg:$0x0] =	wrdreg $0x0  }
0xb7: {  	s6 =	sshll.u32 s28, $0x1;
	[dreg:$0x2] =	wrdreg s4  }
0xb8: {  	[dreg:$0x3] =	wrdreg s6  }
0xb9: {  	[dreg:$0x4] =	wrdreg $0xC0  }
0xba: {  	_ =	task [dreg:s22], $0x5FFFF  }
0xbb: {  	[dreg:$0x1] =	wrdreg $0xFFFFFFFF  }
0xbc: {  	[dreg:$0x0] =	wrdreg $0x60  }
0xbd: {  	[dreg:$0x2] =	wrdreg s24  }
0xbe: {  	[dreg:$0x3] =	wrdreg s18  }
0xbf: {  	[dreg:$0x4] =	wrdreg $0xA  }
0xc0: {  	_ =	task.clear_ibuf [dreg:s22], $0x5FFFF;
	_ =	strace $0x90000049  }
0xc1: {  	s29 =	simm.s32 $0xA;
	_ =	strace $0x8000004B  }
0xc2: {  	_ =	swait.ge [sflag:s29], $0x1  }
0xc3: {  	[sflag:s29] =	ssyncadd.s32 $0xFFFFFFFF  }
0xc4: {  	_ =	strace $0x9000004B  }
0xc5: {  	_ =	sfence  }
0xc6: {  	s30 =	sld [smem:$0x0];
	_ =	sdelay $0x2  }
0xc7: {  	s31 =	sshll.u32 s1, $0xD;
	s1 =	sshrl.u32 s1, $0x2  }
0xc8: {  	s4 =	sand.u32 $0x4000, s31;
	s1 =	sadd.s32 s1, s30  }
0xc9: {  	s0 =	sor.u32 s4, s0;
	s1 =	sshll.u32 s1, $0x11  }
0xca: {  	s0 =	sor.u32 s1, s0  }
0xcb: {  	s0 =	sadd.s32 $0x8F2B, s0  }
0xcc: {  	[sflag:s0] =	ssyncadd.remote.s32 $0x1  }
0xcd: {  	_ =	sfence.sel $0xFFFF  }
0xce: {  	[dreg:$0x0] =	wrdreg $0xFFFFFFFF;
	(pc) =	sbr.abs _section_cstart, $3  }
0xcf: {  	[dreg:$0x1] =	wrdreg $0xFFFFFFFF  }
0xd0: {  	_ =	task.clear_ibuf [dreg:s22], $0x2FFFF;
	_ =	strace $0x9FFFFFFF  }
0xd1: {  	(tm) =	ssettm $0x7FFFFFFF  }
tec
execute0_lowered:
.L_overlay_start_1:
0x0: {  	(tag) =	ssettag $0x1  }
0x1: {  	s0 =	srdreg.scid;
	s3 =	rddreg [dreg:$0x0]  }
0x2: {  	s5 =	rddreg [dreg:$0x1];
	s1 =	stileid.u32;
	s2 =	simm.s32 $0x0  }
0x3: {  	s12 =	simm.s32 $0x1800;
	s13 =	simm.s32 $0x2400;
	s14 =	simm.s32 $0x2700  }
0x4: {  	s15 =	simm.s32 $0x2A00;
	s4 =	sand.u32 $0x1, s0;
	s0 =	rddreg [dreg:$0x2]  }
0x5: {  	s16 =	simm.s32 $0x0;
	[smem:$0x7FF] =	sst s2;
	s6 =	sshll.u32 s4, $0x4  }
0x6: {  	s9 =	sshll.u32 s1, $0x4;
	_ =	strace $0x8000004A;
	s6 =	sor.u32 s1, s6  }
0x7: {  	s9 =	sand.u32 $0x70, s9;
	s28 =	ssub.s32 $0x2, s4;
	s7 =	smul.u32 $0x180, s6  }
0x8: {  	s9 =	sadd.s32 s9, s3;
	s4 =	sshrl.u32 s28, $0x1;
	s8 =	smul.u32 $0x60, s6  }
0x9: {  	s10 =	smul.u32 $0xC00, s6;
	s6 =	sshll.u32 s6, $0x4;
	s11 =	ssub.s32 s28, s4  }
0xa: {  	s30 =	sand.u32 $0x180, s6;
	s7 =	sadd.s32 s7, s3;
	s8 =	sadd.s32 s8, s3  }
0xb: {  	v0 =	vlaneseq.u32;
	s10 =	sshrl.u32 s10, $0x3;
	s31 =	sadd.s32 s30, s9;
	s9 =	simm.s32 $0xC00  }
0xc: {  	v0 =	vmul.u32 $0x2, v0;
	s29 =	sadd.s32 s5, s10;
	s3 =	sadd.s32 $0xCE00, s7;
	s5 =	sadd.s32 $0x13A00, s8  }
0xd: {  	s6 =	sadd.s32 $0x12E00, s8;
	s7 =	sadd.s32 $0x14600, s31;
	s8 =	smax.u32 s11, $0x1  }
0xe: {  	v1 =	vimm.s32 $0x8;
	v2 =	vor.u32 $0x1, v0;
	s10 =	simm.s32 $0x18000;
	s11 =	simm.s32 $0x1;
	s4 =	sadd.s32 $0x5000, s29  }
.LBB2_1:
0xf: {  	[tilespmem:s2], [sflag:$0x1] =	stream.strided.gather [hbm4b:s3+s9], $0x1800, s10, s9, $0x38;
	[tilespmem:$0x2A80] =	vst v63  }
0x10: {  	_ =	swait.ge [sflag:s11], $0x1800  }
0x11: {  	v3 =	vimm.f32 $0.0e+00;
	[sflag:s11] =	ssyncset.done $0x0  }
0x12: {  	v4 =	vimm.f32 $0.0e+00;
	v5 =	vimm.f32 $0.0e+00;
	v6 =	vimm.f32 $0.0e+00;
	[sflag:s11] =	ssyncadd.s32 $0xFFFFE800  }
0x13: {  	v7 =	vimm.f32 $0.0e+00;
	v8 =	vimm.f32 $0.0e+00;
	v9 =	vimm.f32 $0.0e+00;
	[tilespmem:s12], [sflag:$0x1] =	stream.linear.gather [hbm4b:s4+s2], $0xC00, $0x38;
	[tilespmem:$0x2A80] =	vst v63  }
0x14: {  	v10 =	vimm.f32 $0.0e+00;
	v11 =	vimm.f32 $0.0e+00;
	v12 =	vimm.f32 $0.0e+00;
	_ =	swait.ge [sflag:s11], $0xC00  }
0x15: {  	v13 =	vimm.f32 $0.0e+00;
	v14 =	vimm.f32 $0.0e+00;
	v15 =	vimm.f32 $0.0e+00;
	s17 =	simm.s32 $0x0;
	[sflag:s11] =	ssyncset.done $0x0  }
0x16: {  	s18 =	simm.s32 $0x0;
	s19 =	simm.s32 $0x0;
	v16 =	vimm.f32 $0.0e+00;
	v17 =	vimm.f32 $0.0e+00;
	v18 =	vimm.f32 $0.0e+00;
	[sflag:s11] =	ssyncadd.s32 $0xFFFFF400  }
.LBB2_2:
0x17: {  	s20 =	sand.u32 $0x70, s17;
	s21 =	sand.u32 $0x7FFFFC00, s19  }
0x18: {  	s22 =	sor.u32 s20, s21  }
0x19: {  	v41 =	vld [tilespmem:s22+$0x0]  }
0x1a: {  	v39 =	vld [tilespmem:s22+$0x80]  }
0x1b: {  	v36 =	vld [tilespmem:s22+$0x100]  }
0x1c: {  	v29 =	vld [tilespmem:s22+$0x200]  }
0x1d: {  	v25 =	vld [tilespmem:s22+$0x280]  }
0x1e: {  	v21 =	vld [tilespmem:s22+$0xC00]  }
0x1f: {  	v42 =	vld [tilespmem:s22+$0xC80]  }
0x20: {  	v38 =	vld [tilespmem:s22+$0xD00]  }
0x21: {  	v34 =	vld [tilespmem:s22+$0xD80]  }
0x22: {  	v31 =	vld [tilespmem:s22+$0xE00]  }
0x23: {  	v28 =	vld [tilespmem:s22+$0xE80]  }
0x24: {  	v24 =	vld [tilespmem:s22+$0xF00]  }
0x25: {  	v22 =	vld [tilespmem:s22+$0xF80]  }
0x26: {  	v19 =	vld [tilespmem:s22+$0x1800]  }
0x27: {  	s23 =	sand.u32 $0xFFFFFC00, s19;
	v20 =	vld [tilespmem:s22+$0x1880]  }
0x28: {  	s23 =	sadd.s32 s23, s17;
	v23 =	vld [tilespmem:s22+$0x1900]  }
0x29: {  	s24 =	sor.u32 $0x180, s23;
	v30 =	vld [tilespmem:s22+$0x1A00]  }
0x2a: {  	v27 =	vld [tilespmem:s24+$0x1800]  }
0x2b: {  	v33 =	vld [tilespmem:s22+$0x1A80]  }
0x2c: {  	v32 =	vld [tilespmem:s24+$0x0]  }
0x2d: {  	s23 =	sor.u32 $0x380, s23;
	v35 =	vld [tilespmem:s22+$0x1B00];
	v19 =	vmul.f32 v19, v21;
	v20 =	vmul.f32 v20, v42  }
0x2e: {  	v44 =	vld [tilespmem:s23+$0x1800];
	v37 =	vmul.f32 v23, v38  }
0x2f: {  	v26 =	vld [tilespmem:s22+$0x300];
	v45 =	vadd.f32 v19, v41;
	v46 =	vadd.f32 v20, v39;
	v19 =	vmul.f32 v27, v34  }
0x30: {  	v23 =	vld [tilespmem:s23+$0x0];
	v43 =	vadd.f32 v37, v36;
	v20 =	vmul.f32 v30, v31  }
0x31: {  	v40 =	vadd.f32 v19, v32;
	v19 =	vmul.f32 v33, v28;
	v59 =	vmax.f32 v45, v46  }
0x32: {  	v37 =	vadd.f32 v20, v29;
	v20 =	vmul.f32 v35, v24;
	v27 =	vmax.f32 v59, v43  }
0x33: {  	v33 =	vadd.f32 v19, v25;
	v19 =	vmul.f32 v44, v22;
	v27 =	vmax.f32 v27, v40  }
0x34: {  	v30 =	vadd.f32 v20, v26;
	v20 =	vmax.f32 v27, v37  }
0x35: {  	v27 =	vadd.f32 v19, v23;
	v19 =	vmax.f32 v20, v33  }
0x36: {  	v19 =	vmax.f32 v19, v30  }
0x37: {  	v20 =	vmax.f32 v19, v27  }
0x38: {  	vm0 =	veq.f32 v27, v20  }
0x39: {  	vm8 =	veq.f32 v30, v20;
	v19 =	vsel vm0, $0x7, v1  }
0x3a: {  	vm9 =	veq.f32 v33, v20;
	v19 =	vsel vm8, $0x6, v19  }
0x3b: {  	vm10 =	veq.f32 v37, v20;
	v19 =	vsel vm9, $0x5, v19  }
0x3c: {  	vm11 =	veq.f32 v40, v20;
	v19 =	vsel vm10, $0x4, v19  }
0x3d: {  	vm12 =	veq.f32 v43, v20;
	v19 =	vsel vm11, $0x3, v19  }
0x3e: {  	vm13 =	veq.f32 v46, v20;
	v19 =	vsel vm12, $0x2, v19  }
0x3f: {  	vm10 =	vne.f32 v45, v20;
	v19 =	vsel vm13, $0x1, v19  }
0x40: {  	vm8 =	vmand vm10, vm13;
	v19 =	vnsel vm10, $0x0, v19  }
0x41: {  	v60 =	vnsel vm10, $0xFF800000, v45;
	v47 =	vsel vm8, $0xFF800000, v46;
	vm4 =	veq.s32 v19, $0x2  }
0x42: {  	v49 =	vmax.f32 v60, v47;
	vm2 =	veq.s32 v19, $0x3;
	v48 =	vsel vm4, $0xFF800000, v43  }
0x43: {  	vm1 =	veq.s32 v19, $0x4;
	v50 =	vsel vm2, $0xFF800000, v40;
	v61 =	vmax.f32 v49, v48  }
0x44: {  	vm0 =	veq.s32 v19, $0x5;
	v51 =	vsel vm1, $0xFF800000, v37;
	v35 =	vmax.f32 v61, v50  }
0x45: {  	vm15 =	veq.s32 v19, $0x6;
	v52 =	vsel vm0, $0xFF800000, v33;
	v35 =	vmax.f32 v35, v51  }
0x46: {  	vm3 =	veq.s32 v19, $0x7;
	v53 =	vsel vm15, $0xFF800000, v30;
	v35 =	vmax.f32 v35, v52  }
0x47: {  	v62 =	vsel vm3, $0xFF800000, v27;
	v35 =	vmax.f32 v35, v53  }
0x48: {  	v35 =	vmax.f32 v35, v62  }
0x49: {  	v20 =	vsub.f32 v35, v20  }
0x4a: {  	v54 =	vimm.s32 $0x0  }
0x4b: {  	v54 =	vsel vm3, $0xFFFFFFFF, v54;
	vm3 =	veq.f32 v62, v35;
	v20 =	vmul.f32 $1.442695020e+00, v20  }
0x4c: {  	vm14 =	veq.f32 v53, v35;
	v55 =	vsel vm3, $0x7, v1  }
0x4d: {  	vm6 =	veq.f32 v52, v35;
	v55 =	vsel vm14, $0x6, v55;
	(erf) = vpow2.f32 v20  }
0x4e: {  	vm7 =	veq.f32 v51, v35;
	v55 =	vsel vm6, $0x5, v55  }
0x4f: {  	vm9 =	veq.f32 v50, v35;
	vm11 =	veq.f32 v48, v35;
	v20 =	vsel vm7, $0x4, v55  }
0x50: {  	vm5 =	veq.f32 v47, v35;
	vm13 =	vne.f32 v60, v35;
	v20 =	vsel vm9, $0x3, v20  }
0x51: {  	vm12 =	vmand vm13, vm5;
	v20 =	vsel vm11, $0x2, v20  }
0x52: {  	v44 =	vsel vm12, v60, v49;
	v20 =	vsel vm5, $0x1, v20  }
0x53: {  	v44 =	vsel vm13, v44, v47;
	v20 =	vnsel vm13, $0x0, v20  }
0x54: {  	v47 =	vmax.f32 v44, v48;
	vm11 =	veq.s32 v20, $0x2  }
0x55: {  	v44 =	vsel vm11, v44, v47  }
0x56: {  	vm9 =	veq.s32 v20, $0x3;
	v44 =	vmax.f32 v44, v50;
	v63 =	vpop (erf)  }
0x57: {  	v47 =	vsel vm9, v47, v44;
	v48 =	vadd.f32 $1.000000000e+00, v63  }
0x58: {  	vm7 =	veq.s32 v20, $0x4;
	v47 =	vmax.f32 v47, v51  }
0x59: {  	v44 =	vsel vm7, v44, v47;
	(erf) = vrcp.f32 v48  }
0x5a: {  	vm6 =	veq.s32 v20, $0x5;
	v44 =	vmax.f32 v44, v52;
	(erf) = vrcp.f32 v21  }
0x5b: {  	v52 =	vsel vm6, v47, v44  }
0x5c: {  	vm5 =	veq.s32 v20, $0x6;
	v21 =	vmax.f32 v52, v53  }
0x5d: {  	v44 =	vsel vm5, v44, v21  }
0x5e: {  	vm3 =	veq.s32 v20, $0x7;
	v44 =	vmax.f32 v44, v62  }
0x5f: {  	v44 =	vsel vm3, v21, v44  }
0x60: {  	vm14 =	vgt.f32 v45, v44  }
0x61: {  	v45 =	vsel vm14, v44, v35  }
0x62: {  	v41 =	vsub.f32 v41, v45;
	v21 =	vpop (erf)  }
0x63: {  	[tilespmem:$0x1FFF0] =	vst v54;
	v54 =	vpop (erf)  }
0x64: {  	v41 =	vmul.f32 v41, v54;
	_ =	sdelay $0x1  }
0x65: {  	v41 =	vmul.f32 $7.071067690e-01, v41;
	_ =	sdelay $0x1  }
0x66: {  	v55 =	vand.u32 $0x7FFFFFFF, v41  }
0x67: {  	v56 =	vsub.f32 $0.0e+00, v55  }
0x68: {  	v57 =	vmul.f32 $4.704700110e-01, v55  }
0x69: {  	v45 =	vmul.f32 v56, v55  }
0x6a: {  	v58 =	vadd.f32 $1.000000000e+00, v57  }
0x6b: {  	v45 =	vmul.f32 $1.442695020e+00, v45  }
0x6c: {  	(erf) = vrcp.f32 v58  }
0x6d: {  	(erf) = vpow2.f32 v45  }
0x6e: {  	(erf) = vrcp.f32 v42;
	_ =	sdelay $0x5  }
0x6f: {  	vm14 =	vgt.f32 v46, v44  }
0x70: {  	v59 =	vsel vm14, v44, v35;
	v45 =	vpop (erf)  }
0x71: {  	v39 =	vsub.f32 v39, v59;
	v46 =	vpop (erf)  }
0x72: {  	v60 =	vpop (erf)  }
0x73: {  	v39 =	vmul.f32 v39, v60;
	_ =	sdelay $0x1  }
0x74: {  	v39 =	vmul.f32 $7.071067690e-01, v39;
	_ =	sdelay $0x1  }
0x75: {  	v61 =	vand.u32 $0x7FFFFFFF, v39  }
0x76: {  	v62 =	vsub.f32 $0.0e+00, v61  }
0x77: {  	v63 =	vmul.f32 $4.704700110e-01, v61  }
0x78: {  	v42 =	vmul.f32 v62, v61  }
0x79: {  	v52 =	vadd.f32 $1.000000000e+00, v63  }
0x7a: {  	v42 =	vmul.f32 $1.442695020e+00, v42  }
0x7b: {  	(erf) = vrcp.f32 v52  }
0x7c: {  	(erf) = vpow2.f32 v42  }
0x7d: {  	(erf) = vrcp.f32 v38;
	_ =	sdelay $0x5  }
0x7e: {  	vm14 =	vgt.f32 v43, v44  }
0x7f: {  	v53 =	vsel vm14, v44, v35;
	v42 =	vpop (erf)  }
0x80: {  	v36 =	vsub.f32 v36, v53;
	v43 =	vpop (erf)  }
0x81: {  	v54 =	vpop (erf)  }
0x82: {  	v36 =	vmul.f32 v36, v54;
	_ =	sdelay $0x1  }
0x83: {  	v36 =	vmul.f32 $7.071067690e-01, v36;
	_ =	sdelay $0x1  }
0x84: {  	v55 =	vand.u32 $0x7FFFFFFF, v36  }
0x85: {  	v56 =	vsub.f32 $0.0e+00, v55  }
0x86: {  	v57 =	vmul.f32 $4.704700110e-01, v55  }
0x87: {  	v38 =	vmul.f32 v56, v55  }
0x88: {  	v58 =	vadd.f32 $1.000000000e+00, v57  }
0x89: {  	v38 =	vmul.f32 $1.442695020e+00, v38  }
0x8a: {  	(erf) = vrcp.f32 v58  }
0x8b: {  	(erf) = vpow2.f32 v38  }
0x8c: {  	(erf) = vrcp.f32 v34;
	_ =	sdelay $0x5  }
0x8d: {  	vm14 =	vgt.f32 v40, v44  }
0x8e: {  	v59 =	vsel vm14, v44, v35;
	v38 =	vpop (erf)  }
0x8f: {  	v32 =	vsub.f32 v32, v59;
	v40 =	vpop (erf)  }
0x90: {  	v60 =	vpop (erf)  }
0x91: {  	v32 =	vmul.f32 v32, v60;
	_ =	sdelay $0x1  }
0x92: {  	v32 =	vmul.f32 $7.071067690e-01, v32;
	_ =	sdelay $0x1  }
0x93: {  	v61 =	vand.u32 $0x7FFFFFFF, v32  }
0x94: {  	v62 =	vsub.f32 $0.0e+00, v61  }
0x95: {  	v63 =	vmul.f32 $4.704700110e-01, v61  }
0x96: {  	v34 =	vmul.f32 v62, v61  }
0x97: {  	v52 =	vadd.f32 $1.000000000e+00, v63  }
0x98: {  	v34 =	vmul.f32 $1.442695020e+00, v34  }
0x99: {  	(erf) = vrcp.f32 v52  }
0x9a: {  	(erf) = vpow2.f32 v34  }
0x9b: {  	(erf) = vrcp.f32 v31;
	_ =	sdelay $0x5  }
0x9c: {  	vm14 =	vgt.f32 v37, v44  }
0x9d: {  	v53 =	vsel vm14, v44, v35;
	v34 =	vpop (erf)  }
0x9e: {  	v29 =	vsub.f32 v29, v53;
	v37 =	vpop (erf)  }
0x9f: {  	v54 =	vpop (erf)  }
0xa0: {  	v29 =	vmul.f32 v29, v54;
	_ =	sdelay $0x1  }
0xa1: {  	v29 =	vmul.f32 $7.071067690e-01, v29;
	_ =	sdelay $0x1  }
0xa2: {  	v55 =	vand.u32 $0x7FFFFFFF, v29  }
0xa3: {  	v56 =	vsub.f32 $0.0e+00, v55  }
0xa4: {  	v57 =	vmul.f32 $4.704700110e-01, v55  }
0xa5: {  	v31 =	vmul.f32 v56, v55  }
0xa6: {  	v58 =	vadd.f32 $1.000000000e+00, v57  }
0xa7: {  	v31 =	vmul.f32 $1.442695020e+00, v31  }
0xa8: {  	(erf) = vrcp.f32 v58  }
0xa9: {  	(erf) = vpow2.f32 v31  }
0xaa: {  	(erf) = vrcp.f32 v28;
	_ =	sdelay $0x5  }
0xab: {  	vm14 =	vgt.f32 v33, v44  }
0xac: {  	v59 =	vsel vm14, v44, v35;
	v31 =	vpop (erf)  }
0xad: {  	v25 =	vsub.f32 v25, v59;
	v33 =	vpop (erf)  }
0xae: {  	v60 =	vpop (erf)  }
0xaf: {  	v25 =	vmul.f32 v25, v60;
	_ =	sdelay $0x1  }
0xb0: {  	v25 =	vmul.f32 $7.071067690e-01, v25;
	_ =	sdelay $0x1  }
0xb1: {  	v61 =	vand.u32 $0x7FFFFFFF, v25  }
0xb2: {  	v62 =	vsub.f32 $0.0e+00, v61  }
0xb3: {  	v63 =	vmul.f32 $4.704700110e-01, v61  }
0xb4: {  	v28 =	vmul.f32 v62, v61  }
0xb5: {  	v49 =	vadd.f32 $1.000000000e+00, v63  }
0xb6: {  	v28 =	vmul.f32 $1.442695020e+00, v28  }
0xb7: {  	(erf) = vrcp.f32 v49  }
0xb8: {  	(erf) = vpow2.f32 v28  }
0xb9: {  	(erf) = vrcp.f32 v24;
	_ =	sdelay $0x5  }
0xba: {  	vm14 =	vgt.f32 v30, v44  }
0xbb: {  	v50 =	vsel vm14, v44, v35;
	v28 =	vpop (erf)  }
0xbc: {  	v24 =	vsub.f32 v26, v50;
	v30 =	vpop (erf)  }
0xbd: {  	v51 =	vpop (erf)  }
0xbe: {  	v24 =	vmul.f32 v24, v51;
	_ =	sdelay $0x1  }
0xbf: {  	v24 =	vmul.f32 $7.071067690e-01, v24;
	_ =	sdelay $0x1  }
0xc0: {  	v52 =	vand.u32 $0x7FFFFFFF, v24  }
0xc1: {  	v53 =	vsub.f32 $0.0e+00, v52  }
0xc2: {  	v54 =	vmul.f32 $4.704700110e-01, v52  }
0xc3: {  	v26 =	vmul.f32 v53, v52  }
0xc4: {  	v56 =	vmul.f32 $7.478556030e-01, v45;
	v55 =	vadd.f32 $1.000000000e+00, v54  }
0xc5: {  	v58 =	vmul.f32 $7.478556030e-01, v42;
	v26 =	vmul.f32 $1.442695020e+00, v26  }
0xc6: {  	v57 =	vadd.f32 $-9.587980060e-02, v56;
	(erf) = vrcp.f32 v55  }
0xc7: {  	(erf) = vpow2.f32 v26;
	v26 =	vadd.f32 $-9.587980060e-02, v58  }
0xc8: {  	(erf) = vrcp.f32 v22;
	v22 =	vmul.f32 v57, v45  }
0xc9: {  	vm14 =	vgt.f32 v27, v44;
	v26 =	vmul.f32 v26, v42  }
0xca: {  	v27 =	vsel vm14, v44, v35;
	v22 =	vadd.f32 $3.480241890e-01, v22  }
0xcb: {  	v23 =	vsub.f32 v23, v27;
	v59 =	vmul.f32 $7.478556030e-01, v38;
	v26 =	vadd.f32 $3.480241890e-01, v26  }
0xcc: {  	vm14 =	vge.f32 v41, $0.0e+00;
	v48 =	vmul.f32 $7.478556030e-01, v34;
	v22 =	vmul.f32 v22, v45  }
0xcd: {  	v51 =	vmul.f32 $7.478556030e-01, v31;
	v45 =	vadd.f32 $-9.587980060e-02, v59;
	v26 =	vmul.f32 v26, v42  }
0xce: {  	v55 =	vmul.f32 $7.478556030e-01, v28;
	v42 =	vsub.f32 $1.000000000e+00, v21;
	v22 =	vmul.f32 v22, v46  }
0xcf: {  	v35 =	vpop (erf);
	v61 =	vmul.f32 v45, v38;
	v46 =	vnsel vm4, $0x0, v21;
	v26 =	vmul.f32 v26, v43  }
0xd0: {  	v43 =	vsel vm10, $0x0, v21;
	v41 =	vsel vm13, $0x0, v42;
	v57 =	vmul.f32 $7.478556030e-01, v35;
	v44 =	vpop (erf)  }
0xd1: {  	vm10 =	vge.f32 v32, $0.0e+00;
	v22 =	vsub.f32 $1.000000000e+00, v22;
	v27 =	vadd.f32 $3.480241890e-01, v61;
	v60 =	vpop (erf)  }
0xd2: {  	v32 =	vnsel vm9, $0x0, v42;
	v26 =	vsub.f32 $1.000000000e+00, v26;
	v23 =	vmul.f32 v23, v60  }
0xd3: {  	v62 =	vsub.f32 $0.0e+00, v22;
	v27 =	vmul.f32 v27, v38;
	v38 =	vadd.f32 $-9.587980060e-02, v48  }
0xd4: {  	vm13 =	vge.f32 v24, $0.0e+00;
	v60 =	vadd.f32 $-9.587980060e-02, v57;
	v50 =	vsub.f32 $0.0e+00, v26  }
0xd5: {  	v23 =	vmul.f32 $7.071067690e-01, v23;
	v22 =	vsel vm14, v22, v62;
	v27 =	vmul.f32 v27, v40  }
0xd6: {  	vm14 =	vge.f32 v39, $0.0e+00;
	v38 =	vmul.f32 v38, v34;
	v40 =	vnsel vm8, $0x0, v21  }
0xd7: {  	v39 =	vadd.f32 $-9.587980060e-02, v51;
	v26 =	vsel vm14, v26, v50;
	v63 =	vand.u32 $0x7FFFFFFF, v23  }
0xd8: {  	v22 =	vadd.f32 $1.000000000e+00, v22;
	v27 =	vsub.f32 $1.000000000e+00, v27;
	v47 =	vmul.f32 $4.704700110e-01, v63  }
0xd9: {  	v38 =	vadd.f32 $3.480241890e-01, v38;
	v54 =	vmul.f32 v39, v31;
	v39 =	vadd.f32 $-9.587980060e-02, v55  }
0xda: {  	vm14 =	vge.f32 v36, $0.0e+00;
	v26 =	vadd.f32 $1.000000000e+00, v26;
	v49 =	vadd.f32 $1.000000000e+00, v47  }
0xdb: {  	v53 =	vsub.f32 $0.0e+00, v63;
	v22 =	vmul.f32 $5.000000000e-01, v22;
	v52 =	vsub.f32 $0.0e+00, v27  }
0xdc: {  	v34 =	vmul.f32 v38, v34;
	v36 =	vadd.f32 $3.480241890e-01, v54;
	(erf) = vrcp.f32 v49  }
0xdd: {  	v59 =	vmul.f32 v39, v28;
	v38 =	vmul.f32 v60, v35;
	v47 =	vnsel vm12, $0x0, v42  }
0xde: {  	v56 =	vmul.f32 v53, v63;
	vm12 =	vge.f32 v25, $0.0e+00;
	v10 =	vadd.f32 v22, v10  }
0xdf: {  	v27 =	vsel vm14, v27, v52;
	v34 =	vmul.f32 v34, v37;
	v31 =	vmul.f32 v36, v31  }
0xe0: {  	v37 =	vnsel vm11, $0x0, v42;
	v36 =	vadd.f32 $3.480241890e-01, v59;
	vm11 =	vge.f32 v29, $0.0e+00  }
0xe1: {  	vm14 =	vge.f32 v23, $0.0e+00;
	v58 =	vmul.f32 $1.442695020e+00, v56;
	v49 =	vadd.f32 $3.480241890e-01, v38  }
0xe2: {  	v56 =	vnsel vm7, $0x0, v42;
	v38 =	vnsel vm0, $0x0, v21;
	v27 =	vadd.f32 $1.000000000e+00, v27  }
0xe3: {  	v34 =	vsub.f32 $1.000000000e+00, v34;
	v31 =	vmul.f32 v31, v33;
	v50 =	vmul.f32 v49, v35  }
0xe4: {  	v28 =	vmul.f32 v36, v28;
	v36 =	vnsel vm2, $0x0, v21;
	v48 =	vmul.f32 $5.000000000e-01, v27  }
0xe5: {  	v63 =	vsub.f32 $0.0e+00, v34;
	v31 =	vsub.f32 $1.000000000e+00, v31;
	v52 =	vmul.f32 v50, v44;
	v61 =	vpop (erf)  }
0xe6: {  	v44 =	vadd.f32 v47, v40;
	(erf) = vpow2.f32 v58;
	v62 =	vmul.f32 $7.478556030e-01, v61  }
0xe7: {  	v28 =	vmul.f32 v28, v30;
	v47 =	vadd.f32 v37, v46;
	v8 =	vadd.f32 v48, v8  }
0xe8: {  	v35 =	vnsel vm15, $0x0, v21;
	v51 =	vsub.f32 $0.0e+00, v31;
	v45 =	vadd.f32 $-9.587980060e-02, v62  }
0xe9: {  	v34 =	vsel vm10, v34, v63;
	v28 =	vsub.f32 $1.000000000e+00, v28;
	v29 =	vsub.f32 $1.000000000e+00, v52  }
0xea: {  	v50 =	vld [tilespmem:$0x1FFF0];
	v17 =	vadd.f32 v44, v17;
	v49 =	vadd.f32 $1.000000000e+00, v34;
	v33 =	vmul.f32 v45, v61  }
0xeb: {  	v63 =	vnsel vm5, $0x0, v42;
	v16 =	vadd.f32 v47, v16;
	v52 =	vadd.f32 v32, v36  }
0xec: {  	v30 =	vsel vm11, v31, v51;
	v54 =	vsub.f32 $0.0e+00, v28;
	v33 =	vadd.f32 $3.480241890e-01, v33  }
0xed: {  	v59 =	vsub.f32 $0.0e+00, v29;
	v51 =	vmul.f32 $5.000000000e-01, v49;
	v15 =	vadd.f32 v52, v15  }
0xee: {  	v28 =	vsel vm12, v28, v54;
	v58 =	vadd.f32 v41, v43;
	v53 =	vmul.f32 v33, v61  }
0xef: {  	vm15 =	vnez.u8 v50;
	v54 =	vadd.f32 $1.000000000e+00, v30;
	v29 =	vsel vm13, v29, v59;
	v55 =	vpop (erf)  }
0xf0: {  	v31 =	vnsel vm15, $0x0, v21;
	v7 =	vadd.f32 v51, v7;
	v57 =	vmul.f32 v53, v55  }
0xf1: {  	v18 =	vadd.f32 v58, v18;
	v58 =	vadd.f32 $1.000000000e+00, v28;
	v45 =	vmul.f32 $5.000000000e-01, v26  }
0xf2: {  	v33 =	vnsel vm1, $0x0, v21;
	v61 =	vnsel vm6, $0x0, v42;
	v60 =	vsub.f32 $1.000000000e+00, v57  }
0xf3: {  	v25 =	vadd.f32 v61, v38;
	v61 =	vmul.f32 $5.000000000e-01, v58;
	v53 =	vor.u32 s18, v0  }
0xf4: {  	v55 =	vadd.f32 v56, v33;
	v56 =	vor.u32 s18, v2;
	v62 =	vsub.f32 $0.0e+00, v60  }
0xf5: {  	v59 =	vnsel vm3, $0x0, v42;
	v9 =	vadd.f32 v45, v9;
	v13 =	vadd.f32 v25, v13  }
0xf6: {  	p0 =	sne.s32 s19, $0xB80;
	v5 =	vadd.f32 v61, v5;
	v14 =	vadd.f32 v55, v14;
	v23 =	vsel vm14, v60, v62  }
.Ltmp0:
0xf7: {  	v57 =	vmul.f32 $5.000000000e-01, v54;
	v60 =	vadd.f32 $1.000000000e+00, v29;
	v23 =	vadd.f32 $1.000000000e+00, v23;
	(pc) =	sbr.rel @p0 .LBB2_2-.Ltmp0, $4  }
0xf8: {  	s21 =	sshrl.u32 s21, $0x2;
	[tilespmem:v53+s13+$0x0] =	vst.idx.msk $0xffff, v19;
	v62 =	vadd.f32 v63, v35;
	v63 =	vadd.f32 v59, v31  }
0xf9: {  	s20 =	sor.u32 s20, s21;
	v6 =	vadd.f32 v57, v6;
	[tilespmem:v56+s13+$0x0] =	vst.idx.msk $0xffff, v20;
	v19 =	vmul.f32 $5.000000000e-01, v60;
	v20 =	vmul.f32 $5.000000000e-01, v23  }
0xfa: {  	[tilespmem:s20+$0x2700] =	vst v21;
	v12 =	vadd.f32 v62, v12;
	v11 =	vadd.f32 v63, v11  }
0xfb: {  	s19 =	sadd.s32 $0x80, s19;
	s17 =	sadd.s32 $0x10, s17;
	s18 =	sadd.s32 $0x20, s18;
	[tilespmem:s20+$0x2780] =	vst v42;
	v4 =	vadd.f32 v19, v4;
	v3 =	vadd.f32 v20, v3  }
0xfc: {  	(xrf2) =	vadd.scan.msk.f32 $0xffff, v18;
	_ =	sdelay $0x1  }
0xfd: {  	(xrf2) =	vadd.scan.msk.f32 $0xffff, v17;
	_ =	sdelay $0x1  }
0xfe: {  	(xrf2) =	vadd.scan.msk.f32 $0xffff, v16;
	_ =	sdelay $0x1  }
0xff: {  	(xrf2) =	vadd.scan.msk.f32 $0xffff, v15;
	_ =	sdelay $0x1  }
0x100: {  	(xrf2) =	vadd.scan.msk.f32 $0xffff, v14;
	_ =	sdelay $0x1  }
0x101: {  	v27, _, _ =	vpop (xrf2);
	(xrf2) =	vadd.scan.msk.f32 $0xffff, v13  }
0x102: {  	v28 =	vbroadcast v27, $0xF  }
0x103: {  	vm0 =	vmmov $0x1;
	v29, _, _ =	vpop (xrf2);
	(xrf2) =	vadd.scan.msk.f32 $0xffff, v12  }
0x104: {  	v31 =	vbroadcast v29, $0xF;
	v30 =	vnsel vm0, $0x0, v28  }
0x105: {  	vm13 =	vcmask $0x704;
	v32, _, _ =	vpop (xrf2);
	(xrf2) =	vadd.scan.msk.f32 $0xffff, v11;
	v12 =	vadd.f32 $0.0e+00, v30  }
0x106: {  	v34 =	vbroadcast v32, $0xF;
	v33 =	vnsel vm13, $0x0, v31  }
0x107: {  	vm14 =	vcmask $0xB08;
	v35, _, _ =	vpop (xrf2);
	(xrf2) =	vadd.scan.msk.f32 $0xffff, v10;
	v11 =	vadd.f32 v33, v12  }
0x108: {  	v36 =	vnsel vm14, $0x0, v34;
	v12 =	vbroadcast v35, $0xF  }
0x109: {  	vm15 =	vcmask $0xF0C;
	v37, _, _ =	vpop (xrf2);
	(xrf2) =	vadd.scan.msk.f32 $0xffff, v9;
	v10 =	vadd.f32 v36, v11  }
0x10a: {  	v38 =	vnsel vm15, $0x0, v12;
	v11 =	vbroadcast v37, $0xF  }
0x10b: {  	vm4 =	vcmask $0x1310;
	v9 =	vadd.f32 v38, v10;
	v39, _, _ =	vpop (xrf2);
	(xrf2) =	vadd.scan.msk.f32 $0xffff, v8  }
0x10c: {  	v40 =	vnsel vm4, $0x0, v11;
	v10 =	vbroadcast v39, $0xF  }
0x10d: {  	vm5 =	vcmask $0x1714;
	v41, _, _ =	vpop (xrf2);
	(xrf2) =	vadd.scan.msk.f32 $0xffff, v7;
	v8 =	vadd.f32 v40, v9  }
0x10e: {  	v9 =	vbroadcast v41, $0xF;
	v42 =	vnsel vm5, $0x0, v10  }
0x10f: {  	vm6 =	vcmask $0x1B18;
	v43, _, _ =	vpop (xrf2);
	(xrf2) =	vadd.scan.msk.f32 $0xffff, v6;
	v7 =	vadd.f32 v42, v8  }
0x110: {  	v44 =	vnsel vm6, $0x0, v9;
	v8 =	vbroadcast v43, $0xF  }
0x111: {  	vm7 =	vcmask $0x1F1C;
	v45, _, _ =	vpop (xrf2);
	(xrf2) =	vadd.scan.msk.f32 $0xffff, v5;
	v6 =	vadd.f32 v44, v7  }
0x112: {  	v46 =	vnsel vm7, $0x0, v8;
	v7 =	vbroadcast v45, $0xF  }
0x113: {  	vm8 =	vcmask $0x2320;
	v47, _, _ =	vpop (xrf2);
	(xrf2) =	vadd.scan.msk.f32 $0xffff, v4;
	v5 =	vadd.f32 v46, v6  }
0x114: {  	v48 =	vnsel vm8, $0x0, v7;
	v6 =	vbroadcast v47, $0xF  }
0x115: {  	vm9 =	vcmask $0x2724;
	v49, _, _ =	vpop (xrf2);
	v4 =	vadd.f32 v48, v5  }
0x116: {  	v50 =	vnsel vm9, $0x0, v6;
	v51 =	vbroadcast v49, $0xF  }
0x117: {  	vm10 =	vcmask $0x2B28;
	(xrf2) =	vadd.scan.msk.f32 $0xffff, v3;
	v52, _, _ =	vpop (xrf2);
	v4 =	vadd.f32 v50, v4  }
0x118: {  	v5 =	vbroadcast v52, $0xF;
	v3 =	vnsel vm10, $0x0, v51  }
0x119: {  	vm11 =	vcmask $0x2F2C;
	v53, _, _ =	vpop (xrf2);
	v3 =	vadd.f32 v3, v4  }
0x11a: {  	v55 =	vbroadcast v53, $0xF;
	v54 =	vnsel vm11, $0x0, v5  }
0x11b: {  	vm12 =	vcmask $0x3330;
	v56, _, _ =	vpop (xrf2);
	v3 =	vadd.f32 v54, v3  }
0x11c: {  	v58 =	vbroadcast v56, $0xF;
	v57 =	vnsel vm12, $0x0, v55  }
0x11d: {  	vm13 =	vcmask $0x3734;
	v59, _, _ =	vpop (xrf2);
	v3 =	vadd.f32 v57, v3  }
0x11e: {  	v61 =	vbroadcast v59, $0xF;
	v60 =	vnsel vm13, $0x0, v58  }
0x11f: {  	vm14 =	vcmask $0x3B38;
	v3 =	vadd.f32 v60, v3  }
0x120: {  	v62 =	vnsel vm14, $0x0, v61  }
0x121: {  	vm15 =	vmmov $0x7fff;
	v63, _, _ =	vpop (xrf2);
	v3 =	vadd.f32 v62, v3  }
0x122: {  	v4 =	vsel vm15, $0x0, v63  }
0x123: {  	v3 =	vadd.f32 v3, v4;
	_ =	sdelay $0x1  }
0x124: {  	[tilespmem:$0x2A00] =	vst v3  }
0x125: {  	[hbm4b:s5+s2] =	stream.linear.scatter [tilespmem:s13], [sflag:$0x1], $0x300, $0x38;
	[tilespmem:$0x2A80] =	vst v63  }
0x126: {  	_ =	swait.ge [sflag:s11], $0x300  }
0x127: {  	[sflag:s11] =	ssyncset.done $0x0  }
0x128: {  	[sflag:s11] =	ssyncadd.s32 $0xFFFFFD00  }
0x129: {  	[hbm4b:s6+s2] =	stream.linear.scatter [tilespmem:s14], [sflag:$0x1], $0x300, $0x38;
	[tilespmem:$0x2A80] =	vst v63  }
0x12a: {  	s16 =	sadd.s32 $0x1, s16;
	_ =	swait.ge [sflag:s11], $0x300  }
0x12b: {  	p0 =	sne.s32 s16, s8;
	[sflag:s11] =	ssyncset.done $0x0  }
.Ltmp1:
0x12c: {  	[sflag:s11] =	ssyncadd.s32 $0xFFFFFD00;
	(pc) =	sbr.rel @p0 .LBB2_1-.Ltmp1, $4  }
0x12d: {  	[hbm4b:s7+s2] =	stream.linear.scatter [tilespmem:s15], [sflag:$0x1], $0x80, $0x38;
	[tilespmem:$0x2A80] =	vst v63  }
0x12e: {  	_ =	swait.ge [sflag:s11], $0x80  }
0x12f: {  	[sflag:s11] =	ssyncset.done $0x0  }
0x130: {  	[sflag:s11] =	ssyncadd.s32 $0xFFFFFF80  }
0x131: {  	_ =	sfence.sel $0x180000  }
0x132: {  	[bflag:$0x0] =	sbarrier.arrive $0xFFFF  }
0x133: {  	p0 =	sne.s32 s1, $0x0;
	_ =	strace $0x9000004A  }
0x134: {  	s0 =	sadd.s32 @!p0 $0x100000, s0;
	[bflag:$0x2] =	sbarrier.arrive $0xFFFF  }
0x135: {  	[sflag:s0] =	ssyncadd.tile.s32 @!p0 $0x1;
	_ =	shalt  }
.Lfunc_end2:
_tile_overlayer_lowered:
.L_overlay_start_2:
0x136: {  	(tag) =	ssettag $0x2  }
0x137: {  	s0 =	rddreg [dreg:$0x0];
	s2 =	stileid.u32  }
0x138: {  	s1 =	rddreg [dreg:$0x1];
	p0 =	sne.s32 s2, $0x0  }
0x139: {  	s3 =	rddreg [dreg:$0x2];
	[bflag:$0x3] =	sbarrier.arrive $0xFFFF;
	s2 =	simm.s32 @!p0 $0x1C01  }
0x13a: {  	[timem:s3], [sflag:s2] =	dma.local @!p0 [hbm:s0], s1  }
0x13b: {  	s0 =	simm.s32 @!p0 $0x1  }
0x13c: {  	_ =	swait.ge @!p0 [sflag:s0], s1  }
0x13d: {  	s1 =	ssub.s32 @!p0 $0x0, s1;
	[sflag:s0] =	ssyncset.done @!p0 $0x0  }
0x13e: {  	[sflag:s0] =	ssyncadd.s32 @!p0 s1  }
0x13f: {  	[bflag:$0x3] =	sbarrier.arrive $0xFFFF  }
0x140: {  	_ =	shalt  }

// kernel: kernel.7.cloned.1.call-start
scs
__scs_entry_jumppad:
0x0: {  	(pc) =	sbr.rel $0x88, $3  }
0x1: {  	(tag) =	ssettag $0x0;
	lr =	simm.s32 $0x1  }
0x2: {  	[smem:$0x3F9D] =	sst lr;
	_ =	strace $0xD0000000  }
0x3: {  	_ = 	snop  }
0x4: {  	_ = 	snop  }
0x5: {  	_ = 	snop  }
0x6: {  	_ = 	snop  }
0x7: {  	_ = 	snop  }
__scs_overlays_trampoline_lowered:
0x8: {  	[smem:$0x3FAC] =	sst s0  }
0x9: {  	[smem:$0x3FAD] =	sst s1  }
0xa: {  	[smem:$0x3FAE] =	sst s2  }
0xb: {  	[smem:$0x3FAF] =	sst s3  }
0xc: {  	[smem:$0x3FB0] =	sst s4  }
0xd: {  	[smem:$0x3FB1] =	sst s5  }
0xe: {  	[smem:$0x3FB2] =	sst s6  }
0xf: {  	[smem:$0x3FB3] =	sst s7  }
0x10: {  	[smem:$0x3FB4] =	sst s8  }
0x11: {  	[smem:$0x3FB5] =	sst s9;
	s0 =	simm.s32 @!p0 $0x0  }
0x12: {  	s1 =	sld [smem:$0x3F9B];
	s0 =	simm.s32 @p0 $0x1  }
0x13: {  	[smem:$0x3FB6] =	sst s0;
	s0 =	simm.s32 @!p1 $0x0  }
0x14: {  	s2 =	sld [smem:$0x3F9A];
	s0 =	simm.s32 @p1 $0x1  }
0x15: {  	[smem:$0x3FB7] =	sst s0;
	s0 =	simm.s32 @!p2 $0x0  }
0x16: {  	s3 =	sld [smem:$0x3FDB];
	s0 =	simm.s32 @p2 $0x1  }
0x17: {  	s4 =	simm.s32 $0x1BF5;
	[smem:$0x3FB9] =	sst s0  }
0x18: {  	s0 =	sld [smem:$0x3F9C];
	_ =	swait.ge [sflag:s4], $0x0  }
0x19: {  	s7 =	sld [smem:$0x3F9D]  }
0x1a: {  	s8 =	sadd.s32 $0xFFFFE003, lr  }
0x1b: {  	s9 =	sadd.s32 $0xFFFFFEF7, lr;
	s5 =	simm.s32 $0xFFFFFFFF;
	p2 =	slt.u32 s8, $0xFFFFF086  }
0x1c: {  	p1 =	slt.u32 s9, $0xF7A;
	s5 =	simm.s32 @!p2 $0x0  }
0x1d: {  	s5 =	simm.s32 @p1 $0x1;
	p0 =	seq.s32 s7, s2  }
0x1e: {  	s7 =	smul.u32 @!p0 $0xF7A, s2;
	p2 =	seq.s32 @!p0 s5, $0x0  }
0x1f: {  	s9 =	smul.u32 $0xF7A, s1;
	s8 =	simm.s32 @!p0 $0x1BF5;
	p2 =	por !p2, p0  }
0x20: {  	[sflag:s8] =	ssyncset.s32 @!p0 $0xFFFFF086;
	s6 =	sadd.s32 @!p0 s3, s7;
	s7 =	simm.s32 @!p0 $0x108  }
0x21: {  	s3 =	sadd.s32 s3, s9;
	s6 =	sadd.s32 @!p0 $0x88, s6;
	s7 =	simm.s32 @p2 $0x1082  }
0x22: {  	[simem:s7], [sflag:s8] =	dma.local @!p0 [hbm:s6], $0xF7A  }
0x23: {  	s9 =	sor.u32 $0xD0000000, s2;
	s6 =	simm.s32 $0x108;
	_ =	swait.ge @!p0 [sflag:s8], $0x0  }
0x24: {  	s3 =	sadd.s32 $0x88, s3;
	s6 =	simm.s32 @!p1 $0x1082;
	[sflag:s4] =	ssyncset.s32 $0xFFFFF086  }
0x25: {  	[simem:s6], [sflag:s4] =	dma.local [hbm:s3], $0xF7A  }
0x26: {  	[smem:$0x3F9D] =	sst s1;
	(tag) =	ssettag s2;
	_ =	strace s9  }
0x27: {  	s1 =	sld [smem:$0x3FAD]  }
0x28: {  	s2 =	sld [smem:$0x3FAE]  }
0x29: {  	s4 =	sld [smem:$0x3FB0]  }
0x2a: {  	p0 =	seq.s32 s5, $0x0;
	s5 =	sld [smem:$0x3FB1]  }
0x2b: {  	s6 =	sld [smem:$0x3FB2]  }
0x2c: {  	s7 =	sld [smem:$0x3FB3]  }
0x2d: {  	s3 =	simm.s32 $0x108;
	s8 =	sld [smem:$0x3FB4]  }
0x2e: {  	s3 =	simm.s32 @!p0 $0x1082;
	s9 =	sld [smem:$0x3FB5]  }
0x2f: {  	lr =	sadd.s32 s0, s3;
	s0 =	sld [smem:$0x3FAC]  }
0x30: {  	s3 =	sld [smem:$0x3FAF]  }
0x31: {  	[smem:$0x3FB8] =	sst s10  }
0x32: {  	s10 =	sld [smem:$0x3FB6];
	_ =	sdelay $0x3  }
0x33: {  	p0 =	seq.s32 s10, $0x1;
	s10 =	sld [smem:$0x3FB8];
	_ =	sdelay $0x3  }
0x34: {  	[smem:$0x3FB8] =	sst s10  }
0x35: {  	s10 =	sld [smem:$0x3FB7];
	_ =	sdelay $0x3  }
0x36: {  	p1 =	seq.s32 s10, $0x1;
	s10 =	sld [smem:$0x3FB8];
	_ =	sdelay $0x3  }
0x37: {  	[smem:$0x3FB8] =	sst s10  }
0x38: {  	s10 =	sld [smem:$0x3FB9]  }
0x39: {  	_ = 	snop;
	(pc) =	sbr.ind lr, $3  }
0x3a: {  	_ = 	snop  }
0x3b: {  	_ = 	snop  }
0x3c: {  	p2 =	seq.s32 s10, $0x1;
	s10 =	sld [smem:$0x3FB8]  }
0x3d: {  	_ =	shalt  }
0x3e: {  	_ =	shalt  }
0x3f: {  	_ =	shalt  }
0x40: {  	_ =	shalt  }
0x41: {  	_ =	shalt  }
0x42: {  	_ =	shalt  }
0x43: {  	_ =	shalt  }
0x44: {  	_ =	shalt  }
0x45: {  	_ =	shalt  }
0x46: {  	_ =	shalt  }
0x47: {  	_ =	shalt  }
0x48: {  	_ =	shalt  }
0x49: {  	_ =	shalt  }
0x4a: {  	_ =	shalt  }
0x4b: {  	_ =	shalt  }
0x4c: {  	_ =	shalt  }
0x4d: {  	_ =	shalt  }
0x4e: {  	_ =	shalt  }
0x4f: {  	_ =	shalt  }
0x50: {  	_ =	shalt  }
0x51: {  	_ =	shalt  }
0x52: {  	_ =	shalt  }
0x53: {  	_ =	shalt  }
0x54: {  	_ =	shalt  }
0x55: {  	_ =	shalt  }
0x56: {  	_ =	shalt  }
0x57: {  	_ =	shalt  }
0x58: {  	_ =	shalt  }
0x59: {  	_ =	shalt  }
0x5a: {  	_ =	shalt  }
0x5b: {  	_ =	shalt  }
0x5c: {  	_ =	shalt  }
0x5d: {  	_ =	shalt  }
0x5e: {  	_ =	shalt  }
0x5f: {  	_ =	shalt  }
0x60: {  	_ =	shalt  }
0x61: {  	_ =	shalt  }
0x62: {  	_ =	shalt  }
0x63: {  	_ =	shalt  }
0x64: {  	_ =	shalt  }
0x65: {  	_ =	shalt  }
0x66: {  	_ =	shalt  }
0x67: {  	_ =	shalt  }
0x68: {  	_ =	shalt  }
0x69: {  	_ =	shalt  }
0x6a: {  	_ =	shalt  }
0x6b: {  	_ =	shalt  }
0x6c: {  	_ =	shalt  }
0x6d: {  	_ =	shalt  }
0x6e: {  	_ =	shalt  }
0x6f: {  	_ =	shalt  }
0x70: {  	_ =	shalt  }
0x71: {  	_ =	shalt  }
0x72: {  	_ =	shalt  }
0x73: {  	_ =	shalt  }
0x74: {  	_ =	shalt  }
0x75: {  	_ =	shalt  }
0x76: {  	_ =	shalt  }
0x77: {  	_ =	shalt  }
0x78: {  	_ =	shalt  }
0x79: {  	_ =	shalt  }
0x7a: {  	_ =	shalt  }
0x7b: {  	_ =	shalt  }
0x7c: {  	_ =	shalt  }
0x7d: {  	_ =	shalt  }
0x7e: {  	_ =	shalt  }
0x7f: {  	_ =	shalt  }
0x80: {  	_ =	shalt  }
0x81: {  	_ =	shalt  }
0x82: {  	_ =	shalt  }
0x83: {  	_ =	shalt  }
0x84: {  	_ =	shalt  }
0x85: {  	_ =	shalt  }
0x86: {  	_ =	shalt  }
0x87: {  	_ =	shalt  }
.Lfunc_end0:
.L_simem_size_0:
called_computation_lowered:
.L_overlay_start_0:
0x88: {  	s2 =	sld [smem:$0x3FD9]  }
0x89: {  	s3 =	sld [smem:$0x3FFE];
	_ =	sdelay $0x1  }
0x8a: {  	s1 =	srdreg.scid  }
0x8b: {  	s0 =	sand.u32 $0x1, s1  }
0x8c: {  	s14 =	sshll.u32 s0, $0xA;
	s2 =	sadd.s32 s3, s2  }
0x8d: {  	s2 =	sadd.s32 s2, s14  }
0x8e: {  	[smem:$0x3FC4] =	sst s2  }
0x8f: {  	_ = 	snop  }
0x90: {  	s2 =	sld [smem:$0x3FD0];
	_ =	sdelay $0x2  }
0x91: {  	s4 =	simm.s32 $0xB;
	s5 =	simm.s32 $0x10;
	s15 =	sld [smem:$0x3FC6]  }
0x92: {  	[smem:s5], [sflag:s4] =	dma.local [hbm:s2], $0x1  }
0x93: {  	_ =	swait.eq [sflag:s4], $0x1  }
0x94: {  	[sflag:s4] =	ssyncset.done $0x0  }
0x95: {  	[sflag:s4] =	ssyncadd.s32 $0xFFFFFFFF  }
0x96: {  	s16 =	sld [smem:$0x10];
	(tm) =	ssettm $0x1  }
0x97: {  	s17 =	sld [smem:$0x3FFB];
	_ =	sdelay $0x3  }
0x98: {  	_ =	strace s17  }
0x99: {  	s4 =	sld [smem:$0x3FFC];
	_ =	sdelay $0x3  }
0x9a: {  	_ =	strace s4  }
0x9b: {  	s4 =	sld [smem:$0x3FFD];
	_ =	sdelay $0x3  }
0x9c: {  	_ =	strace s4  }
0x9d: {  	_ =	strace $0x8FFFFFFF  }
0x9e: {  	s18 =	sld [smem:$0x3FDB];
	_ =	sdelay $0x1  }
0x9f: {  	s19 =	simm.s32 $_scs_section_size  }
0xa0: {  	s6 =	simm.s32 $_size__tile_overlayer_lowered;
	s7 =	simm.s32 $_tile_overlayer_lowered  }
0xa1: {  	s22 =	simm.s32 $0x1BFF;
	s21 =	sshll.u32 s7, $0x1;
	s4 =	sadd.s32 s19, s18  }
0xa2: {  	s8 =	simm.s32 $0x0;
	s20 =	sshll.u32 s6, $0x1;
	s6 =	sadd.s32 s21, s4  }
0xa3: {  	[timem:s8], [sflag:s22] =	dma.local [hbm:s6], s20  }
0xa4: {  	_ =	swait.ge [sflag:s22], s20  }
0xa5: {  	s5 =	ssub.s32 $0x0, s20;
	[sflag:s22] =	ssyncset.done $0x0  }
0xa6: {  	[sflag:s22] =	ssyncadd.s32 s5;
	_ =	sdelay $0x1  }
0xa7: {  	s23 =	simm.s32 $0x1B8B  }
0xa8: {  	_ =	swait.ge [sflag:s23], $0x1  }
0xa9: {  	[sflag:s23] =	ssyncset.done $0x0  }
0xaa: {  	s25 =	simm.s32 $0x1B8E;
	s24 =	sld [smem:$0x3FFE];
	[sflag:s23] =	ssyncadd.s32 $0xFFFFFFFF  }
0xab: {  	s26 =	simm.s32 $execute0_lowered;
	[smem:$0x3FD2] =	sst s25  }
0xac: {  	s6 =	sshll.u32 s26, $0x1;
	_ =	strace $0x80000046;
	[dreg:$0x1] =	wrdreg $0xFFFFFFFF  }
0xad: {  	s28 =	simm.s32 $_size_execute0_lowered;
	s4 =	sadd.s32 s4, s6;
	[dreg:$0x0] =	wrdreg $0x0  }
0xae: {  	s6 =	sshll.u32 s28, $0x1;
	[dreg:$0x2] =	wrdreg s4  }
0xaf: {  	[dreg:$0x3] =	wrdreg s6  }
0xb0: {  	[dreg:$0x4] =	wrdreg $0xC0  }
0xb1: {  	_ =	task [dreg:s8], $0x5FFFF  }
0xb2: {  	[dreg:$0x1] =	wrdreg $0xFFFFFFFF  }
0xb3: {  	[dreg:$0x0] =	wrdreg $0x60  }
0xb4: {  	[dreg:$0x2] =	wrdreg s24  }
0xb5: {  	[dreg:$0x3] =	wrdreg s15  }
0xb6: {  	[dreg:$0x4] =	wrdreg s16  }
0xb7: {  	[dreg:$0x5] =	wrdreg $0x9  }
0xb8: {  	_ =	task.clear_ibuf [dreg:s8], $0x6FFFF;
	_ =	strace $0x90000046  }
0xb9: {  	s29 =	simm.s32 $0x9;
	_ =	strace $0x80000048  }
0xba: {  	_ =	swait.ge [sflag:s29], $0x1  }
0xbb: {  	[sflag:s29] =	ssyncadd.s32 $0xFFFFFFFF  }
0xbc: {  	_ =	strace $0x90000048  }
0xbd: {  	_ =	sfence  }
0xbe: {  	s30 =	sld [smem:$0x0];
	_ =	sdelay $0x2  }
0xbf: {  	s31 =	sshll.u32 s1, $0xD;
	s1 =	sshrl.u32 s1, $0x2  }
0xc0: {  	s3 =	sand.u32 $0x4000, s31;
	s1 =	sadd.s32 s1, s30  }
0xc1: {  	s0 =	sor.u32 s3, s0;
	s1 =	sshll.u32 s1, $0x11  }
0xc2: {  	s0 =	sor.u32 s1, s0  }
0xc3: {  	s0 =	sadd.s32 $0x8F2B, s0  }
0xc4: {  	[sflag:s0] =	ssyncadd.remote.s32 $0x1  }
0xc5: {  	_ =	sfence.sel $0xFFFF  }
0xc6: {  	[dreg:$0x0] =	wrdreg $0xFFFFFFFF;
	(pc) =	sbr.abs _section_cstart, $3  }
0xc7: {  	[dreg:$0x1] =	wrdreg $0xFFFFFFFF  }
0xc8: {  	_ =	task.clear_ibuf [dreg:s8], $0x2FFFF;
	_ =	strace $0x9FFFFFFF  }
0xc9: {  	(tm) =	ssettm $0x7FFFFFFF  }
tec
execute0_lowered:
.L_overlay_start_1:
0x0: {  	(tag) =	ssettag $0x1  }
0x1: {  	s3 =	rddreg [dreg:$0x0]  }
0x2: {  	s0 =	srdreg.scid;
	s5 =	rddreg [dreg:$0x1]  }
0x3: {  	s6 =	rddreg [dreg:$0x2];
	s2 =	simm.s32 $0x0;
	s14 =	simm.s32 $0x4100  }
0x4: {  	s15 =	simm.s32 $0x4600;
	s16 =	simm.s32 $0x0;
	s4 =	sand.u32 $0x1, s0  }
0x5: {  	s0 =	stileid.u32;
	[smem:$0x7FF] =	sst s2;
	s1 =	sshll.u32 s4, $0x4  }
0x6: {  	s12 =	sshll.u32 s0, $0x4;
	s4 =	ssub.s32 $0x2, s4;
	s7 =	sor.u32 s0, s1  }
0x7: {  	s1 =	rddreg [dreg:$0x3];
	_ =	strace $0x80000047;
	s8 =	smul.u32 $0x280, s7  }
0x8: {  	s12 =	sand.u32 $0x70, s12;
	s13 =	sshrl.u32 s4, $0x1;
	s9 =	smul.u32 $0xA0, s7  }
0x9: {  	s7 =	sshll.u32 s7, $0x4;
	s12 =	sadd.s32 s12, s3;
	s13 =	ssub.s32 s4, s13  }
0xa: {  	s7 =	sand.u32 $0x180, s7;
	s10 =	sadd.s32 s8, s3;
	s11 =	sadd.s32 s9, s3  }
0xb: {  	v0 =	vlaneseq.u32;
	s4 =	sadd.s32 s5, s8;
	s7 =	sadd.s32 s7, s12;
	s6 =	sadd.s32 s6, s9  }
0xc: {  	v0 =	vmul.u32 $0x2, v0;
	s8 =	smax.u32 s13, $0x1;
	s9 =	simm.s32 $0x1400;
	s12 =	simm.s32 $0x2800  }
0xd: {  	s13 =	simm.s32 $0x3C00;
	s3 =	sadd.s32 $0x1800, s10;
	s5 =	sadd.s32 $0xB800, s11  }
0xe: {  	v1 =	vimm.s32 $0x8;
	v2 =	vor.u32 $0x1, v0;
	s7 =	sadd.s32 $0xCC00, s7;
	s10 =	simm.s32 $0x28000;
	s11 =	simm.s32 $0x1  }
.LBB2_1:
0xf: {  	[tilespmem:s2], [sflag:$0x1] =	stream.strided.gather [hbm4b:s3+s9], $0x2800, s10, s9, $0x38;
	[tilespmem:$0x4680] =	vst v63  }
0x10: {  	_ =	swait.ge [sflag:s11], $0x2800  }
0x11: {  	v3 =	vimm.f32 $0.0e+00;
	[sflag:s11] =	ssyncset.done $0x0  }
0x12: {  	v4 =	vimm.f32 $0.0e+00;
	v5 =	vimm.f32 $0.0e+00;
	v6 =	vimm.f32 $0.0e+00;
	[sflag:s11] =	ssyncadd.s32 $0xFFFFD800  }
0x13: {  	v7 =	vimm.f32 $0.0e+00;
	v8 =	vimm.f32 $0.0e+00;
	v9 =	vimm.f32 $0.0e+00;
	[tilespmem:s12], [sflag:$0x1] =	stream.linear.gather [hbm4b:s4+s2], $0x1400, $0x38;
	[tilespmem:$0x4680] =	vst v63  }
0x14: {  	v10 =	vimm.f32 $0.0e+00;
	v11 =	vimm.f32 $0.0e+00;
	v12 =	vimm.f32 $0.0e+00;
	_ =	swait.ge [sflag:s11], $0x1400  }
0x15: {  	v13 =	vimm.f32 $0.0e+00;
	v14 =	vimm.f32 $0.0e+00;
	v15 =	vimm.f32 $0.0e+00;
	s17 =	simm.s32 $0x0;
	[sflag:s11] =	ssyncset.done $0x0  }
0x16: {  	s18 =	simm.s32 $0x0;
	s19 =	simm.s32 $0x0;
	v16 =	vimm.f32 $0.0e+00;
	v17 =	vimm.f32 $0.0e+00;
	v18 =	vimm.f32 $0.0e+00;
	[sflag:s11] =	ssyncadd.s32 $0xFFFFEC00  }
.LBB2_2:
0x17: {  	s20 =	sand.u32 $0x70, s17;
	s21 =	sand.u32 $0x7FFFFC00, s19  }
0x18: {  	s22 =	sor.u32 s20, s21  }
0x19: {  	v41 =	vld [tilespmem:s22+$0x0]  }
0x1a: {  	v39 =	vld [tilespmem:s22+$0x80]  }
0x1b: {  	v36 =	vld [tilespmem:s22+$0x100]  }
0x1c: {  	v32 =	vld [tilespmem:s22+$0x180]  }
0x1d: {  	v29 =	vld [tilespmem:s22+$0x200]  }
0x1e: {  	v25 =	vld [tilespmem:s22+$0x280]  }
0x1f: {  	v21 =	vld [tilespmem:s22+$0x1400]  }
0x20: {  	v42 =	vld [tilespmem:s22+$0x1480]  }
0x21: {  	v38 =	vld [tilespmem:s22+$0x1500]  }
0x22: {  	v34 =	vld [tilespmem:s22+$0x1580]  }
0x23: {  	v31 =	vld [tilespmem:s22+$0x1600]  }
0x24: {  	v28 =	vld [tilespmem:s22+$0x1680]  }
0x25: {  	v24 =	vld [tilespmem:s22+$0x1700]  }
0x26: {  	v22 =	vld [tilespmem:s22+$0x1780]  }
0x27: {  	v19 =	vld [tilespmem:s22+$0x2800]  }
0x28: {  	v20 =	vld [tilespmem:s22+$0x2880]  }
0x29: {  	v23 =	vld [tilespmem:s22+$0x2900]  }
0x2a: {  	v27 =	vld [tilespmem:s22+$0x2980]  }
0x2b: {  	v30 =	vld [tilespmem:s22+$0x2A00]  }
0x2c: {  	s23 =	sor.u32 s19, s17;
	v33 =	vld [tilespmem:s22+$0x2A80]  }
0x2d: {  	s23 =	sor.u32 $0x380, s23;
	v35 =	vld [tilespmem:s22+$0x2B00];
	v19 =	vmul.f32 v19, v21;
	v20 =	vmul.f32 v20, v42  }
0x2e: {  	v44 =	vld [tilespmem:s23+$0x2800];
	v37 =	vmul.f32 v23, v38  }
0x2f: {  	v26 =	vld [tilespmem:s22+$0x300];
	v45 =	vadd.f32 v19, v41;
	v46 =	vadd.f32 v20, v39;
	v19 =	vmul.f32 v27, v34  }
0x30: {  	v23 =	vld [tilespmem:s23+$0x0];
	v43 =	vadd.f32 v37, v36;
	v20 =	vmul.f32 v30, v31  }
0x31: {  	v40 =	vadd.f32 v19, v32;
	v19 =	vmul.f32 v33, v28;
	v59 =	vmax.f32 v45, v46  }
0x32: {  	v37 =	vadd.f32 v20, v29;
	v20 =	vmul.f32 v35, v24;
	v27 =	vmax.f32 v59, v43  }
0x33: {  	v33 =	vadd.f32 v19, v25;
	v19 =	vmul.f32 v44, v22;
	v27 =	vmax.f32 v27, v40  }
0x34: {  	v30 =	vadd.f32 v20, v26;
	v20 =	vmax.f32 v27, v37  }
0x35: {  	v27 =	vadd.f32 v19, v23;
	v19 =	vmax.f32 v20, v33  }
0x36: {  	v19 =	vmax.f32 v19, v30  }
0x37: {  	v20 =	vmax.f32 v19, v27  }
0x38: {  	vm0 =	veq.f32 v27, v20  }
0x39: {  	vm8 =	veq.f32 v30, v20;
	v19 =	vsel vm0, $0x7, v1  }
0x3a: {  	vm9 =	veq.f32 v33, v20;
	v19 =	vsel vm8, $0x6, v19  }
0x3b: {  	vm10 =	veq.f32 v37, v20;
	v19 =	vsel vm9, $0x5, v19  }
0x3c: {  	vm11 =	veq.f32 v40, v20;
	v19 =	vsel vm10, $0x4, v19  }
0x3d: {  	vm12 =	veq.f32 v43, v20;
	v19 =	vsel vm11, $0x3, v19  }
0x3e: {  	vm13 =	veq.f32 v46, v20;
	v19 =	vsel vm12, $0x2, v19  }
0x3f: {  	vm10 =	vne.f32 v45, v20;
	v19 =	vsel vm13, $0x1, v19  }
0x40: {  	vm8 =	vmand vm10, vm13;
	v19 =	vnsel vm10, $0x0, v19  }
0x41: {  	v60 =	vnsel vm10, $0xFF800000, v45;
	v47 =	vsel vm8, $0xFF800000, v46;
	vm4 =	veq.s32 v19, $0x2  }
0x42: {  	v49 =	vmax.f32 v60, v47;
	vm2 =	veq.s32 v19, $0x3;
	v48 =	vsel vm4, $0xFF800000, v43  }
0x43: {  	vm1 =	veq.s32 v19, $0x4;
	v50 =	vsel vm2, $0xFF800000, v40;
	v61 =	vmax.f32 v49, v48  }
0x44: {  	vm0 =	veq.s32 v19, $0x5;
	v51 =	vsel vm1, $0xFF800000, v37;
	v35 =	vmax.f32 v61, v50  }
0x45: {  	vm15 =	veq.s32 v19, $0x6;
	v52 =	vsel vm0, $0xFF800000, v33;
	v35 =	vmax.f32 v35, v51  }
0x46: {  	vm3 =	veq.s32 v19, $0x7;
	v53 =	vsel vm15, $0xFF800000, v30;
	v35 =	vmax.f32 v35, v52  }
0x47: {  	v62 =	vsel vm3, $0xFF800000, v27;
	v35 =	vmax.f32 v35, v53  }
0x48: {  	v35 =	vmax.f32 v35, v62  }
0x49: {  	v20 =	vsub.f32 v35, v20  }
0x4a: {  	v54 =	vimm.s32 $0x0  }
0x4b: {  	v54 =	vsel vm3, $0xFFFFFFFF, v54;
	vm3 =	veq.f32 v62, v35;
	v20 =	vmul.f32 $1.442695020e+00, v20  }
0x4c: {  	vm14 =	veq.f32 v53, v35;
	v55 =	vsel vm3, $0x7, v1  }
0x4d: {  	vm6 =	veq.f32 v52, v35;
	v55 =	vsel vm14, $0x6, v55;
	(erf) = vpow2.f32 v20  }
0x4e: {  	vm7 =	veq.f32 v51, v35;
	v55 =	vsel vm6, $0x5, v55  }
0x4f: {  	vm9 =	veq.f32 v50, v35;
	vm11 =	veq.f32 v48, v35;
	v20 =	vsel vm7, $0x4, v55  }
0x50: {  	vm5 =	veq.f32 v47, v35;
	vm13 =	vne.f32 v60, v35;
	v20 =	vsel vm9, $0x3, v20  }
0x51: {  	vm12 =	vmand vm13, vm5;
	v20 =	vsel vm11, $0x2, v20  }
0x52: {  	v44 =	vsel vm12, v60, v49;
	v20 =	vsel vm5, $0x1, v20  }
0x53: {  	v44 =	vsel vm13, v44, v47;
	v20 =	vnsel vm13, $0x0, v20  }
0x54: {  	v47 =	vmax.f32 v44, v48;
	vm11 =	veq.s32 v20, $0x2  }
0x55: {  	v44 =	vsel vm11, v44, v47  }
0x56: {  	vm9 =	veq.s32 v20, $0x3;
	v44 =	vmax.f32 v44, v50;
	v63 =	vpop (erf)  }
0x57: {  	v47 =	vsel vm9, v47, v44;
	v48 =	vadd.f32 $1.000000000e+00, v63  }
0x58: {  	vm7 =	veq.s32 v20, $0x4;
	v47 =	vmax.f32 v47, v51  }
0x59: {  	v44 =	vsel vm7, v44, v47;
	(erf) = vrcp.f32 v48  }
0x5a: {  	vm6 =	veq.s32 v20, $0x5;
	v44 =	vmax.f32 v44, v52;
	(erf) = vrcp.f32 v21  }
0x5b: {  	v52 =	vsel vm6, v47, v44  }
0x5c: {  	vm5 =	veq.s32 v20, $0x6;
	v21 =	vmax.f32 v52, v53  }
0x5d: {  	v44 =	vsel vm5, v44, v21  }
0x5e: {  	vm3 =	veq.s32 v20, $0x7;
	v44 =	vmax.f32 v44, v62  }
0x5f: {  	v44 =	vsel vm3, v21, v44  }
0x60: {  	vm14 =	vgt.f32 v45, v44  }
0x61: {  	v45 =	vsel vm14, v44, v35  }
0x62: {  	v41 =	vsub.f32 v41, v45;
	v21 =	vpop (erf)  }
0x63: {  	[tilespmem:$0x1FFF0] =	vst v54;
	v54 =	vpop (erf)  }
0x64: {  	v41 =	vmul.f32 v41, v54;
	_ =	sdelay $0x1  }
0x65: {  	v41 =	vmul.f32 $7.071067690e-01, v41;
	_ =	sdelay $0x1  }
0x66: {  	v55 =	vand.u32 $0x7FFFFFFF, v41  }
0x67: {  	v56 =	vsub.f32 $0.0e+00, v55  }
0x68: {  	v57 =	vmul.f32 $4.704700110e-01, v55  }
0x69: {  	v45 =	vmul.f32 v56, v55  }
0x6a: {  	v58 =	vadd.f32 $1.000000000e+00, v57  }
0x6b: {  	v45 =	vmul.f32 $1.442695020e+00, v45  }
0x6c: {  	(erf) = vrcp.f32 v58  }
0x6d: {  	(erf) = vpow2.f32 v45  }
0x6e: {  	(erf) = vrcp.f32 v42;
	_ =	sdelay $0x5  }
0x6f: {  	vm14 =	vgt.f32 v46, v44  }
0x70: {  	v59 =	vsel vm14, v44, v35;
	v45 =	vpop (erf)  }
0x71: {  	v39 =	vsub.f32 v39, v59;
	v46 =	vpop (erf)  }
0x72: {  	v60 =	vpop (erf)  }
0x73: {  	v39 =	vmul.f32 v39, v60;
	_ =	sdelay $0x1  }
0x74: {  	v39 =	vmul.f32 $7.071067690e-01, v39;
	_ =	sdelay $0x1  }
0x75: {  	v61 =	vand.u32 $0x7FFFFFFF, v39  }
0x76: {  	v62 =	vsub.f32 $0.0e+00, v61  }
0x77: {  	v63 =	vmul.f32 $4.704700110e-01, v61  }
0x78: {  	v42 =	vmul.f32 v62, v61  }
0x79: {  	v52 =	vadd.f32 $1.000000000e+00, v63  }
0x7a: {  	v42 =	vmul.f32 $1.442695020e+00, v42  }
0x7b: {  	(erf) = vrcp.f32 v52  }
0x7c: {  	(erf) = vpow2.f32 v42  }
0x7d: {  	(erf) = vrcp.f32 v38;
	_ =	sdelay $0x5  }
0x7e: {  	vm14 =	vgt.f32 v43, v44  }
0x7f: {  	v53 =	vsel vm14, v44, v35;
	v42 =	vpop (erf)  }
0x80: {  	v36 =	vsub.f32 v36, v53;
	v43 =	vpop (erf)  }
0x81: {  	v54 =	vpop (erf)  }
0x82: {  	v36 =	vmul.f32 v36, v54;
	_ =	sdelay $0x1  }
0x83: {  	v36 =	vmul.f32 $7.071067690e-01, v36;
	_ =	sdelay $0x1  }
0x84: {  	v55 =	vand.u32 $0x7FFFFFFF, v36  }
0x85: {  	v56 =	vsub.f32 $0.0e+00, v55  }
0x86: {  	v57 =	vmul.f32 $4.704700110e-01, v55  }
0x87: {  	v38 =	vmul.f32 v56, v55  }
0x88: {  	v58 =	vadd.f32 $1.000000000e+00, v57  }
0x89: {  	v38 =	vmul.f32 $1.442695020e+00, v38  }
0x8a: {  	(erf) = vrcp.f32 v58  }
0x8b: {  	(erf) = vpow2.f32 v38  }
0x8c: {  	(erf) = vrcp.f32 v34;
	_ =	sdelay $0x5  }
0x8d: {  	vm14 =	vgt.f32 v40, v44  }
0x8e: {  	v59 =	vsel vm14, v44, v35;
	v38 =	vpop (erf)  }
0x8f: {  	v32 =	vsub.f32 v32, v59;
	v40 =	vpop (erf)  }
0x90: {  	v60 =	vpop (erf)  }
0x91: {  	v32 =	vmul.f32 v32, v60;
	_ =	sdelay $0x1  }
0x92: {  	v32 =	vmul.f32 $7.071067690e-01, v32;
	_ =	sdelay $0x1  }
0x93: {  	v61 =	vand.u32 $0x7FFFFFFF, v32  }
0x94: {  	v62 =	vsub.f32 $0.0e+00, v61  }
0x95: {  	v63 =	vmul.f32 $4.704700110e-01, v61  }
0x96: {  	v34 =	vmul.f32 v62, v61  }
0x97: {  	v52 =	vadd.f32 $1.000000000e+00, v63  }
0x98: {  	v34 =	vmul.f32 $1.442695020e+00, v34  }
0x99: {  	(erf) = vrcp.f32 v52  }
0x9a: {  	(erf) = vpow2.f32 v34  }
0x9b: {  	(erf) = vrcp.f32 v31;
	_ =	sdelay $0x5  }
0x9c: {  	vm14 =	vgt.f32 v37, v44  }
0x9d: {  	v53 =	vsel vm14, v44, v35;
	v34 =	vpop (erf)  }
0x9e: {  	v29 =	vsub.f32 v29, v53;
	v37 =	vpop (erf)  }
0x9f: {  	v54 =	vpop (erf)  }
0xa0: {  	v29 =	vmul.f32 v29, v54;
	_ =	sdelay $0x1  }
0xa1: {  	v29 =	vmul.f32 $7.071067690e-01, v29;
	_ =	sdelay $0x1  }
0xa2: {  	v55 =	vand.u32 $0x7FFFFFFF, v29  }
0xa3: {  	v56 =	vsub.f32 $0.0e+00, v55  }
0xa4: {  	v57 =	vmul.f32 $4.704700110e-01, v55  }
0xa5: {  	v31 =	vmul.f32 v56, v55  }
0xa6: {  	v58 =	vadd.f32 $1.000000000e+00, v57  }
0xa7: {  	v31 =	vmul.f32 $1.442695020e+00, v31  }
0xa8: {  	(erf) = vrcp.f32 v58  }
0xa9: {  	(erf) = vpow2.f32 v31  }
0xaa: {  	(erf) = vrcp.f32 v28;
	_ =	sdelay $0x5  }
0xab: {  	vm14 =	vgt.f32 v33, v44  }
0xac: {  	v59 =	vsel vm14, v44, v35;
	v31 =	vpop (erf)  }
0xad: {  	v25 =	vsub.f32 v25, v59;
	v33 =	vpop (erf)  }
0xae: {  	v60 =	vpop (erf)  }
0xaf: {  	v25 =	vmul.f32 v25, v60;
	_ =	sdelay $0x1  }
0xb0: {  	v25 =	vmul.f32 $7.071067690e-01, v25;
	_ =	sdelay $0x1  }
0xb1: {  	v61 =	vand.u32 $0x7FFFFFFF, v25  }
0xb2: {  	v62 =	vsub.f32 $0.0e+00, v61  }
0xb3: {  	v63 =	vmul.f32 $4.704700110e-01, v61  }
0xb4: {  	v28 =	vmul.f32 v62, v61  }
0xb5: {  	v49 =	vadd.f32 $1.000000000e+00, v63  }
0xb6: {  	v28 =	vmul.f32 $1.442695020e+00, v28  }
0xb7: {  	(erf) = vrcp.f32 v49  }
0xb8: {  	(erf) = vpow2.f32 v28  }
0xb9: {  	(erf) = vrcp.f32 v24;
	_ =	sdelay $0x5  }
0xba: {  	vm14 =	vgt.f32 v30, v44  }
0xbb: {  	v50 =	vsel vm14, v44, v35;
	v28 =	vpop (erf)  }
0xbc: {  	v24 =	vsub.f32 v26, v50;
	v30 =	vpop (erf)  }
0xbd: {  	v51 =	vpop (erf)  }
0xbe: {  	v24 =	vmul.f32 v24, v51;
	_ =	sdelay $0x1  }
0xbf: {  	v24 =	vmul.f32 $7.071067690e-01, v24;
	_ =	sdelay $0x1  }
0xc0: {  	v52 =	vand.u32 $0x7FFFFFFF, v24  }
0xc1: {  	v53 =	vsub.f32 $0.0e+00, v52  }
0xc2: {  	v54 =	vmul.f32 $4.704700110e-01, v52  }
0xc3: {  	v26 =	vmul.f32 v53, v52  }
0xc4: {  	v56 =	vmul.f32 $7.478556030e-01, v45;
	v55 =	vadd.f32 $1.000000000e+00, v54  }
0xc5: {  	v58 =	vmul.f32 $7.478556030e-01, v42;
	v26 =	vmul.f32 $1.442695020e+00, v26  }
0xc6: {  	v57 =	vadd.f32 $-9.587980060e-02, v56;
	(erf) = vrcp.f32 v55  }
0xc7: {  	(erf) = vpow2.f32 v26;
	v26 =	vadd.f32 $-9.587980060e-02, v58  }
0xc8: {  	(erf) = vrcp.f32 v22;
	v22 =	vmul.f32 v57, v45  }
0xc9: {  	vm14 =	vgt.f32 v27, v44;
	v26 =	vmul.f32 v26, v42  }
0xca: {  	v27 =	vsel vm14, v44, v35;
	v22 =	vadd.f32 $3.480241890e-01, v22  }
0xcb: {  	v23 =	vsub.f32 v23, v27;
	v59 =	vmul.f32 $7.478556030e-01, v38;
	v26 =	vadd.f32 $3.480241890e-01, v26  }
0xcc: {  	vm14 =	vge.f32 v41, $0.0e+00;
	v48 =	vmul.f32 $7.478556030e-01, v34;
	v22 =	vmul.f32 v22, v45  }
0xcd: {  	v51 =	vmul.f32 $7.478556030e-01, v31;
	v45 =	vadd.f32 $-9.587980060e-02, v59;
	v26 =	vmul.f32 v26, v42  }
0xce: {  	v55 =	vmul.f32 $7.478556030e-01, v28;
	v42 =	vsub.f32 $1.000000000e+00, v21;
	v22 =	vmul.f32 v22, v46  }
0xcf: {  	v35 =	vpop (erf);
	v61 =	vmul.f32 v45, v38;
	v46 =	vnsel vm4, $0x0, v21;
	v26 =	vmul.f32 v26, v43  }
0xd0: {  	v43 =	vsel vm10, $0x0, v21;
	v41 =	vsel vm13, $0x0, v42;
	v57 =	vmul.f32 $7.478556030e-01, v35;
	v44 =	vpop (erf)  }
0xd1: {  	vm10 =	vge.f32 v32, $0.0e+00;
	v22 =	vsub.f32 $1.000000000e+00, v22;
	v27 =	vadd.f32 $3.480241890e-01, v61;
	v60 =	vpop (erf)  }
0xd2: {  	v32 =	vnsel vm9, $0x0, v42;
	v26 =	vsub.f32 $1.000000000e+00, v26;
	v23 =	vmul.f32 v23, v60  }
0xd3: {  	v62 =	vsub.f32 $0.0e+00, v22;
	v27 =	vmul.f32 v27, v38;
	v38 =	vadd.f32 $-9.587980060e-02, v48  }
0xd4: {  	vm13 =	vge.f32 v24, $0.0e+00;
	v60 =	vadd.f32 $-9.587980060e-02, v57;
	v50 =	vsub.f32 $0.0e+00, v26  }
0xd5: {  	v23 =	vmul.f32 $7.071067690e-01, v23;
	v22 =	vsel vm14, v22, v62;
	v27 =	vmul.f32 v27, v40  }
0xd6: {  	vm14 =	vge.f32 v39, $0.0e+00;
	v38 =	vmul.f32 v38, v34;
	v40 =	vnsel vm8, $0x0, v21  }
0xd7: {  	v39 =	vadd.f32 $-9.587980060e-02, v51;
	v26 =	vsel vm14, v26, v50;
	v63 =	vand.u32 $0x7FFFFFFF, v23  }
0xd8: {  	v22 =	vadd.f32 $1.000000000e+00, v22;
	v27 =	vsub.f32 $1.000000000e+00, v27;
	v47 =	vmul.f32 $4.704700110e-01, v63  }
0xd9: {  	v38 =	vadd.f32 $3.480241890e-01, v38;
	v54 =	vmul.f32 v39, v31;
	v39 =	vadd.f32 $-9.587980060e-02, v55  }
0xda: {  	vm14 =	vge.f32 v36, $0.0e+00;
	v26 =	vadd.f32 $1.000000000e+00, v26;
	v49 =	vadd.f32 $1.000000000e+00, v47  }
0xdb: {  	v53 =	vsub.f32 $0.0e+00, v63;
	v22 =	vmul.f32 $5.000000000e-01, v22;
	v52 =	vsub.f32 $0.0e+00, v27  }
0xdc: {  	v34 =	vmul.f32 v38, v34;
	v36 =	vadd.f32 $3.480241890e-01, v54;
	(erf) = vrcp.f32 v49  }
0xdd: {  	v59 =	vmul.f32 v39, v28;
	v38 =	vmul.f32 v60, v35;
	v47 =	vnsel vm12, $0x0, v42  }
0xde: {  	v56 =	vmul.f32 v53, v63;
	vm12 =	vge.f32 v25, $0.0e+00;
	v10 =	vadd.f32 v22, v10  }
0xdf: {  	v27 =	vsel vm14, v27, v52;
	v34 =	vmul.f32 v34, v37;
	v31 =	vmul.f32 v36, v31  }
0xe0: {  	v37 =	vnsel vm11, $0x0, v42;
	v36 =	vadd.f32 $3.480241890e-01, v59;
	vm11 =	vge.f32 v29, $0.0e+00  }
0xe1: {  	vm14 =	vge.f32 v23, $0.0e+00;
	v58 =	vmul.f32 $1.442695020e+00, v56;
	v49 =	vadd.f32 $3.480241890e-01, v38  }
0xe2: {  	v56 =	vnsel vm7, $0x0, v42;
	v38 =	vnsel vm0, $0x0, v21;
	v27 =	vadd.f32 $1.000000000e+00, v27  }
0xe3: {  	v34 =	vsub.f32 $1.000000000e+00, v34;
	v31 =	vmul.f32 v31, v33;
	v50 =	vmul.f32 v49, v35  }
0xe4: {  	v28 =	vmul.f32 v36, v28;
	v36 =	vnsel vm2, $0x0, v21;
	v48 =	vmul.f32 $5.000000000e-01, v27  }
0xe5: {  	v63 =	vsub.f32 $0.0e+00, v34;
	v31 =	vsub.f32 $1.000000000e+00, v31;
	v52 =	vmul.f32 v50, v44;
	v61 =	vpop (erf)  }
0xe6: {  	v44 =	vadd.f32 v47, v40;
	(erf) = vpow2.f32 v58;
	v62 =	vmul.f32 $7.478556030e-01, v61  }
0xe7: {  	v28 =	vmul.f32 v28, v30;
	v47 =	vadd.f32 v37, v46;
	v8 =	vadd.f32 v48, v8  }
0xe8: {  	v35 =	vnsel vm15, $0x0, v21;
	v51 =	vsub.f32 $0.0e+00, v31;
	v45 =	vadd.f32 $-9.587980060e-02, v62  }
0xe9: {  	v34 =	vsel vm10, v34, v63;
	v28 =	vsub.f32 $1.000000000e+00, v28;
	v29 =	vsub.f32 $1.000000000e+00, v52  }
0xea: {  	v50 =	vld [tilespmem:$0x1FFF0];
	v17 =	vadd.f32 v44, v17;
	v49 =	vadd.f32 $1.000000000e+00, v34;
	v33 =	vmul.f32 v45, v61  }
0xeb: {  	v63 =	vnsel vm5, $0x0, v42;
	v16 =	vadd.f32 v47, v16;
	v52 =	vadd.f32 v32, v36  }
0xec: {  	v30 =	vsel vm11, v31, v51;
	v54 =	vsub.f32 $0.0e+00, v28;
	v33 =	vadd.f32 $3.480241890e-01, v33  }
0xed: {  	v59 =	vsub.f32 $0.0e+00, v29;
	v51 =	vmul.f32 $5.000000000e-01, v49;
	v15 =	vadd.f32 v52, v15  }
0xee: {  	v28 =	vsel vm12, v28, v54;
	v58 =	vadd.f32 v41, v43;
	v53 =	vmul.f32 v33, v61  }
0xef: {  	vm15 =	vnez.u8 v50;
	v54 =	vadd.f32 $1.000000000e+00, v30;
	v29 =	vsel vm13, v29, v59;
	v55 =	vpop (erf)  }
0xf0: {  	v31 =	vnsel vm15, $0x0, v21;
	v7 =	vadd.f32 v51, v7;
	v57 =	vmul.f32 v53, v55  }
0xf1: {  	v18 =	vadd.f32 v58, v18;
	v58 =	vadd.f32 $1.000000000e+00, v28;
	v45 =	vmul.f32 $5.000000000e-01, v26  }
0xf2: {  	v33 =	vnsel vm1, $0x0, v21;
	v61 =	vnsel vm6, $0x0, v42;
	v60 =	vsub.f32 $1.000000000e+00, v57  }
0xf3: {  	v25 =	vadd.f32 v61, v38;
	v61 =	vmul.f32 $5.000000000e-01, v58;
	v53 =	vor.u32 s18, v0  }
0xf4: {  	v55 =	vadd.f32 v56, v33;
	v56 =	vor.u32 s18, v2;
	v62 =	vsub.f32 $0.0e+00, v60  }
0xf5: {  	v59 =	vnsel vm3, $0x0, v42;
	v9 =	vadd.f32 v45, v9;
	v13 =	vadd.f32 v25, v13  }
0xf6: {  	p0 =	sne.s32 s19, $0x1380;
	v5 =	vadd.f32 v61, v5;
	v14 =	vadd.f32 v55, v14;
	v23 =	vsel vm14, v60, v62  }
.Ltmp0:
0xf7: {  	v57 =	vmul.f32 $5.000000000e-01, v54;
	v60 =	vadd.f32 $1.000000000e+00, v29;
	v23 =	vadd.f32 $1.000000000e+00, v23;
	(pc) =	sbr.rel @p0 .LBB2_2-.Ltmp0, $4  }
0xf8: {  	s21 =	sshrl.u32 s21, $0x2;
	[tilespmem:v53+s13+$0x0] =	vst.idx.msk $0xffff, v19;
	v62 =	vadd.f32 v63, v35;
	v63 =	vadd.f32 v59, v31  }
0xf9: {  	s20 =	sor.u32 s20, s21;
	v6 =	vadd.f32 v57, v6;
	[tilespmem:v56+s13+$0x0] =	vst.idx.msk $0xffff, v20;
	v19 =	vmul.f32 $5.000000000e-01, v60;
	v20 =	vmul.f32 $5.000000000e-01, v23  }
0xfa: {  	[tilespmem:s20+$0x4100] =	vst v21;
	v12 =	vadd.f32 v62, v12;
	v11 =	vadd.f32 v63, v11  }
0xfb: {  	s17 =	sadd.s32 $0x10, s17;
	s19 =	sadd.s32 $0x80, s19;
	s18 =	sadd.s32 $0x20, s18;
	[tilespmem:s20+$0x4180] =	vst v42;
	v4 =	vadd.f32 v19, v4;
	v3 =	vadd.f32 v20, v3  }
0xfc: {  	(xrf2) =	vadd.scan.msk.f32 $0xffff, v18;
	_ =	sdelay $0x1  }
0xfd: {  	(xrf2) =	vadd.scan.msk.f32 $0xffff, v17;
	_ =	sdelay $0x1  }
0xfe: {  	(xrf2) =	vadd.scan.msk.f32 $0xffff, v16;
	_ =	sdelay $0x1  }
0xff: {  	(xrf2) =	vadd.scan.msk.f32 $0xffff, v15;
	_ =	sdelay $0x1  }
0x100: {  	(xrf2) =	vadd.scan.msk.f32 $0xffff, v14;
	_ =	sdelay $0x1  }
0x101: {  	v27, _, _ =	vpop (xrf2);
	(xrf2) =	vadd.scan.msk.f32 $0xffff, v13  }
0x102: {  	v28 =	vbroadcast v27, $0xF  }
0x103: {  	vm0 =	vmmov $0x1;
	v29, _, _ =	vpop (xrf2);
	(xrf2) =	vadd.scan.msk.f32 $0xffff, v12  }
0x104: {  	v31 =	vbroadcast v29, $0xF;
	v30 =	vnsel vm0, $0x0, v28  }
0x105: {  	vm13 =	vcmask $0x704;
	v32, _, _ =	vpop (xrf2);
	(xrf2) =	vadd.scan.msk.f32 $0xffff, v11;
	v12 =	vadd.f32 $0.0e+00, v30  }
0x106: {  	v34 =	vbroadcast v32, $0xF;
	v33 =	vnsel vm13, $0x0, v31  }
0x107: {  	vm14 =	vcmask $0xB08;
	v35, _, _ =	vpop (xrf2);
	(xrf2) =	vadd.scan.msk.f32 $0xffff, v10;
	v11 =	vadd.f32 v33, v12  }
0x108: {  	v36 =	vnsel vm14, $0x0, v34;
	v12 =	vbroadcast v35, $0xF  }
0x109: {  	vm15 =	vcmask $0xF0C;
	v37, _, _ =	vpop (xrf2);
	(xrf2) =	vadd.scan.msk.f32 $0xffff, v9;
	v10 =	vadd.f32 v36, v11  }
0x10a: {  	v38 =	vnsel vm15, $0x0, v12;
	v11 =	vbroadcast v37, $0xF  }
0x10b: {  	vm4 =	vcmask $0x1310;
	v9 =	vadd.f32 v38, v10;
	v39, _, _ =	vpop (xrf2);
	(xrf2) =	vadd.scan.msk.f32 $0xffff, v8  }
0x10c: {  	v40 =	vnsel vm4, $0x0, v11;
	v10 =	vbroadcast v39, $0xF  }
0x10d: {  	vm5 =	vcmask $0x1714;
	v41, _, _ =	vpop (xrf2);
	(xrf2) =	vadd.scan.msk.f32 $0xffff, v7;
	v8 =	vadd.f32 v40, v9  }
0x10e: {  	v9 =	vbroadcast v41, $0xF;
	v42 =	vnsel vm5, $0x0, v10  }
0x10f: {  	vm6 =	vcmask $0x1B18;
	v43, _, _ =	vpop (xrf2);
	(xrf2) =	vadd.scan.msk.f32 $0xffff, v6;
	v7 =	vadd.f32 v42, v8  }
0x110: {  	v44 =	vnsel vm6, $0x0, v9;
	v8 =	vbroadcast v43, $0xF  }
0x111: {  	vm7 =	vcmask $0x1F1C;
	v45, _, _ =	vpop (xrf2);
	(xrf2) =	vadd.scan.msk.f32 $0xffff, v5;
	v6 =	vadd.f32 v44, v7  }
0x112: {  	v46 =	vnsel vm7, $0x0, v8;
	v7 =	vbroadcast v45, $0xF  }
0x113: {  	vm8 =	vcmask $0x2320;
	v47, _, _ =	vpop (xrf2);
	(xrf2) =	vadd.scan.msk.f32 $0xffff, v4;
	v5 =	vadd.f32 v46, v6  }
0x114: {  	v48 =	vnsel vm8, $0x0, v7;
	v6 =	vbroadcast v47, $0xF  }
0x115: {  	vm9 =	vcmask $0x2724;
	v49, _, _ =	vpop (xrf2);
	v4 =	vadd.f32 v48, v5  }
0x116: {  	v50 =	vnsel vm9, $0x0, v6;
	v51 =	vbroadcast v49, $0xF  }
0x117: {  	vm10 =	vcmask $0x2B28;
	(xrf2) =	vadd.scan.msk.f32 $0xffff, v3;
	v52, _, _ =	vpop (xrf2);
	v4 =	vadd.f32 v50, v4  }
0x118: {  	v5 =	vbroadcast v52, $0xF;
	v3 =	vnsel vm10, $0x0, v51  }
0x119: {  	vm11 =	vcmask $0x2F2C;
	v53, _, _ =	vpop (xrf2);
	v3 =	vadd.f32 v3, v4  }
0x11a: {  	v55 =	vbroadcast v53, $0xF;
	v54 =	vnsel vm11, $0x0, v5  }
0x11b: {  	vm12 =	vcmask $0x3330;
	v56, _, _ =	vpop (xrf2);
	v3 =	vadd.f32 v54, v3  }
0x11c: {  	v58 =	vbroadcast v56, $0xF;
	v57 =	vnsel vm12, $0x0, v55  }
0x11d: {  	vm13 =	vcmask $0x3734;
	v59, _, _ =	vpop (xrf2);
	v3 =	vadd.f32 v57, v3  }
0x11e: {  	v61 =	vbroadcast v59, $0xF;
	v60 =	vnsel vm13, $0x0, v58  }
0x11f: {  	vm14 =	vcmask $0x3B38;
	v3 =	vadd.f32 v60, v3  }
0x120: {  	v62 =	vnsel vm14, $0x0, v61  }
0x121: {  	vm15 =	vmmov $0x7fff;
	v63, _, _ =	vpop (xrf2);
	v3 =	vadd.f32 v62, v3  }
0x122: {  	v4 =	vsel vm15, $0x0, v63  }
0x123: {  	v3 =	vadd.f32 v3, v4;
	_ =	sdelay $0x1  }
0x124: {  	[tilespmem:$0x4600] =	vst v3  }
0x125: {  	[hbm4b:s5+s2] =	stream.linear.scatter [tilespmem:s13], [sflag:$0x1], $0x500, $0x38;
	[tilespmem:$0x4680] =	vst v63  }
0x126: {  	_ =	swait.ge [sflag:s11], $0x500  }
0x127: {  	[sflag:s11] =	ssyncset.done $0x0  }
0x128: {  	[sflag:s11] =	ssyncadd.s32 $0xFFFFFB00  }
0x129: {  	[hbm4b:s6+s2] =	stream.linear.scatter [tilespmem:s14], [sflag:$0x1], $0x500, $0x38;
	[tilespmem:$0x4680] =	vst v63  }
0x12a: {  	s16 =	sadd.s32 $0x1, s16;
	_ =	swait.ge [sflag:s11], $0x500  }
0x12b: {  	p0 =	sne.s32 s16, s8;
	[sflag:s11] =	ssyncset.done $0x0  }
.Ltmp1:
0x12c: {  	[sflag:s11] =	ssyncadd.s32 $0xFFFFFB00;
	(pc) =	sbr.rel @p0 .LBB2_1-.Ltmp1, $4  }
0x12d: {  	[hbm4b:s7+s2] =	stream.linear.scatter [tilespmem:s15], [sflag:$0x1], $0x80, $0x38;
	[tilespmem:$0x4680] =	vst v63  }
0x12e: {  	_ =	swait.ge [sflag:s11], $0x80  }
0x12f: {  	[sflag:s11] =	ssyncset.done $0x0  }
0x130: {  	[sflag:s11] =	ssyncadd.s32 $0xFFFFFF80  }
0x131: {  	_ =	sfence.sel $0x180000  }
0x132: {  	[bflag:$0x0] =	sbarrier.arrive $0xFFFF  }
0x133: {  	p0 =	sne.s32 s0, $0x0;
	_ =	strace $0x90000047  }
0x134: {  	s0 =	sadd.s32 @!p0 $0x100000, s1;
	[bflag:$0x2] =	sbarrier.arrive $0xFFFF  }
0x135: {  	[sflag:s0] =	ssyncadd.tile.s32 @!p0 $0x1;
	_ =	shalt  }
.Lfunc_end2:
_tile_overlayer_lowered:
.L_overlay_start_2:
0x136: {  	(tag) =	ssettag $0x2  }
0x137: {  	s0 =	rddreg [dreg:$0x0];
	s2 =	stileid.u32  }
0x138: {  	s1 =	rddreg [dreg:$0x1];
	p0 =	sne.s32 s2, $0x0  }
0x139: {  	s3 =	rddreg [dreg:$0x2];
	[bflag:$0x3] =	sbarrier.arrive $0xFFFF;
	s2 =	simm.s32 @!p0 $0x1C01  }
0x13a: {  	[timem:s3], [sflag:s2] =	dma.local @!p0 [hbm:s0], s1  }
0x13b: {  	s0 =	simm.s32 @!p0 $0x1  }
0x13c: {  	_ =	swait.ge @!p0 [sflag:s0], s1  }
0x13d: {  	s1 =	ssub.s32 @!p0 $0x0, s1;
	[sflag:s0] =	ssyncset.done @!p0 $0x0  }
0x13e: {  	[sflag:s0] =	ssyncadd.s32 @!p0 s1  }
0x13f: {  	[bflag:$0x3] =	sbarrier.arrive $0xFFFF  }
0x140: {  	_ =	shalt  }

</sc_bundles>
